<compile_context>
chip_gen: v7x
topology: tpu7x:2x2x1
jax: 0.10.2.dev20260603
libtpu: 0.0.44.dev20260713+nightly
codegen_flags: <defaults>
</compile_context>

<pallas_src>
import functools

import jax
import jax.numpy as jnp
from jax import lax
from jax.experimental import pallas as pl
from jax.experimental.pallas import tpu as pltpu
from jax.experimental.pallas import tpu_sc as plsc

D_MODEL = 32
N_BATCH = 16384
N_SEQ = 50
N_TOKENS = N_BATCH * N_SEQ

_NC = 2
_NS = 16
_NW = _NC * _NS
_PER_W = N_TOKENS // _NW
_GRP = 512
_GPW = _PER_W // _GRP

_mesh = plsc.VectorSubcoreMesh(core_axis_name="c", subcore_axis_name="s")


@functools.partial(
    pl.kernel,
    out_type=jax.ShapeDtypeStruct((N_TOKENS, D_MODEL), jnp.float32),
    mesh=_mesh,
    scratch_types=[
        pltpu.VMEM((_PER_W,), jnp.int32),
        pltpu.VMEM((4, 128), jnp.int32),
        pltpu.VMEM((4, 128), jnp.int32),
        pltpu.VMEM((4, 128), jnp.int32),
        pltpu.VMEM((_GRP, D_MODEL), jnp.float32),
        pltpu.VMEM((_GRP, D_MODEL), jnp.float32),
        pltpu.SemaphoreType.DMA,
        pltpu.SemaphoreType.DMA,
        pltpu.SemaphoreType.DMA,
        pltpu.SemaphoreType.DMA,
    ],
    compiler_params=pltpu.CompilerParams(use_tc_tiling_on_sc=False),
)
def _sc_gather(idx_hbm, table_hbm, out_hbm,
               idx_v, jpat, oidx0, oidx1, rows0, rows1,
               g0, g1, s0, s1):
    wid = lax.axis_index("s") * _NC + lax.axis_index("c")
    base = wid * _PER_W
    gbase0 = wid * _GPW
    oidx = (oidx0, oidx1)
    rows = (rows0, rows1)
    gsem = (g0, g1)
    ssem = (s0, s1)
    iota = lax.iota(jnp.int32, 16)

    pltpu.sync_copy(idx_hbm.at[pl.ds(base, _PER_W)], idx_v)

    for k in range(4):
        for m in range(8):
            p = iota + (k * 128 + m * 16)
            jpat[k, pl.ds(m * 16, 16)] = lax.bitwise_or(
                lax.shift_left(lax.bitwise_and(p, 127), 2),
                lax.shift_right_logical(p, 7))

    def prep_oidx(g, b):
        off = (gbase0 + g) * _GRP
        for k in range(4):
            for m in range(8):
                sl = pl.ds(m * 16, 16)
                oidx[b][k, sl] = jpat[k, sl] + off

    def start_gather(g, b):
        pltpu.async_copy(
            table_hbm.at[idx_v.at[pl.ds(g * _GRP, _GRP)]], rows[b], gsem[b])

    def wait_gather(g, b):
        pltpu.make_async_copy(
            table_hbm.at[idx_v.at[pl.ds(g * _GRP, _GRP)]],
            rows[b], gsem[b]).wait()

    def start_scatters(b):
        for k in range(4):
            pltpu.async_copy(
                rows[b].at[pl.ds(k * 128, 128)],
                out_hbm.at[oidx[b].at[k]], ssem[b])

    def wait_scatters(b):
        for k in range(4):
            pltpu.make_async_copy(
                rows[b].at[pl.ds(k * 128, 128)],
                out_hbm.at[oidx[b].at[k]], ssem[b]).wait()

    prep_oidx(0, 0)
    start_gather(0, 0)

    def body(j, carry):
        g_even = 2 * j

        @pl.when(j > 0)
        def _():
            wait_scatters(1)
        prep_oidx(g_even + 1, 1)
        start_gather(g_even + 1, 1)

        wait_gather(g_even, 0)
        start_scatters(0)

        @pl.when(j < _GPW // 2 - 1)
        def _():
            wait_scatters(0)
            prep_oidx(g_even + 2, 0)
            start_gather(g_even + 2, 0)

        wait_gather(g_even + 1, 1)
        start_scatters(1)
        return carry

    lax.fori_loop(0, _GPW // 2, body, 0)
    wait_scatters(0)
    wait_scatters(1)


def _deint_body(g_ref, out_ref):
    eye = jnp.eye(D_MODEL, dtype=jnp.float32)
    pieces = []
    for gr in range(4):
        for q in range(4):
            blk = g_ref[0, gr * 128:(gr + 1) * 128,
                        q * D_MODEL:(q + 1) * D_MODEL]
            pieces.append(
                lax.dot_general(eye, blk, (((1,), (1,)), ((), ())),
                                precision=lax.Precision.HIGHEST,
                                preferred_element_type=jnp.float32))
    out_ref[0] = jnp.concatenate(pieces, axis=1)


def _deinterleave(g):
    return pl.pallas_call(
        _deint_body,
        grid=(N_SEQ, N_BATCH // 2048),
        in_specs=[pl.BlockSpec((1, 512, 128), lambda s, b: (s, b, 0))],
        out_specs=pl.BlockSpec((1, D_MODEL, 2048), lambda s, b: (s, 0, b)),
        out_shape=jax.ShapeDtypeStruct((N_SEQ, D_MODEL, N_BATCH),
                                       jnp.float32),
    )(g)


def kernel(token_ids, weight):
    idx_sm = token_ids.T.reshape(-1).astype(jnp.int32)
    g = _sc_gather(idx_sm, weight)
    out = _deinterleave(g.reshape(N_SEQ, N_BATCH // 4, 128))
    return out.transpose(2, 0, 1)

# --- scband reference (transcript-rebuilt; emitter-appended) ---
"""Pipeline reference for scband-embedding-89043261980768 (READ-ONLY COPY).

The authoritative reference and input builder live on the scoring server;
editing this copy changes nothing except your own understanding.
"""

import jax, jax.numpy as jnp
import numpy as np

VOCAB = 1000000
D_MODEL = 32

def setup_inputs(seed: int = 0) -> dict:
    key = jax.random.key(seed)
    k_idx, k_w = jax.random.split(key)
    token_ids = jax.random.randint(k_idx, (16384, 50), 0, VOCAB, dtype=jnp.int64)
    # trunc_normal_(mean=0, std=1, a=-3, b=3)
    weight = jax.random.truncated_normal(k_w, -3.0, 3.0, (VOCAB, D_MODEL), dtype=jnp.float32)
    return {"token_ids": token_ids, "weight": weight}

def reference(token_ids, weight):
    return jnp.take(weight, token_ids, axis=0)

if __name__ == "__main__":
    import jax
    _d = setup_inputs()
    print(jax.jit(kernel)(*tuple(_d.values())))

</pallas_src>

<mosaic_0001>
#map = affine_map<(d0, d1) -> (0)>
#map1 = affine_map<(d0, d1) -> (0, 0)>
module attributes {stable_mosaic.version = 14 : i64} {
  func.func @_sc_gather(%arg0: i32, %arg1: i32, %arg2: memref<819200xi32, #tpu.memory_space<hbm>>, %arg3: memref<1000000x32xf32, #tpu.memory_space<hbm>>, %arg4: memref<819200x32xf32, #tpu.memory_space<hbm>>, %arg5: memref<25600xi32, #tpu.memory_space<vmem>>, %arg6: memref<4x128xi32, #tpu.memory_space<vmem>>, %arg7: memref<4x128xi32, #tpu.memory_space<vmem>>, %arg8: memref<4x128xi32, #tpu.memory_space<vmem>>, %arg9: memref<512x32xf32, #tpu.memory_space<vmem>>, %arg10: memref<512x32xf32, #tpu.memory_space<vmem>>, %arg11: memref<!tpu.dma_semaphore, #tpu.memory_space<semaphore_mem>>, %arg12: memref<!tpu.dma_semaphore, #tpu.memory_space<semaphore_mem>>, %arg13: memref<!tpu.dma_semaphore, #tpu.memory_space<semaphore_mem>>, %arg14: memref<!tpu.dma_semaphore, #tpu.memory_space<semaphore_mem>>) attributes {dimension_semantics = [#tpu.dimension_semantics<core_parallel>, #tpu.dimension_semantics<subcore_parallel>], iteration_bounds = array<i64: 2, 16>, scalar_prefetch = 0 : i64, scratch_operands = 10 : i64, tpu.core_type = #tpu.core_type<sc_vector_subcore>, window_params = [{transform_indices = #map}, {transform_indices = #map1}, {transform_indices = #map1}]} {
    %mul3A = arith.constant 2 : i32
    %mul3A_0 = arith.muli %arg1, %mul3A : i32
    %add3A = arith.addi %mul3A_0, %arg0 : i32
    %mul3A_1 = arith.constant 25600 : i32
    %mul3A_2 = arith.muli %add3A, %mul3A_1 : i32
    %mul3A_3 = arith.constant 50 : i32
    %mul3A_4 = arith.muli %add3A, %mul3A_3 : i32
    %iota3A = tpu.iota {dimensions = array<i32: 0>} : vector<16xi32>
    "tpu.region"() ({
      %run_scoped3A = tpu.sem_alloc : memref<!tpu.dma_semaphore, #tpu.memory_space<semaphore_mem>>
      %dma_start3A_1115 = tpu.memref_slice %arg2[%mul3A_2] : memref<819200xi32, #tpu.memory_space<hbm>> -> memref<25600xi32, #tpu.memory_space<hbm>>
      %dma_start3A_1116 = tpu.memref_slice %arg2[%mul3A_2] : memref<819200xi32, #tpu.memory_space<hbm>> -> memref<25600xi32, #tpu.memory_space<hbm>>
      tpu.enqueue_dma source(%dma_start3A_1116 : memref<25600xi32, #tpu.memory_space<hbm>>) target(%arg5 : memref<25600xi32, #tpu.memory_space<vmem>>) target_semaphore(%run_scoped3A : memref<!tpu.dma_semaphore, #tpu.memory_space<semaphore_mem>>)
      %dma_wait3A_1117 = tpu.memref_slice %arg2[%mul3A_2] : memref<819200xi32, #tpu.memory_space<hbm>> -> memref<25600xi32, #tpu.memory_space<hbm>>
      %dma_wait3A_1118 = tpu.memref_slice %arg2[%mul3A_2] : memref<819200xi32, #tpu.memory_space<hbm>> -> memref<25600xi32, #tpu.memory_space<hbm>>
      tpu.wait_dma2 semaphore(%run_scoped3A : memref<!tpu.dma_semaphore, #tpu.memory_space<semaphore_mem>>) src(%dma_wait3A_1118 : memref<25600xi32, #tpu.memory_space<hbm>>) dst(%arg5 : memref<25600xi32, #tpu.memory_space<vmem>>)
      tpu.yield
    }) : () -> ()
    %add3A_5 = arith.constant 0 : i32
    %add3A_6 = vector.broadcast %add3A_5 : i32 to vector<16xi32>
    %add3A_7 = arith.addi %iota3A, %add3A_6 : vector<16xi32>
    %and3A = arith.constant 127 : i32
    %and3A_8 = vector.broadcast %and3A : i32 to vector<16xi32>
    %and3A_9 = arith.andi %add3A_7, %and3A_8 : vector<16xi32>
    %shift_left3A = arith.constant 2 : i32
    %shift_left3A_10 = vector.broadcast %shift_left3A : i32 to vector<16xi32>
    %shift_left3A_11 = arith.shli %and3A_9, %shift_left3A_10 : vector<16xi32>
    %shift_right_logical3A = arith.constant 7 : i32
    %shift_right_logical3A_12 = vector.broadcast %shift_right_logical3A : i32 to vector<16xi32>
    %shift_right_logical3A_13 = arith.shrui %add3A_7, %shift_right_logical3A_12 : vector<16xi32>
    %or3A = arith.ori %shift_left3A_11, %shift_right_logical3A_13 : vector<16xi32>
    %swap3A = arith.constant 0 : i32
    %swap3A_14 = arith.index_cast %swap3A : i32 to index
    %swap3A_15 = arith.constant 0 : index
    %swap3A_16 = tpu.vector_load %arg6[%swap3A_14, %swap3A_15] {strides = array<i32>} : memref<4x128xi32, #tpu.memory_space<vmem>>, vector<1x16xi32>,
    %swap3A_17 = vector.shape_cast %swap3A_16 : vector<1x16xi32> to vector<16xi32>
    %swap3A_18 = vector.shape_cast %or3A : vector<16xi32> to vector<1x16xi32>
    tpu.vector_store %arg6[%swap3A_14, %swap3A_15], %swap3A_18 {strides = array<i32>} : memref<4x128xi32, #tpu.memory_space<vmem>>, vector<1x16xi32>,
    %add3A_19 = arith.constant 16 : i32
    %add3A_20 = vector.broadcast %add3A_19 : i32 to vector<16xi32>
    %add3A_21 = arith.addi %iota3A, %add3A_20 : vector<16xi32>
    %and3A_22 = arith.constant 127 : i32
    %and3A_23 = vector.broadcast %and3A_22 : i32 to vector<16xi32>
    %and3A_24 = arith.andi %add3A_21, %and3A_23 : vector<16xi32>
    %shift_left3A_25 = arith.constant 2 : i32
    %shift_left3A_26 = vector.broadcast %shift_left3A_25 : i32 to vector<16xi32>
    %shift_left3A_27 = arith.shli %and3A_24, %shift_left3A_26 : vector<16xi32>
    %shift_right_logical3A_28 = arith.constant 7 : i32
    %shift_right_logical3A_29 = vector.broadcast %shift_right_logical3A_28 : i32 to vector<16xi32>
    %shift_right_logical3A_30 = arith.shrui %add3A_21, %shift_right_logical3A_29 : vector<16xi32>
    %or3A_31 = arith.ori %shift_left3A_27, %shift_right_logical3A_30 : vector<16xi32>
    %swap3A_32 = arith.constant 0 : i32
    %swap3A_33 = arith.index_cast %swap3A_32 : i32 to index
    %swap3A_34 = arith.constant 16 : index
    %swap3A_35 = tpu.vector_load %arg6[%swap3A_33, %swap3A_34] {strides = array<i32>} : memref<4x128xi32, #tpu.memory_space<vmem>>, vector<1x16xi32>,
    %swap3A_36 = vector.shape_cast %swap3A_35 : vector<1x16xi32> to vector<16xi32>
    %swap3A_37 = vector.shape_cast %or3A_31 : vector<16xi32> to vector<1x16xi32>
    tpu.vector_store %arg6[%swap3A_33, %swap3A_34], %swap3A_37 {strides = array<i32>} : memref<4x128xi32, #tpu.memory_space<vmem>>, vector<1x16xi32>,
    %add3A_38 = arith.constant 32 : i32
    %add3A_39 = vector.broadcast %add3A_38 : i32 to vector<16xi32>
    %add3A_40 = arith.addi %iota3A, %add3A_39 : vector<16xi32>
    %and3A_41 = arith.constant 127 : i32
    %and3A_42 = vector.broadcast %and3A_41 : i32 to vector<16xi32>
    %and3A_43 = arith.andi %add3A_40, %and3A_42 : vector<16xi32>
    %shift_left3A_44 = arith.constant 2 : i32
    %shift_left3A_45 = vector.broadcast %shift_left3A_44 : i32 to vector<16xi32>
    %shift_left3A_46 = arith.shli %and3A_43, %shift_left3A_45 : vector<16xi32>
    %shift_right_logical3A_47 = arith.constant 7 : i32
    %shift_right_logical3A_48 = vector.broadcast %shift_right_logical3A_47 : i32 to vector<16xi32>
    %shift_right_logical3A_49 = arith.shrui %add3A_40, %shift_right_logical3A_48 : vector<16xi32>
    %or3A_50 = arith.ori %shift_left3A_46, %shift_right_logical3A_49 : vector<16xi32>
    %swap3A_51 = arith.constant 0 : i32
    %swap3A_52 = arith.index_cast %swap3A_51 : i32 to index
    %swap3A_53 = arith.constant 32 : index
    %swap3A_54 = tpu.vector_load %arg6[%swap3A_52, %swap3A_53] {strides = array<i32>} : memref<4x128xi32, #tpu.memory_space<vmem>>, vector<1x16xi32>,
    %swap3A_55 = vector.shape_cast %swap3A_54 : vector<1x16xi32> to vector<16xi32>
    %swap3A_56 = vector.shape_cast %or3A_50 : vector<16xi32> to vector<1x16xi32>
    tpu.vector_store %arg6[%swap3A_52, %swap3A_53], %swap3A_56 {strides = array<i32>} : memref<4x128xi32, #tpu.memory_space<vmem>>, vector<1x16xi32>,
    %add3A_57 = arith.constant 48 : i32
    %add3A_58 = vector.broadcast %add3A_57 : i32 to vector<16xi32>
    %add3A_59 = arith.addi %iota3A, %add3A_58 : vector<16xi32>
    %and3A_60 = arith.constant 127 : i32
    %and3A_61 = vector.broadcast %and3A_60 : i32 to vector<16xi32>
    %and3A_62 = arith.andi %add3A_59, %and3A_61 : vector<16xi32>
    %shift_left3A_63 = arith.constant 2 : i32
    %shift_left3A_64 = vector.broadcast %shift_left3A_63 : i32 to vector<16xi32>
    %shift_left3A_65 = arith.shli %and3A_62, %shift_left3A_64 : vector<16xi32>
    %shift_right_logical3A_66 = arith.constant 7 : i32
    %shift_right_logical3A_67 = vector.broadcast %shift_right_logical3A_66 : i32 to vector<16xi32>
    %shift_right_logical3A_68 = arith.shrui %add3A_59, %shift_right_logical3A_67 : vector<16xi32>
    %or3A_69 = arith.ori %shift_left3A_65, %shift_right_logical3A_68 : vector<16xi32>
    %swap3A_70 = arith.constant 0 : i32
    %swap3A_71 = arith.index_cast %swap3A_70 : i32 to index
    %swap3A_72 = arith.constant 48 : index
    %swap3A_73 = tpu.vector_load %arg6[%swap3A_71, %swap3A_72] {strides = array<i32>} : memref<4x128xi32, #tpu.memory_space<vmem>>, vector<1x16xi32>,
    %swap3A_74 = vector.shape_cast %swap3A_73 : vector<1x16xi32> to vector<16xi32>
    %swap3A_75 = vector.shape_cast %or3A_69 : vector<16xi32> to vector<1x16xi32>
    tpu.vector_store %arg6[%swap3A_71, %swap3A_72], %swap3A_75 {strides = array<i32>} : memref<4x128xi32, #tpu.memory_space<vmem>>, vector<1x16xi32>,
    %add3A_76 = arith.constant 64 : i32
    %add3A_77 = vector.broadcast %add3A_76 : i32 to vector<16xi32>
    %add3A_78 = arith.addi %iota3A, %add3A_77 : vector<16xi32>
    %and3A_79 = arith.constant 127 : i32
    %and3A_80 = vector.broadcast %and3A_79 : i32 to vector<16xi32>
    %and3A_81 = arith.andi %add3A_78, %and3A_80 : vector<16xi32>
    %shift_left3A_82 = arith.constant 2 : i32
    %shift_left3A_83 = vector.broadcast %shift_left3A_82 : i32 to vector<16xi32>
    %shift_left3A_84 = arith.shli %and3A_81, %shift_left3A_83 : vector<16xi32>
    %shift_right_logical3A_85 = arith.constant 7 : i32
    %shift_right_logical3A_86 = vector.broadcast %shift_right_logical3A_85 : i32 to vector<16xi32>
    %shift_right_logical3A_87 = arith.shrui %add3A_78, %shift_right_logical3A_86 : vector<16xi32>
    %or3A_88 = arith.ori %shift_left3A_84, %shift_right_logical3A_87 : vector<16xi32>
    %swap3A_89 = arith.constant 0 : i32
    %swap3A_90 = arith.index_cast %swap3A_89 : i32 to index
    %swap3A_91 = arith.constant 64 : index
    %swap3A_92 = tpu.vector_load %arg6[%swap3A_90, %swap3A_91] {strides = array<i32>} : memref<4x128xi32, #tpu.memory_space<vmem>>, vector<1x16xi32>,
    %swap3A_93 = vector.shape_cast %swap3A_92 : vector<1x16xi32> to vector<16xi32>
    %swap3A_94 = vector.shape_cast %or3A_88 : vector<16xi32> to vector<1x16xi32>
    tpu.vector_store %arg6[%swap3A_90, %swap3A_91], %swap3A_94 {strides = array<i32>} : memref<4x128xi32, #tpu.memory_space<vmem>>, vector<1x16xi32>,
    %add3A_95 = arith.constant 80 : i32
    %add3A_96 = vector.broadcast %add3A_95 : i32 to vector<16xi32>
    %add3A_97 = arith.addi %iota3A, %add3A_96 : vector<16xi32>
    %and3A_98 = arith.constant 127 : i32
    %and3A_99 = vector.broadcast %and3A_98 : i32 to vector<16xi32>
    %and3A_100 = arith.andi %add3A_97, %and3A_99 : vector<16xi32>
    %shift_left3A_101 = arith.constant 2 : i32
    %shift_left3A_102 = vector.broadcast %shift_left3A_101 : i32 to vector<16xi32>
    %shift_left3A_103 = arith.shli %and3A_100, %shift_left3A_102 : vector<16xi32>
    %shift_right_logical3A_104 = arith.constant 7 : i32
    %shift_right_logical3A_105 = vector.broadcast %shift_right_logical3A_104 : i32 to vector<16xi32>
    %shift_right_logical3A_106 = arith.shrui %add3A_97, %shift_right_logical3A_105 : vector<16xi32>
    %or3A_107 = arith.ori %shift_left3A_103, %shift_right_logical3A_106 : vector<16xi32>
    %swap3A_108 = arith.constant 0 : i32
    %swap3A_109 = arith.index_cast %swap3A_108 : i32 to index
    %swap3A_110 = arith.constant 80 : index
    %swap3A_111 = tpu.vector_load %arg6[%swap3A_109, %swap3A_110] {strides = array<i32>} : memref<4x128xi32, #tpu.memory_space<vmem>>, vector<1x16xi32>,
    %swap3A_112 = vector.shape_cast %swap3A_111 : vector<1x16xi32> to vector<16xi32>
    %swap3A_113 = vector.shape_cast %or3A_107 : vector<16xi32> to vector<1x16xi32>
    tpu.vector_store %arg6[%swap3A_109, %swap3A_110], %swap3A_113 {strides = array<i32>} : memref<4x128xi32, #tpu.memory_space<vmem>>, vector<1x16xi32>,
    %add3A_114 = arith.constant 96 : i32
    %add3A_115 = vector.broadcast %add3A_114 : i32 to vector<16xi32>
    %add3A_116 = arith.addi %iota3A, %add3A_115 : vector<16xi32>
    %and3A_117 = arith.constant 127 : i32
    %and3A_118 = vector.broadcast %and3A_117 : i32 to vector<16xi32>
    %and3A_119 = arith.andi %add3A_116, %and3A_118 : vector<16xi32>
    %shift_left3A_120 = arith.constant 2 : i32
    %shift_left3A_121 = vector.broadcast %shift_left3A_120 : i32 to vector<16xi32>
    %shift_left3A_122 = arith.shli %and3A_119, %shift_left3A_121 : vector<16xi32>
    %shift_right_logical3A_123 = arith.constant 7 : i32
    %shift_right_logical3A_124 = vector.broadcast %shift_right_logical3A_123 : i32 to vector<16xi32>
    %shift_right_logical3A_125 = arith.shrui %add3A_116, %shift_right_logical3A_124 : vector<16xi32>
    %or3A_126 = arith.ori %shift_left3A_122, %shift_right_logical3A_125 : vector<16xi32>
    %swap3A_127 = arith.constant 0 : i32
    %swap3A_128 = arith.index_cast %swap3A_127 : i32 to index
    %swap3A_129 = arith.constant 96 : index
    %swap3A_130 = tpu.vector_load %arg6[%swap3A_128, %swap3A_129] {strides = array<i32>} : memref<4x128xi32, #tpu.memory_space<vmem>>, vector<1x16xi32>,
    %swap3A_131 = vector.shape_cast %swap3A_130 : vector<1x16xi32> to vector<16xi32>
    %swap3A_132 = vector.shape_cast %or3A_126 : vector<16xi32> to vector<1x16xi32>
    tpu.vector_store %arg6[%swap3A_128, %swap3A_129], %swap3A_132 {strides = array<i32>} : memref<4x128xi32, #tpu.memory_space<vmem>>, vector<1x16xi32>,
    %add3A_133 = arith.constant 112 : i32
    %add3A_134 = vector.broadcast %add3A_133 : i32 to vector<16xi32>
    %add3A_135 = arith.addi %iota3A, %add3A_134 : vector<16xi32>
    %and3A_136 = arith.constant 127 : i32
    %and3A_137 = vector.broadcast %and3A_136 : i32 to vector<16xi32>
    %and3A_138 = arith.andi %add3A_135, %and3A_137 : vector<16xi32>
    %shift_left3A_139 = arith.constant 2 : i32
    %shift_left3A_140 = vector.broadcast %shift_left3A_139 : i32 to vector<16xi32>
    %shift_left3A_141 = arith.shli %and3A_138, %shift_left3A_140 : vector<16xi32>
    %shift_right_logical3A_142 = arith.constant 7 : i32
    %shift_right_logical3A_143 = vector.broadcast %shift_right_logical3A_142 : i32 to vector<16xi32>
    %shift_right_logical3A_144 = arith.shrui %add3A_135, %shift_right_logical3A_143 : vector<16xi32>
    %or3A_145 = arith.ori %shift_left3A_141, %shift_right_logical3A_144 : vector<16xi32>
    %swap3A_146 = arith.constant 0 : i32
    %swap3A_147 = arith.index_cast %swap3A_146 : i32 to index
    %swap3A_148 = arith.constant 112 : index
    %swap3A_149 = tpu.vector_load %arg6[%swap3A_147, %swap3A_148] {strides = array<i32>} : memref<4x128xi32, #tpu.memory_space<vmem>>, vector<1x16xi32>,
    %swap3A_150 = vector.shape_cast %swap3A_149 : vector<1x16xi32> to vector<16xi32>
    %swap3A_151 = vector.shape_cast %or3A_145 : vector<16xi32> to vector<1x16xi32>
    tpu.vector_store %arg6[%swap3A_147, %swap3A_148], %swap3A_151 {strides = array<i32>} : memref<4x128xi32, #tpu.memory_space<vmem>>, vector<1x16xi32>,
    %add3A_152 = arith.constant 128 : i32
    %add3A_153 = vector.broadcast %add3A_152 : i32 to vector<16xi32>
    %add3A_154 = arith.addi %iota3A, %add3A_153 : vector<16xi32>
    %and3A_155 = arith.constant 127 : i32
    %and3A_156 = vector.broadcast %and3A_155 : i32 to vector<16xi32>
    %and3A_157 = arith.andi %add3A_154, %and3A_156 : vector<16xi32>
    %shift_left3A_158 = arith.constant 2 : i32
    %shift_left3A_159 = vector.broadcast %shift_left3A_158 : i32 to vector<16xi32>
    %shift_left3A_160 = arith.shli %and3A_157, %shift_left3A_159 : vector<16xi32>
    %shift_right_logical3A_161 = arith.constant 7 : i32
    %shift_right_logical3A_162 = vector.broadcast %shift_right_logical3A_161 : i32 to vector<16xi32>
    %shift_right_logical3A_163 = arith.shrui %add3A_154, %shift_right_logical3A_162 : vector<16xi32>
    %or3A_164 = arith.ori %shift_left3A_160, %shift_right_logical3A_163 : vector<16xi32>
    %swap3A_165 = arith.constant 1 : i32
    %swap3A_166 = arith.index_cast %swap3A_165 : i32 to index
    %swap3A_167 = arith.constant 0 : index
    %swap3A_168 = tpu.vector_load %arg6[%swap3A_166, %swap3A_167] {strides = array<i32>} : memref<4x128xi32, #tpu.memory_space<vmem>>, vector<1x16xi32>,
    %swap3A_169 = vector.shape_cast %swap3A_168 : vector<1x16xi32> to vector<16xi32>
    %swap3A_170 = vector.shape_cast %or3A_164 : vector<16xi32> to vector<1x16xi32>
    tpu.vector_store %arg6[%swap3A_166, %swap3A_167], %swap3A_170 {strides = array<i32>} : memref<4x128xi32, #tpu.memory_space<vmem>>, vector<1x16xi32>,
    %add3A_171 = arith.constant 144 : i32
    %add3A_172 = vector.broadcast %add3A_171 : i32 to vector<16xi32>
    %add3A_173 = arith.addi %iota3A, %add3A_172 : vector<16xi32>
    %and3A_174 = arith.constant 127 : i32
    %and3A_175 = vector.broadcast %and3A_174 : i32 to vector<16xi32>
    %and3A_176 = arith.andi %add3A_173, %and3A_175 : vector<16xi32>
    %shift_left3A_177 = arith.constant 2 : i32
    %shift_left3A_178 = vector.broadcast %shift_left3A_177 : i32 to vector<16xi32>
    %shift_left3A_179 = arith.shli %and3A_176, %shift_left3A_178 : vector<16xi32>
    %shift_right_logical3A_180 = arith.constant 7 : i32
    %shift_right_logical3A_181 = vector.broadcast %shift_right_logical3A_180 : i32 to vector<16xi32>
    %shift_right_logical3A_182 = arith.shrui %add3A_173, %shift_right_logical3A_181 : vector<16xi32>
    %or3A_183 = arith.ori %shift_left3A_179, %shift_right_logical3A_182 : vector<16xi32>
    %swap3A_184 = arith.constant 1 : i32
    %swap3A_185 = arith.index_cast %swap3A_184 : i32 to index
    %swap3A_186 = arith.constant 16 : index
    %swap3A_187 = tpu.vector_load %arg6[%swap3A_185, %swap3A_186] {strides = array<i32>} : memref<4x128xi32, #tpu.memory_space<vmem>>, vector<1x16xi32>,
    %swap3A_188 = vector.shape_cast %swap3A_187 : vector<1x16xi32> to vector<16xi32>
    %swap3A_189 = vector.shape_cast %or3A_183 : vector<16xi32> to vector<1x16xi32>
    tpu.vector_store %arg6[%swap3A_185, %swap3A_186], %swap3A_189 {strides = array<i32>} : memref<4x128xi32, #tpu.memory_space<vmem>>, vector<1x16xi32>,
    %add3A_190 = arith.constant 160 : i32
    %add3A_191 = vector.broadcast %add3A_190 : i32 to vector<16xi32>
    %add3A_192 = arith.addi %iota3A, %add3A_191 : vector<16xi32>
    %and3A_193 = arith.constant 127 : i32
    %and3A_194 = vector.broadcast %and3A_193 : i32 to vector<16xi32>
    %and3A_195 = arith.andi %add3A_192, %and3A_194 : vector<16xi32>
    %shift_left3A_196 = arith.constant 2 : i32
    %shift_left3A_197 = vector.broadcast %shift_left3A_196 : i32 to vector<16xi32>
    %shift_left3A_198 = arith.shli %and3A_195, %shift_left3A_197 : vector<16xi32>
    %shift_right_logical3A_199 = arith.constant 7 : i32
    %shift_right_logical3A_200 = vector.broadcast %shift_right_logical3A_199 : i32 to vector<16xi32>
    %shift_right_logical3A_201 = arith.shrui %add3A_192, %shift_right_logical3A_200 : vector<16xi32>
    %or3A_202 = arith.ori %shift_left3A_198, %shift_right_logical3A_201 : vector<16xi32>
    %swap3A_203 = arith.constant 1 : i32
    %swap3A_204 = arith.index_cast %swap3A_203 : i32 to index
    %swap3A_205 = arith.constant 32 : index
    %swap3A_206 = tpu.vector_load %arg6[%swap3A_204, %swap3A_205] {strides = array<i32>} : memref<4x128xi32, #tpu.memory_space<vmem>>, vector<1x16xi32>,
    %swap3A_207 = vector.shape_cast %swap3A_206 : vector<1x16xi32> to vector<16xi32>
    %swap3A_208 = vector.shape_cast %or3A_202 : vector<16xi32> to vector<1x16xi32>
    tpu.vector_store %arg6[%swap3A_204, %swap3A_205], %swap3A_208 {strides = array<i32>} : memref<4x128xi32, #tpu.memory_space<vmem>>, vector<1x16xi32>,
    %add3A_209 = arith.constant 176 : i32
    %add3A_210 = vector.broadcast %add3A_209 : i32 to vector<16xi32>
    %add3A_211 = arith.addi %iota3A, %add3A_210 : vector<16xi32>
    %and3A_212 = arith.constant 127 : i32
    %and3A_213 = vector.broadcast %and3A_212 : i32 to vector<16xi32>
    %and3A_214 = arith.andi %add3A_211, %and3A_213 : vector<16xi32>
    %shift_left3A_215 = arith.constant 2 : i32
    %shift_left3A_216 = vector.broadcast %shift_left3A_215 : i32 to vector<16xi32>
    %shift_left3A_217 = arith.shli %and3A_214, %shift_left3A_216 : vector<16xi32>
    %shift_right_logical3A_218 = arith.constant 7 : i32
    %shift_right_logical3A_219 = vector.broadcast %shift_right_logical3A_218 : i32 to vector<16xi32>
    %shift_right_logical3A_220 = arith.shrui %add3A_211, %shift_right_logical3A_219 : vector<16xi32>
    %or3A_221 = arith.ori %shift_left3A_217, %shift_right_logical3A_220 : vector<16xi32>
    %swap3A_222 = arith.constant 1 : i32
    %swap3A_223 = arith.index_cast %swap3A_222 : i32 to index
    %swap3A_224 = arith.constant 48 : index
    %swap3A_225 = tpu.vector_load %arg6[%swap3A_223, %swap3A_224] {strides = array<i32>} : memref<4x128xi32, #tpu.memory_space<vmem>>, vector<1x16xi32>,
    %swap3A_226 = vector.shape_cast %swap3A_225 : vector<1x16xi32> to vector<16xi32>
    %swap3A_227 = vector.shape_cast %or3A_221 : vector<16xi32> to vector<1x16xi32>
    tpu.vector_store %arg6[%swap3A_223, %swap3A_224], %swap3A_227 {strides = array<i32>} : memref<4x128xi32, #tpu.memory_space<vmem>>, vector<1x16xi32>,
    %add3A_228 = arith.constant 192 : i32
    %add3A_229 = vector.broadcast %add3A_228 : i32 to vector<16xi32>
    %add3A_230 = arith.addi %iota3A, %add3A_229 : vector<16xi32>
    %and3A_231 = arith.constant 127 : i32
    %and3A_232 = vector.broadcast %and3A_231 : i32 to vector<16xi32>
    %and3A_233 = arith.andi %add3A_230, %and3A_232 : vector<16xi32>
    %shift_left3A_234 = arith.constant 2 : i32
    %shift_left3A_235 = vector.broadcast %shift_left3A_234 : i32 to vector<16xi32>
    %shift_left3A_236 = arith.shli %and3A_233, %shift_left3A_235 : vector<16xi32>
    %shift_right_logical3A_237 = arith.constant 7 : i32
    %shift_right_logical3A_238 = vector.broadcast %shift_right_logical3A_237 : i32 to vector<16xi32>
    %shift_right_logical3A_239 = arith.shrui %add3A_230, %shift_right_logical3A_238 : vector<16xi32>
    %or3A_240 = arith.ori %shift_left3A_236, %shift_right_logical3A_239 : vector<16xi32>
    %swap3A_241 = arith.constant 1 : i32
    %swap3A_242 = arith.index_cast %swap3A_241 : i32 to index
    %swap3A_243 = arith.constant 64 : index
    %swap3A_244 = tpu.vector_load %arg6[%swap3A_242, %swap3A_243] {strides = array<i32>} : memref<4x128xi32, #tpu.memory_space<vmem>>, vector<1x16xi32>,
    %swap3A_245 = vector.shape_cast %swap3A_244 : vector<1x16xi32> to vector<16xi32>
    %swap3A_246 = vector.shape_cast %or3A_240 : vector<16xi32> to vector<1x16xi32>
    tpu.vector_store %arg6[%swap3A_242, %swap3A_243], %swap3A_246 {strides = array<i32>} : memref<4x128xi32, #tpu.memory_space<vmem>>, vector<1x16xi32>,
    %add3A_247 = arith.constant 208 : i32
    %add3A_248 = vector.broadcast %add3A_247 : i32 to vector<16xi32>
    %add3A_249 = arith.addi %iota3A, %add3A_248 : vector<16xi32>
    %and3A_250 = arith.constant 127 : i32
    %and3A_251 = vector.broadcast %and3A_250 : i32 to vector<16xi32>
    %and3A_252 = arith.andi %add3A_249, %and3A_251 : vector<16xi32>
    %shift_left3A_253 = arith.constant 2 : i32
    %shift_left3A_254 = vector.broadcast %shift_left3A_253 : i32 to vector<16xi32>
    %shift_left3A_255 = arith.shli %and3A_252, %shift_left3A_254 : vector<16xi32>
    %shift_right_logical3A_256 = arith.constant 7 : i32
    %shift_right_logical3A_257 = vector.broadcast %shift_right_logical3A_256 : i32 to vector<16xi32>
    %shift_right_logical3A_258 = arith.shrui %add3A_249, %shift_right_logical3A_257 : vector<16xi32>
    %or3A_259 = arith.ori %shift_left3A_255, %shift_right_logical3A_258 : vector<16xi32>
    %swap3A_260 = arith.constant 1 : i32
    %swap3A_261 = arith.index_cast %swap3A_260 : i32 to index
    %swap3A_262 = arith.constant 80 : index
    %swap3A_263 = tpu.vector_load %arg6[%swap3A_261, %swap3A_262] {strides = array<i32>} : memref<4x128xi32, #tpu.memory_space<vmem>>, vector<1x16xi32>,
    %swap3A_264 = vector.shape_cast %swap3A_263 : vector<1x16xi32> to vector<16xi32>
    %swap3A_265 = vector.shape_cast %or3A_259 : vector<16xi32> to vector<1x16xi32>
    tpu.vector_store %arg6[%swap3A_261, %swap3A_262], %swap3A_265 {strides = array<i32>} : memref<4x128xi32, #tpu.memory_space<vmem>>, vector<1x16xi32>,
    %add3A_266 = arith.constant 224 : i32
    %add3A_267 = vector.broadcast %add3A_266 : i32 to vector<16xi32>
    %add3A_268 = arith.addi %iota3A, %add3A_267 : vector<16xi32>
    %and3A_269 = arith.constant 127 : i32
    %and3A_270 = vector.broadcast %and3A_269 : i32 to vector<16xi32>
    %and3A_271 = arith.andi %add3A_268, %and3A_270 : vector<16xi32>
    %shift_left3A_272 = arith.constant 2 : i32
    %shift_left3A_273 = vector.broadcast %shift_left3A_272 : i32 to vector<16xi32>
    %shift_left3A_274 = arith.shli %and3A_271, %shift_left3A_273 : vector<16xi32>
    %shift_right_logical3A_275 = arith.constant 7 : i32
    %shift_right_logical3A_276 = vector.broadcast %shift_right_logical3A_275 : i32 to vector<16xi32>
    %shift_right_logical3A_277 = arith.shrui %add3A_268, %shift_right_logical3A_276 : vector<16xi32>
    %or3A_278 = arith.ori %shift_left3A_274, %shift_right_logical3A_277 : vector<16xi32>
    %swap3A_279 = arith.constant 1 : i32
    %swap3A_280 = arith.index_cast %swap3A_279 : i32 to index
    %swap3A_281 = arith.constant 96 : index
    %swap3A_282 = tpu.vector_load %arg6[%swap3A_280, %swap3A_281] {strides = array<i32>} : memref<4x128xi32, #tpu.memory_space<vmem>>, vector<1x16xi32>,
    %swap3A_283 = vector.shape_cast %swap3A_282 : vector<1x16xi32> to vector<16xi32>
    %swap3A_284 = vector.shape_cast %or3A_278 : vector<16xi32> to vector<1x16xi32>
    tpu.vector_store %arg6[%swap3A_280, %swap3A_281], %swap3A_284 {strides = array<i32>} : memref<4x128xi32, #tpu.memory_space<vmem>>, vector<1x16xi32>,
    %add3A_285 = arith.constant 240 : i32
    %add3A_286 = vector.broadcast %add3A_285 : i32 to vector<16xi32>
    %add3A_287 = arith.addi %iota3A, %add3A_286 : vector<16xi32>
    %and3A_288 = arith.constant 127 : i32
    %and3A_289 = vector.broadcast %and3A_288 : i32 to vector<16xi32>
    %and3A_290 = arith.andi %add3A_287, %and3A_289 : vector<16xi32>
    %shift_left3A_291 = arith.constant 2 : i32
    %shift_left3A_292 = vector.broadcast %shift_left3A_291 : i32 to vector<16xi32>
    %shift_left3A_293 = arith.shli %and3A_290, %shift_left3A_292 : vector<16xi32>
    %shift_right_logical3A_294 = arith.constant 7 : i32
    %shift_right_logical3A_295 = vector.broadcast %shift_right_logical3A_294 : i32 to vector<16xi32>
    %shift_right_logical3A_296 = arith.shrui %add3A_287, %shift_right_logical3A_295 : vector<16xi32>
    %or3A_297 = arith.ori %shift_left3A_293, %shift_right_logical3A_296 : vector<16xi32>
    %swap3A_298 = arith.constant 1 : i32
    %swap3A_299 = arith.index_cast %swap3A_298 : i32 to index
    %swap3A_300 = arith.constant 112 : index
    %swap3A_301 = tpu.vector_load %arg6[%swap3A_299, %swap3A_300] {strides = array<i32>} : memref<4x128xi32, #tpu.memory_space<vmem>>, vector<1x16xi32>,
    %swap3A_302 = vector.shape_cast %swap3A_301 : vector<1x16xi32> to vector<16xi32>
    %swap3A_303 = vector.shape_cast %or3A_297 : vector<16xi32> to vector<1x16xi32>
    tpu.vector_store %arg6[%swap3A_299, %swap3A_300], %swap3A_303 {strides = array<i32>} : memref<4x128xi32, #tpu.memory_space<vmem>>, vector<1x16xi32>,
    %add3A_304 = arith.constant 256 : i32
    %add3A_305 = vector.broadcast %add3A_304 : i32 to vector<16xi32>
    %add3A_306 = arith.addi %iota3A, %add3A_305 : vector<16xi32>
    %and3A_307 = arith.constant 127 : i32
    %and3A_308 = vector.broadcast %and3A_307 : i32 to vector<16xi32>
    %and3A_309 = arith.andi %add3A_306, %and3A_308 : vector<16xi32>
    %shift_left3A_310 = arith.constant 2 : i32
    %shift_left3A_311 = vector.broadcast %shift_left3A_310 : i32 to vector<16xi32>
    %shift_left3A_312 = arith.shli %and3A_309, %shift_left3A_311 : vector<16xi32>
    %shift_right_logical3A_313 = arith.constant 7 : i32
    %shift_right_logical3A_314 = vector.broadcast %shift_right_logical3A_313 : i32 to vector<16xi32>
    %shift_right_logical3A_315 = arith.shrui %add3A_306, %shift_right_logical3A_314 : vector<16xi32>
    %or3A_316 = arith.ori %shift_left3A_312, %shift_right_logical3A_315 : vector<16xi32>
    %swap3A_317 = arith.constant 2 : i32
    %swap3A_318 = arith.index_cast %swap3A_317 : i32 to index
    %swap3A_319 = arith.constant 0 : index
    %swap3A_320 = tpu.vector_load %arg6[%swap3A_318, %swap3A_319] {strides = array<i32>} : memref<4x128xi32, #tpu.memory_space<vmem>>, vector<1x16xi32>,
    %swap3A_321 = vector.shape_cast %swap3A_320 : vector<1x16xi32> to vector<16xi32>
    %swap3A_322 = vector.shape_cast %or3A_316 : vector<16xi32> to vector<1x16xi32>
    tpu.vector_store %arg6[%swap3A_318, %swap3A_319], %swap3A_322 {strides = array<i32>} : memref<4x128xi32, #tpu.memory_space<vmem>>, vector<1x16xi32>,
    %add3A_323 = arith.constant 272 : i32
    %add3A_324 = vector.broadcast %add3A_323 : i32 to vector<16xi32>
    %add3A_325 = arith.addi %iota3A, %add3A_324 : vector<16xi32>
    %and3A_326 = arith.constant 127 : i32
    %and3A_327 = vector.broadcast %and3A_326 : i32 to vector<16xi32>
    %and3A_328 = arith.andi %add3A_325, %and3A_327 : vector<16xi32>
    %shift_left3A_329 = arith.constant 2 : i32
    %shift_left3A_330 = vector.broadcast %shift_left3A_329 : i32 to vector<16xi32>
    %shift_left3A_331 = arith.shli %and3A_328, %shift_left3A_330 : vector<16xi32>
    %shift_right_logical3A_332 = arith.constant 7 : i32
    %shift_right_logical3A_333 = vector.broadcast %shift_right_logical3A_332 : i32 to vector<16xi32>
    %shift_right_logical3A_334 = arith.shrui %add3A_325, %shift_right_logical3A_333 : vector<16xi32>
    %or3A_335 = arith.ori %shift_left3A_331, %shift_right_logical3A_334 : vector<16xi32>
    %swap3A_336 = arith.constant 2 : i32
    %swap3A_337 = arith.index_cast %swap3A_336 : i32 to index
    %swap3A_338 = arith.constant 16 : index
    %swap3A_339 = tpu.vector_load %arg6[%swap3A_337, %swap3A_338] {strides = array<i32>} : memref<4x128xi32, #tpu.memory_space<vmem>>, vector<1x16xi32>,
    %swap3A_340 = vector.shape_cast %swap3A_339 : vector<1x16xi32> to vector<16xi32>
    %swap3A_341 = vector.shape_cast %or3A_335 : vector<16xi32> to vector<1x16xi32>
    tpu.vector_store %arg6[%swap3A_337, %swap3A_338], %swap3A_341 {strides = array<i32>} : memref<4x128xi32, #tpu.memory_space<vmem>>, vector<1x16xi32>,
    %add3A_342 = arith.constant 288 : i32
    %add3A_343 = vector.broadcast %add3A_342 : i32 to vector<16xi32>
    %add3A_344 = arith.addi %iota3A, %add3A_343 : vector<16xi32>
    %and3A_345 = arith.constant 127 : i32
    %and3A_346 = vector.broadcast %and3A_345 : i32 to vector<16xi32>
    %and3A_347 = arith.andi %add3A_344, %and3A_346 : vector<16xi32>
    %shift_left3A_348 = arith.constant 2 : i32
    %shift_left3A_349 = vector.broadcast %shift_left3A_348 : i32 to vector<16xi32>
    %shift_left3A_350 = arith.shli %and3A_347, %shift_left3A_349 : vector<16xi32>
    %shift_right_logical3A_351 = arith.constant 7 : i32
    %shift_right_logical3A_352 = vector.broadcast %shift_right_logical3A_351 : i32 to vector<16xi32>
    %shift_right_logical3A_353 = arith.shrui %add3A_344, %shift_right_logical3A_352 : vector<16xi32>
    %or3A_354 = arith.ori %shift_left3A_350, %shift_right_logical3A_353 : vector<16xi32>
    %swap3A_355 = arith.constant 2 : i32
    %swap3A_356 = arith.index_cast %swap3A_355 : i32 to index
    %swap3A_357 = arith.constant 32 : index
    %swap3A_358 = tpu.vector_load %arg6[%swap3A_356, %swap3A_357] {strides = array<i32>} : memref<4x128xi32, #tpu.memory_space<vmem>>, vector<1x16xi32>,
    %swap3A_359 = vector.shape_cast %swap3A_358 : vector<1x16xi32> to vector<16xi32>
    %swap3A_360 = vector.shape_cast %or3A_354 : vector<16xi32> to vector<1x16xi32>
    tpu.vector_store %arg6[%swap3A_356, %swap3A_357], %swap3A_360 {strides = array<i32>} : memref<4x128xi32, #tpu.memory_space<vmem>>, vector<1x16xi32>,
    %add3A_361 = arith.constant 304 : i32
    %add3A_362 = vector.broadcast %add3A_361 : i32 to vector<16xi32>
    %add3A_363 = arith.addi %iota3A, %add3A_362 : vector<16xi32>
    %and3A_364 = arith.constant 127 : i32
    %and3A_365 = vector.broadcast %and3A_364 : i32 to vector<16xi32>
    %and3A_366 = arith.andi %add3A_363, %and3A_365 : vector<16xi32>
    %shift_left3A_367 = arith.constant 2 : i32
    %shift_left3A_368 = vector.broadcast %shift_left3A_367 : i32 to vector<16xi32>
    %shift_left3A_369 = arith.shli %and3A_366, %shift_left3A_368 : vector<16xi32>
    %shift_right_logical3A_370 = arith.constant 7 : i32
    %shift_right_logical3A_371 = vector.broadcast %shift_right_logical3A_370 : i32 to vector<16xi32>
    %shift_right_logical3A_372 = arith.shrui %add3A_363, %shift_right_logical3A_371 : vector<16xi32>
    %or3A_373 = arith.ori %shift_left3A_369, %shift_right_logical3A_372 : vector<16xi32>
    %swap3A_374 = arith.constant 2 : i32
    %swap3A_375 = arith.index_cast %swap3A_374 : i32 to index
    %swap3A_376 = arith.constant 48 : index
    %swap3A_377 = tpu.vector_load %arg6[%swap3A_375, %swap3A_376] {strides = array<i32>} : memref<4x128xi32, #tpu.memory_space<vmem>>, vector<1x16xi32>,
    %swap3A_378 = vector.shape_cast %swap3A_377 : vector<1x16xi32> to vector<16xi32>
    %swap3A_379 = vector.shape_cast %or3A_373 : vector<16xi32> to vector<1x16xi32>
    tpu.vector_store %arg6[%swap3A_375, %swap3A_376], %swap3A_379 {strides = array<i32>} : memref<4x128xi32, #tpu.memory_space<vmem>>, vector<1x16xi32>,
    %add3A_380 = arith.constant 320 : i32
    %add3A_381 = vector.broadcast %add3A_380 : i32 to vector<16xi32>
    %add3A_382 = arith.addi %iota3A, %add3A_381 : vector<16xi32>
    %and3A_383 = arith.constant 127 : i32
    %and3A_384 = vector.broadcast %and3A_383 : i32 to vector<16xi32>
    %and3A_385 = arith.andi %add3A_382, %and3A_384 : vector<16xi32>
    %shift_left3A_386 = arith.constant 2 : i32
    %shift_left3A_387 = vector.broadcast %shift_left3A_386 : i32 to vector<16xi32>
    %shift_left3A_388 = arith.shli %and3A_385, %shift_left3A_387 : vector<16xi32>
    %shift_right_logical3A_389 = arith.constant 7 : i32
    %shift_right_logical3A_390 = vector.broadcast %shift_right_logical3A_389 : i32 to vector<16xi32>
    %shift_right_logical3A_391 = arith.shrui %add3A_382, %shift_right_logical3A_390 : vector<16xi32>
    %or3A_392 = arith.ori %shift_left3A_388, %shift_right_logical3A_391 : vector<16xi32>
    %swap3A_393 = arith.constant 2 : i32
    %swap3A_394 = arith.index_cast %swap3A_393 : i32 to index
    %swap3A_395 = arith.constant 64 : index
    %swap3A_396 = tpu.vector_load %arg6[%swap3A_394, %swap3A_395] {strides = array<i32>} : memref<4x128xi32, #tpu.memory_space<vmem>>, vector<1x16xi32>,
    %swap3A_397 = vector.shape_cast %swap3A_396 : vector<1x16xi32> to vector<16xi32>
    %swap3A_398 = vector.shape_cast %or3A_392 : vector<16xi32> to vector<1x16xi32>
    tpu.vector_store %arg6[%swap3A_394, %swap3A_395], %swap3A_398 {strides = array<i32>} : memref<4x128xi32, #tpu.memory_space<vmem>>, vector<1x16xi32>,
    %add3A_399 = arith.constant 336 : i32
    %add3A_400 = vector.broadcast %add3A_399 : i32 to vector<16xi32>
    %add3A_401 = arith.addi %iota3A, %add3A_400 : vector<16xi32>
    %and3A_402 = arith.constant 127 : i32
    %and3A_403 = vector.broadcast %and3A_402 : i32 to vector<16xi32>
    %and3A_404 = arith.andi %add3A_401, %and3A_403 : vector<16xi32>
    %shift_left3A_405 = arith.constant 2 : i32
    %shift_left3A_406 = vector.broadcast %shift_left3A_405 : i32 to vector<16xi32>
    %shift_left3A_407 = arith.shli %and3A_404, %shift_left3A_406 : vector<16xi32>
    %shift_right_logical3A_408 = arith.constant 7 : i32
    %shift_right_logical3A_409 = vector.broadcast %shift_right_logical3A_408 : i32 to vector<16xi32>
    %shift_right_logical3A_410 = arith.shrui %add3A_401, %shift_right_logical3A_409 : vector<16xi32>
    %or3A_411 = arith.ori %shift_left3A_407, %shift_right_logical3A_410 : vector<16xi32>
    %swap3A_412 = arith.constant 2 : i32
    %swap3A_413 = arith.index_cast %swap3A_412 : i32 to index
    %swap3A_414 = arith.constant 80 : index
    %swap3A_415 = tpu.vector_load %arg6[%swap3A_413, %swap3A_414] {strides = array<i32>} : memref<4x128xi32, #tpu.memory_space<vmem>>, vector<1x16xi32>,
    %swap3A_416 = vector.shape_cast %swap3A_415 : vector<1x16xi32> to vector<16xi32>
    %swap3A_417 = vector.shape_cast %or3A_411 : vector<16xi32> to vector<1x16xi32>
    tpu.vector_store %arg6[%swap3A_413, %swap3A_414], %swap3A_417 {strides = array<i32>} : memref<4x128xi32, #tpu.memory_space<vmem>>, vector<1x16xi32>,
    %add3A_418 = arith.constant 352 : i32
    %add3A_419 = vector.broadcast %add3A_418 : i32 to vector<16xi32>
    %add3A_420 = arith.addi %iota3A, %add3A_419 : vector<16xi32>
    %and3A_421 = arith.constant 127 : i32
    %and3A_422 = vector.broadcast %and3A_421 : i32 to vector<16xi32>
    %and3A_423 = arith.andi %add3A_420, %and3A_422 : vector<16xi32>
    %shift_left3A_424 = arith.constant 2 : i32
    %shift_left3A_425 = vector.broadcast %shift_left3A_424 : i32 to vector<16xi32>
    %shift_left3A_426 = arith.shli %and3A_423, %shift_left3A_425 : vector<16xi32>
    %shift_right_logical3A_427 = arith.constant 7 : i32
    %shift_right_logical3A_428 = vector.broadcast %shift_right_logical3A_427 : i32 to vector<16xi32>
    %shift_right_logical3A_429 = arith.shrui %add3A_420, %shift_right_logical3A_428 : vector<16xi32>
    %or3A_430 = arith.ori %shift_left3A_426, %shift_right_logical3A_429 : vector<16xi32>
    %swap3A_431 = arith.constant 2 : i32
    %swap3A_432 = arith.index_cast %swap3A_431 : i32 to index
    %swap3A_433 = arith.constant 96 : index
    %swap3A_434 = tpu.vector_load %arg6[%swap3A_432, %swap3A_433] {strides = array<i32>} : memref<4x128xi32, #tpu.memory_space<vmem>>, vector<1x16xi32>,
    %swap3A_435 = vector.shape_cast %swap3A_434 : vector<1x16xi32> to vector<16xi32>
    %swap3A_436 = vector.shape_cast %or3A_430 : vector<16xi32> to vector<1x16xi32>
    tpu.vector_store %arg6[%swap3A_432, %swap3A_433], %swap3A_436 {strides = array<i32>} : memref<4x128xi32, #tpu.memory_space<vmem>>, vector<1x16xi32>,
    %add3A_437 = arith.constant 368 : i32
    %add3A_438 = vector.broadcast %add3A_437 : i32 to vector<16xi32>
    %add3A_439 = arith.addi %iota3A, %add3A_438 : vector<16xi32>
    %and3A_440 = arith.constant 127 : i32
    %and3A_441 = vector.broadcast %and3A_440 : i32 to vector<16xi32>
    %and3A_442 = arith.andi %add3A_439, %and3A_441 : vector<16xi32>
    %shift_left3A_443 = arith.constant 2 : i32
    %shift_left3A_444 = vector.broadcast %shift_left3A_443 : i32 to vector<16xi32>
    %shift_left3A_445 = arith.shli %and3A_442, %shift_left3A_444 : vector<16xi32>
    %shift_right_logical3A_446 = arith.constant 7 : i32
    %shift_right_logical3A_447 = vector.broadcast %shift_right_logical3A_446 : i32 to vector<16xi32>
    %shift_right_logical3A_448 = arith.shrui %add3A_439, %shift_right_logical3A_447 : vector<16xi32>
    %or3A_449 = arith.ori %shift_left3A_445, %shift_right_logical3A_448 : vector<16xi32>
    %swap3A_450 = arith.constant 2 : i32
    %swap3A_451 = arith.index_cast %swap3A_450 : i32 to index
    %swap3A_452 = arith.constant 112 : index
    %swap3A_453 = tpu.vector_load %arg6[%swap3A_451, %swap3A_452] {strides = array<i32>} : memref<4x128xi32, #tpu.memory_space<vmem>>, vector<1x16xi32>,
    %swap3A_454 = vector.shape_cast %swap3A_453 : vector<1x16xi32> to vector<16xi32>
    %swap3A_455 = vector.shape_cast %or3A_449 : vector<16xi32> to vector<1x16xi32>
    tpu.vector_store %arg6[%swap3A_451, %swap3A_452], %swap3A_455 {strides = array<i32>} : memref<4x128xi32, #tpu.memory_space<vmem>>, vector<1x16xi32>,
    %add3A_456 = arith.constant 384 : i32
    %add3A_457 = vector.broadcast %add3A_456 : i32 to vector<16xi32>
    %add3A_458 = arith.addi %iota3A, %add3A_457 : vector<16xi32>
    %and3A_459 = arith.constant 127 : i32
    %and3A_460 = vector.broadcast %and3A_459 : i32 to vector<16xi32>
    %and3A_461 = arith.andi %add3A_458, %and3A_460 : vector<16xi32>
    %shift_left3A_462 = arith.constant 2 : i32
    %shift_left3A_463 = vector.broadcast %shift_left3A_462 : i32 to vector<16xi32>
    %shift_left3A_464 = arith.shli %and3A_461, %shift_left3A_463 : vector<16xi32>
    %shift_right_logical3A_465 = arith.constant 7 : i32
    %shift_right_logical3A_466 = vector.broadcast %shift_right_logical3A_465 : i32 to vector<16xi32>
    %shift_right_logical3A_467 = arith.shrui %add3A_458, %shift_right_logical3A_466 : vector<16xi32>
    %or3A_468 = arith.ori %shift_left3A_464, %shift_right_logical3A_467 : vector<16xi32>
    %swap3A_469 = arith.constant 3 : i32
    %swap3A_470 = arith.index_cast %swap3A_469 : i32 to index
    %swap3A_471 = arith.constant 0 : index
    %swap3A_472 = tpu.vector_load %arg6[%swap3A_470, %swap3A_471] {strides = array<i32>} : memref<4x128xi32, #tpu.memory_space<vmem>>, vector<1x16xi32>,
    %swap3A_473 = vector.shape_cast %swap3A_472 : vector<1x16xi32> to vector<16xi32>
    %swap3A_474 = vector.shape_cast %or3A_468 : vector<16xi32> to vector<1x16xi32>
    tpu.vector_store %arg6[%swap3A_470, %swap3A_471], %swap3A_474 {strides = array<i32>} : memref<4x128xi32, #tpu.memory_space<vmem>>, vector<1x16xi32>,
    %add3A_475 = arith.constant 400 : i32
    %add3A_476 = vector.broadcast %add3A_475 : i32 to vector<16xi32>
    %add3A_477 = arith.addi %iota3A, %add3A_476 : vector<16xi32>
    %and3A_478 = arith.constant 127 : i32
    %and3A_479 = vector.broadcast %and3A_478 : i32 to vector<16xi32>
    %and3A_480 = arith.andi %add3A_477, %and3A_479 : vector<16xi32>
    %shift_left3A_481 = arith.constant 2 : i32
    %shift_left3A_482 = vector.broadcast %shift_left3A_481 : i32 to vector<16xi32>
    %shift_left3A_483 = arith.shli %and3A_480, %shift_left3A_482 : vector<16xi32>
    %shift_right_logical3A_484 = arith.constant 7 : i32
    %shift_right_logical3A_485 = vector.broadcast %shift_right_logical3A_484 : i32 to vector<16xi32>
    %shift_right_logical3A_486 = arith.shrui %add3A_477, %shift_right_logical3A_485 : vector<16xi32>
    %or3A_487 = arith.ori %shift_left3A_483, %shift_right_logical3A_486 : vector<16xi32>
    %swap3A_488 = arith.constant 3 : i32
    %swap3A_489 = arith.index_cast %swap3A_488 : i32 to index
    %swap3A_490 = arith.constant 16 : index
    %swap3A_491 = tpu.vector_load %arg6[%swap3A_489, %swap3A_490] {strides = array<i32>} : memref<4x128xi32, #tpu.memory_space<vmem>>, vector<1x16xi32>,
    %swap3A_492 = vector.shape_cast %swap3A_491 : vector<1x16xi32> to vector<16xi32>
    %swap3A_493 = vector.shape_cast %or3A_487 : vector<16xi32> to vector<1x16xi32>
    tpu.vector_store %arg6[%swap3A_489, %swap3A_490], %swap3A_493 {strides = array<i32>} : memref<4x128xi32, #tpu.memory_space<vmem>>, vector<1x16xi32>,
    %add3A_494 = arith.constant 416 : i32
    %add3A_495 = vector.broadcast %add3A_494 : i32 to vector<16xi32>
    %add3A_496 = arith.addi %iota3A, %add3A_495 : vector<16xi32>
    %and3A_497 = arith.constant 127 : i32
    %and3A_498 = vector.broadcast %and3A_497 : i32 to vector<16xi32>
    %and3A_499 = arith.andi %add3A_496, %and3A_498 : vector<16xi32>
    %shift_left3A_500 = arith.constant 2 : i32
    %shift_left3A_501 = vector.broadcast %shift_left3A_500 : i32 to vector<16xi32>
    %shift_left3A_502 = arith.shli %and3A_499, %shift_left3A_501 : vector<16xi32>
    %shift_right_logical3A_503 = arith.constant 7 : i32
    %shift_right_logical3A_504 = vector.broadcast %shift_right_logical3A_503 : i32 to vector<16xi32>
    %shift_right_logical3A_505 = arith.shrui %add3A_496, %shift_right_logical3A_504 : vector<16xi32>
    %or3A_506 = arith.ori %shift_left3A_502, %shift_right_logical3A_505 : vector<16xi32>
    %swap3A_507 = arith.constant 3 : i32
    %swap3A_508 = arith.index_cast %swap3A_507 : i32 to index
    %swap3A_509 = arith.constant 32 : index
    %swap3A_510 = tpu.vector_load %arg6[%swap3A_508, %swap3A_509] {strides = array<i32>} : memref<4x128xi32, #tpu.memory_space<vmem>>, vector<1x16xi32>,
    %swap3A_511 = vector.shape_cast %swap3A_510 : vector<1x16xi32> to vector<16xi32>
    %swap3A_512 = vector.shape_cast %or3A_506 : vector<16xi32> to vector<1x16xi32>
    tpu.vector_store %arg6[%swap3A_508, %swap3A_509], %swap3A_512 {strides = array<i32>} : memref<4x128xi32, #tpu.memory_space<vmem>>, vector<1x16xi32>,
    %add3A_513 = arith.constant 432 : i32
    %add3A_514 = vector.broadcast %add3A_513 : i32 to vector<16xi32>
    %add3A_515 = arith.addi %iota3A, %add3A_514 : vector<16xi32>
    %and3A_516 = arith.constant 127 : i32
    %and3A_517 = vector.broadcast %and3A_516 : i32 to vector<16xi32>
    %and3A_518 = arith.andi %add3A_515, %and3A_517 : vector<16xi32>
    %shift_left3A_519 = arith.constant 2 : i32
    %shift_left3A_520 = vector.broadcast %shift_left3A_519 : i32 to vector<16xi32>
    %shift_left3A_521 = arith.shli %and3A_518, %shift_left3A_520 : vector<16xi32>
    %shift_right_logical3A_522 = arith.constant 7 : i32
    %shift_right_logical3A_523 = vector.broadcast %shift_right_logical3A_522 : i32 to vector<16xi32>
    %shift_right_logical3A_524 = arith.shrui %add3A_515, %shift_right_logical3A_523 : vector<16xi32>
    %or3A_525 = arith.ori %shift_left3A_521, %shift_right_logical3A_524 : vector<16xi32>
    %swap3A_526 = arith.constant 3 : i32
    %swap3A_527 = arith.index_cast %swap3A_526 : i32 to index
    %swap3A_528 = arith.constant 48 : index
    %swap3A_529 = tpu.vector_load %arg6[%swap3A_527, %swap3A_528] {strides = array<i32>} : memref<4x128xi32, #tpu.memory_space<vmem>>, vector<1x16xi32>,
    %swap3A_530 = vector.shape_cast %swap3A_529 : vector<1x16xi32> to vector<16xi32>
    %swap3A_531 = vector.shape_cast %or3A_525 : vector<16xi32> to vector<1x16xi32>
    tpu.vector_store %arg6[%swap3A_527, %swap3A_528], %swap3A_531 {strides = array<i32>} : memref<4x128xi32, #tpu.memory_space<vmem>>, vector<1x16xi32>,
    %add3A_532 = arith.constant 448 : i32
    %add3A_533 = vector.broadcast %add3A_532 : i32 to vector<16xi32>
    %add3A_534 = arith.addi %iota3A, %add3A_533 : vector<16xi32>
    %and3A_535 = arith.constant 127 : i32
    %and3A_536 = vector.broadcast %and3A_535 : i32 to vector<16xi32>
    %and3A_537 = arith.andi %add3A_534, %and3A_536 : vector<16xi32>
    %shift_left3A_538 = arith.constant 2 : i32
    %shift_left3A_539 = vector.broadcast %shift_left3A_538 : i32 to vector<16xi32>
    %shift_left3A_540 = arith.shli %and3A_537, %shift_left3A_539 : vector<16xi32>
    %shift_right_logical3A_541 = arith.constant 7 : i32
    %shift_right_logical3A_542 = vector.broadcast %shift_right_logical3A_541 : i32 to vector<16xi32>
    %shift_right_logical3A_543 = arith.shrui %add3A_534, %shift_right_logical3A_542 : vector<16xi32>
    %or3A_544 = arith.ori %shift_left3A_540, %shift_right_logical3A_543 : vector<16xi32>
    %swap3A_545 = arith.constant 3 : i32
    %swap3A_546 = arith.index_cast %swap3A_545 : i32 to index
    %swap3A_547 = arith.constant 64 : index
    %swap3A_548 = tpu.vector_load %arg6[%swap3A_546, %swap3A_547] {strides = array<i32>} : memref<4x128xi32, #tpu.memory_space<vmem>>, vector<1x16xi32>,
    %swap3A_549 = vector.shape_cast %swap3A_548 : vector<1x16xi32> to vector<16xi32>
    %swap3A_550 = vector.shape_cast %or3A_544 : vector<16xi32> to vector<1x16xi32>
    tpu.vector_store %arg6[%swap3A_546, %swap3A_547], %swap3A_550 {strides = array<i32>} : memref<4x128xi32, #tpu.memory_space<vmem>>, vector<1x16xi32>,
    %add3A_551 = arith.constant 464 : i32
    %add3A_552 = vector.broadcast %add3A_551 : i32 to vector<16xi32>
    %add3A_553 = arith.addi %iota3A, %add3A_552 : vector<16xi32>
    %and3A_554 = arith.constant 127 : i32
    %and3A_555 = vector.broadcast %and3A_554 : i32 to vector<16xi32>
    %and3A_556 = arith.andi %add3A_553, %and3A_555 : vector<16xi32>
    %shift_left3A_557 = arith.constant 2 : i32
    %shift_left3A_558 = vector.broadcast %shift_left3A_557 : i32 to vector<16xi32>
    %shift_left3A_559 = arith.shli %and3A_556, %shift_left3A_558 : vector<16xi32>
    %shift_right_logical3A_560 = arith.constant 7 : i32
    %shift_right_logical3A_561 = vector.broadcast %shift_right_logical3A_560 : i32 to vector<16xi32>
    %shift_right_logical3A_562 = arith.shrui %add3A_553, %shift_right_logical3A_561 : vector<16xi32>
    %or3A_563 = arith.ori %shift_left3A_559, %shift_right_logical3A_562 : vector<16xi32>
    %swap3A_564 = arith.constant 3 : i32
    %swap3A_565 = arith.index_cast %swap3A_564 : i32 to index
    %swap3A_566 = arith.constant 80 : index
    %swap3A_567 = tpu.vector_load %arg6[%swap3A_565, %swap3A_566] {strides = array<i32>} : memref<4x128xi32, #tpu.memory_space<vmem>>, vector<1x16xi32>,
    %swap3A_568 = vector.shape_cast %swap3A_567 : vector<1x16xi32> to vector<16xi32>
    %swap3A_569 = vector.shape_cast %or3A_563 : vector<16xi32> to vector<1x16xi32>
    tpu.vector_store %arg6[%swap3A_565, %swap3A_566], %swap3A_569 {strides = array<i32>} : memref<4x128xi32, #tpu.memory_space<vmem>>, vector<1x16xi32>,
    %add3A_570 = arith.constant 480 : i32
    %add3A_571 = vector.broadcast %add3A_570 : i32 to vector<16xi32>
    %add3A_572 = arith.addi %iota3A, %add3A_571 : vector<16xi32>
    %and3A_573 = arith.constant 127 : i32
    %and3A_574 = vector.broadcast %and3A_573 : i32 to vector<16xi32>
    %and3A_575 = arith.andi %add3A_572, %and3A_574 : vector<16xi32>
    %shift_left3A_576 = arith.constant 2 : i32
    %shift_left3A_577 = vector.broadcast %shift_left3A_576 : i32 to vector<16xi32>
    %shift_left3A_578 = arith.shli %and3A_575, %shift_left3A_577 : vector<16xi32>
    %shift_right_logical3A_579 = arith.constant 7 : i32
    %shift_right_logical3A_580 = vector.broadcast %shift_right_logical3A_579 : i32 to vector<16xi32>
    %shift_right_logical3A_581 = arith.shrui %add3A_572, %shift_right_logical3A_580 : vector<16xi32>
    %or3A_582 = arith.ori %shift_left3A_578, %shift_right_logical3A_581 : vector<16xi32>
    %swap3A_583 = arith.constant 3 : i32
    %swap3A_584 = arith.index_cast %swap3A_583 : i32 to index
    %swap3A_585 = arith.constant 96 : index
    %swap3A_586 = tpu.vector_load %arg6[%swap3A_584, %swap3A_585] {strides = array<i32>} : memref<4x128xi32, #tpu.memory_space<vmem>>, vector<1x16xi32>,
    %swap3A_587 = vector.shape_cast %swap3A_586 : vector<1x16xi32> to vector<16xi32>
    %swap3A_588 = vector.shape_cast %or3A_582 : vector<16xi32> to vector<1x16xi32>
    tpu.vector_store %arg6[%swap3A_584, %swap3A_585], %swap3A_588 {strides = array<i32>} : memref<4x128xi32, #tpu.memory_space<vmem>>, vector<1x16xi32>,
    %add3A_589 = arith.constant 496 : i32
    %add3A_590 = vector.broadcast %add3A_589 : i32 to vector<16xi32>
    %add3A_591 = arith.addi %iota3A, %add3A_590 : vector<16xi32>
    %and3A_592 = arith.constant 127 : i32
    %and3A_593 = vector.broadcast %and3A_592 : i32 to vector<16xi32>
    %and3A_594 = arith.andi %add3A_591, %and3A_593 : vector<16xi32>
    %shift_left3A_595 = arith.constant 2 : i32
    %shift_left3A_596 = vector.broadcast %shift_left3A_595 : i32 to vector<16xi32>
    %shift_left3A_597 = arith.shli %and3A_594, %shift_left3A_596 : vector<16xi32>
    %shift_right_logical3A_598 = arith.constant 7 : i32
    %shift_right_logical3A_599 = vector.broadcast %shift_right_logical3A_598 : i32 to vector<16xi32>
    %shift_right_logical3A_600 = arith.shrui %add3A_591, %shift_right_logical3A_599 : vector<16xi32>
    %or3A_601 = arith.ori %shift_left3A_597, %shift_right_logical3A_600 : vector<16xi32>
    %swap3A_602 = arith.constant 3 : i32
    %swap3A_603 = arith.index_cast %swap3A_602 : i32 to index
    %swap3A_604 = arith.constant 112 : index
    %swap3A_605 = tpu.vector_load %arg6[%swap3A_603, %swap3A_604] {strides = array<i32>} : memref<4x128xi32, #tpu.memory_space<vmem>>, vector<1x16xi32>,
    %swap3A_606 = vector.shape_cast %swap3A_605 : vector<1x16xi32> to vector<16xi32>
    %swap3A_607 = vector.shape_cast %or3A_601 : vector<16xi32> to vector<1x16xi32>
    tpu.vector_store %arg6[%swap3A_603, %swap3A_604], %swap3A_607 {strides = array<i32>} : memref<4x128xi32, #tpu.memory_space<vmem>>, vector<1x16xi32>,
    %add3A_608 = arith.constant 0 : i32
    %add3A_609 = arith.addi %mul3A_4, %add3A_608 : i32
    %mul3A_610 = arith.constant 512 : i32
    %mul3A_611 = arith.muli %add3A_609, %mul3A_610 : i32
    %get3A = arith.constant 0 : i32
    %get3A_612 = arith.index_cast %get3A : i32 to index
    %get3A_613 = arith.constant 0 : index
    %get3A_614 = tpu.vector_load %arg6[%get3A_612, %get3A_613] {strides = array<i32>} : memref<4x128xi32, #tpu.memory_space<vmem>>, vector<1x16xi32>,
    %get3A_615 = vector.shape_cast %get3A_614 : vector<1x16xi32> to vector<16xi32>
    %add3A_616 = vector.broadcast %mul3A_611 : i32 to vector<16xi32>
    %add3A_617 = arith.addi %get3A_615, %add3A_616 : vector<16xi32>
    %swap3A_618 = arith.constant 0 : i32
    %swap3A_619 = arith.index_cast %swap3A_618 : i32 to index
    %swap3A_620 = arith.constant 0 : index
    %swap3A_621 = tpu.vector_load %arg7[%swap3A_619, %swap3A_620] {strides = array<i32>} : memref<4x128xi32, #tpu.memory_space<vmem>>, vector<1x16xi32>,
    %swap3A_622 = vector.shape_cast %swap3A_621 : vector<1x16xi32> to vector<16xi32>
    %swap3A_623 = vector.shape_cast %add3A_617 : vector<16xi32> to vector<1x16xi32>
    tpu.vector_store %arg7[%swap3A_619, %swap3A_620], %swap3A_623 {strides = array<i32>} : memref<4x128xi32, #tpu.memory_space<vmem>>, vector<1x16xi32>,
    %get3A_624 = arith.constant 0 : i32
    %get3A_625 = arith.index_cast %get3A_624 : i32 to index
    %get3A_626 = arith.constant 16 : index
    %get3A_627 = tpu.vector_load %arg6[%get3A_625, %get3A_626] {strides = array<i32>} : memref<4x128xi32, #tpu.memory_space<vmem>>, vector<1x16xi32>,
    %get3A_628 = vector.shape_cast %get3A_627 : vector<1x16xi32> to vector<16xi32>
    %add3A_629 = vector.broadcast %mul3A_611 : i32 to vector<16xi32>
    %add3A_630 = arith.addi %get3A_628, %add3A_629 : vector<16xi32>
    %swap3A_631 = arith.constant 0 : i32
    %swap3A_632 = arith.index_cast %swap3A_631 : i32 to index
    %swap3A_633 = arith.constant 16 : index
    %swap3A_634 = tpu.vector_load %arg7[%swap3A_632, %swap3A_633] {strides = array<i32>} : memref<4x128xi32, #tpu.memory_space<vmem>>, vector<1x16xi32>,
    %swap3A_635 = vector.shape_cast %swap3A_634 : vector<1x16xi32> to vector<16xi32>
    %swap3A_636 = vector.shape_cast %add3A_630 : vector<16xi32> to vector<1x16xi32>
    tpu.vector_store %arg7[%swap3A_632, %swap3A_633], %swap3A_636 {strides = array<i32>} : memref<4x128xi32, #tpu.memory_space<vmem>>, vector<1x16xi32>,
    %get3A_637 = arith.constant 0 : i32
    %get3A_638 = arith.index_cast %get3A_637 : i32 to index
    %get3A_639 = arith.constant 32 : index
    %get3A_640 = tpu.vector_load %arg6[%get3A_638, %get3A_639] {strides = array<i32>} : memref<4x128xi32, #tpu.memory_space<vmem>>, vector<1x16xi32>,
    %get3A_641 = vector.shape_cast %get3A_640 : vector<1x16xi32> to vector<16xi32>
    %add3A_642 = vector.broadcast %mul3A_611 : i32 to vector<16xi32>
    %add3A_643 = arith.addi %get3A_641, %add3A_642 : vector<16xi32>
    %swap3A_644 = arith.constant 0 : i32
    %swap3A_645 = arith.index_cast %swap3A_644 : i32 to index
    %swap3A_646 = arith.constant 32 : index
    %swap3A_647 = tpu.vector_load %arg7[%swap3A_645, %swap3A_646] {strides = array<i32>} : memref<4x128xi32, #tpu.memory_space<vmem>>, vector<1x16xi32>,
    %swap3A_648 = vector.shape_cast %swap3A_647 : vector<1x16xi32> to vector<16xi32>
    %swap3A_649 = vector.shape_cast %add3A_643 : vector<16xi32> to vector<1x16xi32>
    tpu.vector_store %arg7[%swap3A_645, %swap3A_646], %swap3A_649 {strides = array<i32>} : memref<4x128xi32, #tpu.memory_space<vmem>>, vector<1x16xi32>,
    %get3A_650 = arith.constant 0 : i32
    %get3A_651 = arith.index_cast %get3A_650 : i32 to index
    %get3A_652 = arith.constant 48 : index
    %get3A_653 = tpu.vector_load %arg6[%get3A_651, %get3A_652] {strides = array<i32>} : memref<4x128xi32, #tpu.memory_space<vmem>>, vector<1x16xi32>,
    %get3A_654 = vector.shape_cast %get3A_653 : vector<1x16xi32> to vector<16xi32>
    %add3A_655 = vector.broadcast %mul3A_611 : i32 to vector<16xi32>
    %add3A_656 = arith.addi %get3A_654, %add3A_655 : vector<16xi32>
    %swap3A_657 = arith.constant 0 : i32
    %swap3A_658 = arith.index_cast %swap3A_657 : i32 to index
    %swap3A_659 = arith.constant 48 : index
    %swap3A_660 = tpu.vector_load %arg7[%swap3A_658, %swap3A_659] {strides = array<i32>} : memref<4x128xi32, #tpu.memory_space<vmem>>, vector<1x16xi32>,
    %swap3A_661 = vector.shape_cast %swap3A_660 : vector<1x16xi32> to vector<16xi32>
    %swap3A_662 = vector.shape_cast %add3A_656 : vector<16xi32> to vector<1x16xi32>
    tpu.vector_store %arg7[%swap3A_658, %swap3A_659], %swap3A_662 {strides = array<i32>} : memref<4x128xi32, #tpu.memory_space<vmem>>, vector<1x16xi32>,
    %get3A_663 = arith.constant 0 : i32
    %get3A_664 = arith.index_cast %get3A_663 : i32 to index
    %get3A_665 = arith.constant 64 : index
    %get3A_666 = tpu.vector_load %arg6[%get3A_664, %get3A_665] {strides = array<i32>} : memref<4x128xi32, #tpu.memory_space<vmem>>, vector<1x16xi32>,
    %get3A_667 = vector.shape_cast %get3A_666 : vector<1x16xi32> to vector<16xi32>
    %add3A_668 = vector.broadcast %mul3A_611 : i32 to vector<16xi32>
    %add3A_669 = arith.addi %get3A_667, %add3A_668 : vector<16xi32>
    %swap3A_670 = arith.constant 0 : i32
    %swap3A_671 = arith.index_cast %swap3A_670 : i32 to index
    %swap3A_672 = arith.constant 64 : index
    %swap3A_673 = tpu.vector_load %arg7[%swap3A_671, %swap3A_672] {strides = array<i32>} : memref<4x128xi32, #tpu.memory_space<vmem>>, vector<1x16xi32>,
    %swap3A_674 = vector.shape_cast %swap3A_673 : vector<1x16xi32> to vector<16xi32>
    %swap3A_675 = vector.shape_cast %add3A_669 : vector<16xi32> to vector<1x16xi32>
    tpu.vector_store %arg7[%swap3A_671, %swap3A_672], %swap3A_675 {strides = array<i32>} : memref<4x128xi32, #tpu.memory_space<vmem>>, vector<1x16xi32>,
    %get3A_676 = arith.constant 0 : i32
    %get3A_677 = arith.index_cast %get3A_676 : i32 to index
    %get3A_678 = arith.constant 80 : index
    %get3A_679 = tpu.vector_load %arg6[%get3A_677, %get3A_678] {strides = array<i32>} : memref<4x128xi32, #tpu.memory_space<vmem>>, vector<1x16xi32>,
    %get3A_680 = vector.shape_cast %get3A_679 : vector<1x16xi32> to vector<16xi32>
    %add3A_681 = vector.broadcast %mul3A_611 : i32 to vector<16xi32>
    %add3A_682 = arith.addi %get3A_680, %add3A_681 : vector<16xi32>
    %swap3A_683 = arith.constant 0 : i32
    %swap3A_684 = arith.index_cast %swap3A_683 : i32 to index
    %swap3A_685 = arith.constant 80 : index
    %swap3A_686 = tpu.vector_load %arg7[%swap3A_684, %swap3A_685] {strides = array<i32>} : memref<4x128xi32, #tpu.memory_space<vmem>>, vector<1x16xi32>,
    %swap3A_687 = vector.shape_cast %swap3A_686 : vector<1x16xi32> to vector<16xi32>
    %swap3A_688 = vector.shape_cast %add3A_682 : vector<16xi32> to vector<1x16xi32>
    tpu.vector_store %arg7[%swap3A_684, %swap3A_685], %swap3A_688 {strides = array<i32>} : memref<4x128xi32, #tpu.memory_space<vmem>>, vector<1x16xi32>,
    %get3A_689 = arith.constant 0 : i32
    %get3A_690 = arith.index_cast %get3A_689 : i32 to index
    %get3A_691 = arith.constant 96 : index
    %get3A_692 = tpu.vector_load %arg6[%get3A_690, %get3A_691] {strides = array<i32>} : memref<4x128xi32, #tpu.memory_space<vmem>>, vector<1x16xi32>,
    %get3A_693 = vector.shape_cast %get3A_692 : vector<1x16xi32> to vector<16xi32>
    %add3A_694 = vector.broadcast %mul3A_611 : i32 to vector<16xi32>
    %add3A_695 = arith.addi %get3A_693, %add3A_694 : vector<16xi32>
    %swap3A_696 = arith.constant 0 : i32
    %swap3A_697 = arith.index_cast %swap3A_696 : i32 to index
    %swap3A_698 = arith.constant 96 : index
    %swap3A_699 = tpu.vector_load %arg7[%swap3A_697, %swap3A_698] {strides = array<i32>} : memref<4x128xi32, #tpu.memory_space<vmem>>, vector<1x16xi32>,
    %swap3A_700 = vector.shape_cast %swap3A_699 : vector<1x16xi32> to vector<16xi32>
    %swap3A_701 = vector.shape_cast %add3A_695 : vector<16xi32> to vector<1x16xi32>
    tpu.vector_store %arg7[%swap3A_697, %swap3A_698], %swap3A_701 {strides = array<i32>} : memref<4x128xi32, #tpu.memory_space<vmem>>, vector<1x16xi32>,
    %get3A_702 = arith.constant 0 : i32
    %get3A_703 = arith.index_cast %get3A_702 : i32 to index
    %get3A_704 = arith.constant 112 : index
    %get3A_705 = tpu.vector_load %arg6[%get3A_703, %get3A_704] {strides = array<i32>} : memref<4x128xi32, #tpu.memory_space<vmem>>, vector<1x16xi32>,
    %get3A_706 = vector.shape_cast %get3A_705 : vector<1x16xi32> to vector<16xi32>
    %add3A_707 = vector.broadcast %mul3A_611 : i32 to vector<16xi32>
    %add3A_708 = arith.addi %get3A_706, %add3A_707 : vector<16xi32>
    %swap3A_709 = arith.constant 0 : i32
    %swap3A_710 = arith.index_cast %swap3A_709 : i32 to index
    %swap3A_711 = arith.constant 112 : index
    %swap3A_712 = tpu.vector_load %arg7[%swap3A_710, %swap3A_711] {strides = array<i32>} : memref<4x128xi32, #tpu.memory_space<vmem>>, vector<1x16xi32>,
    %swap3A_713 = vector.shape_cast %swap3A_712 : vector<1x16xi32> to vector<16xi32>
    %swap3A_714 = vector.shape_cast %add3A_708 : vector<16xi32> to vector<1x16xi32>
    tpu.vector_store %arg7[%swap3A_710, %swap3A_711], %swap3A_714 {strides = array<i32>} : memref<4x128xi32, #tpu.memory_space<vmem>>, vector<1x16xi32>,
    %get3A_715 = arith.constant 1 : i32
    %get3A_716 = arith.index_cast %get3A_715 : i32 to index
    %get3A_717 = arith.constant 0 : index
    %get3A_718 = tpu.vector_load %arg6[%get3A_716, %get3A_717] {strides = array<i32>} : memref<4x128xi32, #tpu.memory_space<vmem>>, vector<1x16xi32>,
    %get3A_719 = vector.shape_cast %get3A_718 : vector<1x16xi32> to vector<16xi32>
    %add3A_720 = vector.broadcast %mul3A_611 : i32 to vector<16xi32>
    %add3A_721 = arith.addi %get3A_719, %add3A_720 : vector<16xi32>
    %swap3A_722 = arith.constant 1 : i32
    %swap3A_723 = arith.index_cast %swap3A_722 : i32 to index
    %swap3A_724 = arith.constant 0 : index
    %swap3A_725 = tpu.vector_load %arg7[%swap3A_723, %swap3A_724] {strides = array<i32>} : memref<4x128xi32, #tpu.memory_space<vmem>>, vector<1x16xi32>,
    %swap3A_726 = vector.shape_cast %swap3A_725 : vector<1x16xi32> to vector<16xi32>
    %swap3A_727 = vector.shape_cast %add3A_721 : vector<16xi32> to vector<1x16xi32>
    tpu.vector_store %arg7[%swap3A_723, %swap3A_724], %swap3A_727 {strides = array<i32>} : memref<4x128xi32, #tpu.memory_space<vmem>>, vector<1x16xi32>,
    %get3A_728 = arith.constant 1 : i32
    %get3A_729 = arith.index_cast %get3A_728 : i32 to index
    %get3A_730 = arith.constant 16 : index
    %get3A_731 = tpu.vector_load %arg6[%get3A_729, %get3A_730] {strides = array<i32>} : memref<4x128xi32, #tpu.memory_space<vmem>>, vector<1x16xi32>,
    %get3A_732 = vector.shape_cast %get3A_731 : vector<1x16xi32> to vector<16xi32>
    %add3A_733 = vector.broadcast %mul3A_611 : i32 to vector<16xi32>
    %add3A_734 = arith.addi %get3A_732, %add3A_733 : vector<16xi32>
    %swap3A_735 = arith.constant 1 : i32
    %swap3A_736 = arith.index_cast %swap3A_735 : i32 to index
    %swap3A_737 = arith.constant 16 : index
    %swap3A_738 = tpu.vector_load %arg7[%swap3A_736, %swap3A_737] {strides = array<i32>} : memref<4x128xi32, #tpu.memory_space<vmem>>, vector<1x16xi32>,
    %swap3A_739 = vector.shape_cast %swap3A_738 : vector<1x16xi32> to vector<16xi32>
    %swap3A_740 = vector.shape_cast %add3A_734 : vector<16xi32> to vector<1x16xi32>
    tpu.vector_store %arg7[%swap3A_736, %swap3A_737], %swap3A_740 {strides = array<i32>} : memref<4x128xi32, #tpu.memory_space<vmem>>, vector<1x16xi32>,
    %get3A_741 = arith.constant 1 : i32
    %get3A_742 = arith.index_cast %get3A_741 : i32 to index
    %get3A_743 = arith.constant 32 : index
    %get3A_744 = tpu.vector_load %arg6[%get3A_742, %get3A_743] {strides = array<i32>} : memref<4x128xi32, #tpu.memory_space<vmem>>, vector<1x16xi32>,
    %get3A_745 = vector.shape_cast %get3A_744 : vector<1x16xi32> to vector<16xi32>
    %add3A_746 = vector.broadcast %mul3A_611 : i32 to vector<16xi32>
    %add3A_747 = arith.addi %get3A_745, %add3A_746 : vector<16xi32>
    %swap3A_748 = arith.constant 1 : i32
    %swap3A_749 = arith.index_cast %swap3A_748 : i32 to index
    %swap3A_750 = arith.constant 32 : index
    %swap3A_751 = tpu.vector_load %arg7[%swap3A_749, %swap3A_750] {strides = array<i32>} : memref<4x128xi32, #tpu.memory_space<vmem>>, vector<1x16xi32>,
    %swap3A_752 = vector.shape_cast %swap3A_751 : vector<1x16xi32> to vector<16xi32>
    %swap3A_753 = vector.shape_cast %add3A_747 : vector<16xi32> to vector<1x16xi32>
    tpu.vector_store %arg7[%swap3A_749, %swap3A_750], %swap3A_753 {strides = array<i32>} : memref<4x128xi32, #tpu.memory_space<vmem>>, vector<1x16xi32>,
    %get3A_754 = arith.constant 1 : i32
    %get3A_755 = arith.index_cast %get3A_754 : i32 to index
    %get3A_756 = arith.constant 48 : index
    %get3A_757 = tpu.vector_load %arg6[%get3A_755, %get3A_756] {strides = array<i32>} : memref<4x128xi32, #tpu.memory_space<vmem>>, vector<1x16xi32>,
    %get3A_758 = vector.shape_cast %get3A_757 : vector<1x16xi32> to vector<16xi32>
    %add3A_759 = vector.broadcast %mul3A_611 : i32 to vector<16xi32>
    %add3A_760 = arith.addi %get3A_758, %add3A_759 : vector<16xi32>
    %swap3A_761 = arith.constant 1 : i32
    %swap3A_762 = arith.index_cast %swap3A_761 : i32 to index
    %swap3A_763 = arith.constant 48 : index
    %swap3A_764 = tpu.vector_load %arg7[%swap3A_762, %swap3A_763] {strides = array<i32>} : memref<4x128xi32, #tpu.memory_space<vmem>>, vector<1x16xi32>,
    %swap3A_765 = vector.shape_cast %swap3A_764 : vector<1x16xi32> to vector<16xi32>
    %swap3A_766 = vector.shape_cast %add3A_760 : vector<16xi32> to vector<1x16xi32>
    tpu.vector_store %arg7[%swap3A_762, %swap3A_763], %swap3A_766 {strides = array<i32>} : memref<4x128xi32, #tpu.memory_space<vmem>>, vector<1x16xi32>,
    %get3A_767 = arith.constant 1 : i32
    %get3A_768 = arith.index_cast %get3A_767 : i32 to index
    %get3A_769 = arith.constant 64 : index
    %get3A_770 = tpu.vector_load %arg6[%get3A_768, %get3A_769] {strides = array<i32>} : memref<4x128xi32, #tpu.memory_space<vmem>>, vector<1x16xi32>,
    %get3A_771 = vector.shape_cast %get3A_770 : vector<1x16xi32> to vector<16xi32>
    %add3A_772 = vector.broadcast %mul3A_611 : i32 to vector<16xi32>
    %add3A_773 = arith.addi %get3A_771, %add3A_772 : vector<16xi32>
    %swap3A_774 = arith.constant 1 : i32
    %swap3A_775 = arith.index_cast %swap3A_774 : i32 to index
    %swap3A_776 = arith.constant 64 : index
    %swap3A_777 = tpu.vector_load %arg7[%swap3A_775, %swap3A_776] {strides = array<i32>} : memref<4x128xi32, #tpu.memory_space<vmem>>, vector<1x16xi32>,
    %swap3A_778 = vector.shape_cast %swap3A_777 : vector<1x16xi32> to vector<16xi32>
    %swap3A_779 = vector.shape_cast %add3A_773 : vector<16xi32> to vector<1x16xi32>
    tpu.vector_store %arg7[%swap3A_775, %swap3A_776], %swap3A_779 {strides = array<i32>} : memref<4x128xi32, #tpu.memory_space<vmem>>, vector<1x16xi32>,
    %get3A_780 = arith.constant 1 : i32
    %get3A_781 = arith.index_cast %get3A_780 : i32 to index
    %get3A_782 = arith.constant 80 : index
    %get3A_783 = tpu.vector_load %arg6[%get3A_781, %get3A_782] {strides = array<i32>} : memref<4x128xi32, #tpu.memory_space<vmem>>, vector<1x16xi32>,
    %get3A_784 = vector.shape_cast %get3A_783 : vector<1x16xi32> to vector<16xi32>
    %add3A_785 = vector.broadcast %mul3A_611 : i32 to vector<16xi32>
    %add3A_786 = arith.addi %get3A_784, %add3A_785 : vector<16xi32>
    %swap3A_787 = arith.constant 1 : i32
    %swap3A_788 = arith.index_cast %swap3A_787 : i32 to index
    %swap3A_789 = arith.constant 80 : index
    %swap3A_790 = tpu.vector_load %arg7[%swap3A_788, %swap3A_789] {strides = array<i32>} : memref<4x128xi32, #tpu.memory_space<vmem>>, vector<1x16xi32>,
    %swap3A_791 = vector.shape_cast %swap3A_790 : vector<1x16xi32> to vector<16xi32>
    %swap3A_792 = vector.shape_cast %add3A_786 : vector<16xi32> to vector<1x16xi32>
    tpu.vector_store %arg7[%swap3A_788, %swap3A_789], %swap3A_792 {strides = array<i32>} : memref<4x128xi32, #tpu.memory_space<vmem>>, vector<1x16xi32>,
    %get3A_793 = arith.constant 1 : i32
    %get3A_794 = arith.index_cast %get3A_793 : i32 to index
    %get3A_795 = arith.constant 96 : index
    %get3A_796 = tpu.vector_load %arg6[%get3A_794, %get3A_795] {strides = array<i32>} : memref<4x128xi32, #tpu.memory_space<vmem>>, vector<1x16xi32>,
    %get3A_797 = vector.shape_cast %get3A_796 : vector<1x16xi32> to vector<16xi32>
    %add3A_798 = vector.broadcast %mul3A_611 : i32 to vector<16xi32>
    %add3A_799 = arith.addi %get3A_797, %add3A_798 : vector<16xi32>
    %swap3A_800 = arith.constant 1 : i32
    %swap3A_801 = arith.index_cast %swap3A_800 : i32 to index
    %swap3A_802 = arith.constant 96 : index
    %swap3A_803 = tpu.vector_load %arg7[%swap3A_801, %swap3A_802] {strides = array<i32>} : memref<4x128xi32, #tpu.memory_space<vmem>>, vector<1x16xi32>,
    %swap3A_804 = vector.shape_cast %swap3A_803 : vector<1x16xi32> to vector<16xi32>
    %swap3A_805 = vector.shape_cast %add3A_799 : vector<16xi32> to vector<1x16xi32>
    tpu.vector_store %arg7[%swap3A_801, %swap3A_802], %swap3A_805 {strides = array<i32>} : memref<4x128xi32, #tpu.memory_space<vmem>>, vector<1x16xi32>,
    %get3A_806 = arith.constant 1 : i32
    %get3A_807 = arith.index_cast %get3A_806 : i32 to index
    %get3A_808 = arith.constant 112 : index
    %get3A_809 = tpu.vector_load %arg6[%get3A_807, %get3A_808] {strides = array<i32>} : memref<4x128xi32, #tpu.memory_space<vmem>>, vector<1x16xi32>,
    %get3A_810 = vector.shape_cast %get3A_809 : vector<1x16xi32> to vector<16xi32>
    %add3A_811 = vector.broadcast %mul3A_611 : i32 to vector<16xi32>
    %add3A_812 = arith.addi %get3A_810, %add3A_811 : vector<16xi32>
    %swap3A_813 = arith.constant 1 : i32
    %swap3A_814 = arith.index_cast %swap3A_813 : i32 to index
    %swap3A_815 = arith.constant 112 : index
    %swap3A_816 = tpu.vector_load %arg7[%swap3A_814, %swap3A_815] {strides = array<i32>} : memref<4x128xi32, #tpu.memory_space<vmem>>, vector<1x16xi32>,
    %swap3A_817 = vector.shape_cast %swap3A_816 : vector<1x16xi32> to vector<16xi32>
    %swap3A_818 = vector.shape_cast %add3A_812 : vector<16xi32> to vector<1x16xi32>
    tpu.vector_store %arg7[%swap3A_814, %swap3A_815], %swap3A_818 {strides = array<i32>} : memref<4x128xi32, #tpu.memory_space<vmem>>, vector<1x16xi32>,
    %get3A_819 = arith.constant 2 : i32
    %get3A_820 = arith.index_cast %get3A_819 : i32 to index
    %get3A_821 = arith.constant 0 : index
    %get3A_822 = tpu.vector_load %arg6[%get3A_820, %get3A_821] {strides = array<i32>} : memref<4x128xi32, #tpu.memory_space<vmem>>, vector<1x16xi32>,
    %get3A_823 = vector.shape_cast %get3A_822 : vector<1x16xi32> to vector<16xi32>
    %add3A_824 = vector.broadcast %mul3A_611 : i32 to vector<16xi32>
    %add3A_825 = arith.addi %get3A_823, %add3A_824 : vector<16xi32>
    %swap3A_826 = arith.constant 2 : i32
    %swap3A_827 = arith.index_cast %swap3A_826 : i32 to index
    %swap3A_828 = arith.constant 0 : index
    %swap3A_829 = tpu.vector_load %arg7[%swap3A_827, %swap3A_828] {strides = array<i32>} : memref<4x128xi32, #tpu.memory_space<vmem>>, vector<1x16xi32>,
    %swap3A_830 = vector.shape_cast %swap3A_829 : vector<1x16xi32> to vector<16xi32>
    %swap3A_831 = vector.shape_cast %add3A_825 : vector<16xi32> to vector<1x16xi32>
    tpu.vector_store %arg7[%swap3A_827, %swap3A_828], %swap3A_831 {strides = array<i32>} : memref<4x128xi32, #tpu.memory_space<vmem>>, vector<1x16xi32>,
    %get3A_832 = arith.constant 2 : i32
    %get3A_833 = arith.index_cast %get3A_832 : i32 to index
    %get3A_834 = arith.constant 16 : index
    %get3A_835 = tpu.vector_load %arg6[%get3A_833, %get3A_834] {strides = array<i32>} : memref<4x128xi32, #tpu.memory_space<vmem>>, vector<1x16xi32>,
    %get3A_836 = vector.shape_cast %get3A_835 : vector<1x16xi32> to vector<16xi32>
    %add3A_837 = vector.broadcast %mul3A_611 : i32 to vector<16xi32>
    %add3A_838 = arith.addi %get3A_836, %add3A_837 : vector<16xi32>
    %swap3A_839 = arith.constant 2 : i32
    %swap3A_840 = arith.index_cast %swap3A_839 : i32 to index
    %swap3A_841 = arith.constant 16 : index
    %swap3A_842 = tpu.vector_load %arg7[%swap3A_840, %swap3A_841] {strides = array<i32>} : memref<4x128xi32, #tpu.memory_space<vmem>>, vector<1x16xi32>,
    %swap3A_843 = vector.shape_cast %swap3A_842 : vector<1x16xi32> to vector<16xi32>
    %swap3A_844 = vector.shape_cast %add3A_838 : vector<16xi32> to vector<1x16xi32>
    tpu.vector_store %arg7[%swap3A_840, %swap3A_841], %swap3A_844 {strides = array<i32>} : memref<4x128xi32, #tpu.memory_space<vmem>>, vector<1x16xi32>,
    %get3A_845 = arith.constant 2 : i32
    %get3A_846 = arith.index_cast %get3A_845 : i32 to index
    %get3A_847 = arith.constant 32 : index
    %get3A_848 = tpu.vector_load %arg6[%get3A_846, %get3A_847] {strides = array<i32>} : memref<4x128xi32, #tpu.memory_space<vmem>>, vector<1x16xi32>,
    %get3A_849 = vector.shape_cast %get3A_848 : vector<1x16xi32> to vector<16xi32>
    %add3A_850 = vector.broadcast %mul3A_611 : i32 to vector<16xi32>
    %add3A_851 = arith.addi %get3A_849, %add3A_850 : vector<16xi32>
    %swap3A_852 = arith.constant 2 : i32
    %swap3A_853 = arith.index_cast %swap3A_852 : i32 to index
    %swap3A_854 = arith.constant 32 : index
    %swap3A_855 = tpu.vector_load %arg7[%swap3A_853, %swap3A_854] {strides = array<i32>} : memref<4x128xi32, #tpu.memory_space<vmem>>, vector<1x16xi32>,
    %swap3A_856 = vector.shape_cast %swap3A_855 : vector<1x16xi32> to vector<16xi32>
    %swap3A_857 = vector.shape_cast %add3A_851 : vector<16xi32> to vector<1x16xi32>
    tpu.vector_store %arg7[%swap3A_853, %swap3A_854], %swap3A_857 {strides = array<i32>} : memref<4x128xi32, #tpu.memory_space<vmem>>, vector<1x16xi32>,
    %get3A_858 = arith.constant 2 : i32
    %get3A_859 = arith.index_cast %get3A_858 : i32 to index
    %get3A_860 = arith.constant 48 : index
    %get3A_861 = tpu.vector_load %arg6[%get3A_859, %get3A_860] {strides = array<i32>} : memref<4x128xi32, #tpu.memory_space<vmem>>, vector<1x16xi32>,
    %get3A_862 = vector.shape_cast %get3A_861 : vector<1x16xi32> to vector<16xi32>
    %add3A_863 = vector.broadcast %mul3A_611 : i32 to vector<16xi32>
    %add3A_864 = arith.addi %get3A_862, %add3A_863 : vector<16xi32>
    %swap3A_865 = arith.constant 2 : i32
    %swap3A_866 = arith.index_cast %swap3A_865 : i32 to index
    %swap3A_867 = arith.constant 48 : index
    %swap3A_868 = tpu.vector_load %arg7[%swap3A_866, %swap3A_867] {strides = array<i32>} : memref<4x128xi32, #tpu.memory_space<vmem>>, vector<1x16xi32>,
    %swap3A_869 = vector.shape_cast %swap3A_868 : vector<1x16xi32> to vector<16xi32>
    %swap3A_870 = vector.shape_cast %add3A_864 : vector<16xi32> to vector<1x16xi32>
    tpu.vector_store %arg7[%swap3A_866, %swap3A_867], %swap3A_870 {strides = array<i32>} : memref<4x128xi32, #tpu.memory_space<vmem>>, vector<1x16xi32>,
    %get3A_871 = arith.constant 2 : i32
    %get3A_872 = arith.index_cast %get3A_871 : i32 to index
    %get3A_873 = arith.constant 64 : index
    %get3A_874 = tpu.vector_load %arg6[%get3A_872, %get3A_873] {strides = array<i32>} : memref<4x128xi32, #tpu.memory_space<vmem>>, vector<1x16xi32>,
    %get3A_875 = vector.shape_cast %get3A_874 : vector<1x16xi32> to vector<16xi32>
    %add3A_876 = vector.broadcast %mul3A_611 : i32 to vector<16xi32>
    %add3A_877 = arith.addi %get3A_875, %add3A_876 : vector<16xi32>
    %swap3A_878 = arith.constant 2 : i32
    %swap3A_879 = arith.index_cast %swap3A_878 : i32 to index
    %swap3A_880 = arith.constant 64 : index
    %swap3A_881 = tpu.vector_load %arg7[%swap3A_879, %swap3A_880] {strides = array<i32>} : memref<4x128xi32, #tpu.memory_space<vmem>>, vector<1x16xi32>,
    %swap3A_882 = vector.shape_cast %swap3A_881 : vector<1x16xi32> to vector<16xi32>
    %swap3A_883 = vector.shape_cast %add3A_877 : vector<16xi32> to vector<1x16xi32>
    tpu.vector_store %arg7[%swap3A_879, %swap3A_880], %swap3A_883 {strides = array<i32>} : memref<4x128xi32, #tpu.memory_space<vmem>>, vector<1x16xi32>,
    %get3A_884 = arith.constant 2 : i32
    %get3A_885 = arith.index_cast %get3A_884 : i32 to index
    %get3A_886 = arith.constant 80 : index
    %get3A_887 = tpu.vector_load %arg6[%get3A_885, %get3A_886] {strides = array<i32>} : memref<4x128xi32, #tpu.memory_space<vmem>>, vector<1x16xi32>,
    %get3A_888 = vector.shape_cast %get3A_887 : vector<1x16xi32> to vector<16xi32>
    %add3A_889 = vector.broadcast %mul3A_611 : i32 to vector<16xi32>
    %add3A_890 = arith.addi %get3A_888, %add3A_889 : vector<16xi32>
    %swap3A_891 = arith.constant 2 : i32
    %swap3A_892 = arith.index_cast %swap3A_891 : i32 to index
    %swap3A_893 = arith.constant 80 : index
    %swap3A_894 = tpu.vector_load %arg7[%swap3A_892, %swap3A_893] {strides = array<i32>} : memref<4x128xi32, #tpu.memory_space<vmem>>, vector<1x16xi32>,
    %swap3A_895 = vector.shape_cast %swap3A_894 : vector<1x16xi32> to vector<16xi32>
    %swap3A_896 = vector.shape_cast %add3A_890 : vector<16xi32> to vector<1x16xi32>
    tpu.vector_store %arg7[%swap3A_892, %swap3A_893], %swap3A_896 {strides = array<i32>} : memref<4x128xi32, #tpu.memory_space<vmem>>, vector<1x16xi32>,
    %get3A_897 = arith.constant 2 : i32
    %get3A_898 = arith.index_cast %get3A_897 : i32 to index
    %get3A_899 = arith.constant 96 : index
    %get3A_900 = tpu.vector_load %arg6[%get3A_898, %get3A_899] {strides = array<i32>} : memref<4x128xi32, #tpu.memory_space<vmem>>, vector<1x16xi32>,
    %get3A_901 = vector.shape_cast %get3A_900 : vector<1x16xi32> to vector<16xi32>
    %add3A_902 = vector.broadcast %mul3A_611 : i32 to vector<16xi32>
    %add3A_903 = arith.addi %get3A_901, %add3A_902 : vector<16xi32>
    %swap3A_904 = arith.constant 2 : i32
    %swap3A_905 = arith.index_cast %swap3A_904 : i32 to index
    %swap3A_906 = arith.constant 96 : index
    %swap3A_907 = tpu.vector_load %arg7[%swap3A_905, %swap3A_906] {strides = array<i32>} : memref<4x128xi32, #tpu.memory_space<vmem>>, vector<1x16xi32>,
    %swap3A_908 = vector.shape_cast %swap3A_907 : vector<1x16xi32> to vector<16xi32>
    %swap3A_909 = vector.shape_cast %add3A_903 : vector<16xi32> to vector<1x16xi32>
    tpu.vector_store %arg7[%swap3A_905, %swap3A_906], %swap3A_909 {strides = array<i32>} : memref<4x128xi32, #tpu.memory_space<vmem>>, vector<1x16xi32>,
    %get3A_910 = arith.constant 2 : i32
    %get3A_911 = arith.index_cast %get3A_910 : i32 to index
    %get3A_912 = arith.constant 112 : index
    %get3A_913 = tpu.vector_load %arg6[%get3A_911, %get3A_912] {strides = array<i32>} : memref<4x128xi32, #tpu.memory_space<vmem>>, vector<1x16xi32>,
    %get3A_914 = vector.shape_cast %get3A_913 : vector<1x16xi32> to vector<16xi32>
    %add3A_915 = vector.broadcast %mul3A_611 : i32 to vector<16xi32>
    %add3A_916 = arith.addi %get3A_914, %add3A_915 : vector<16xi32>
    %swap3A_917 = arith.constant 2 : i32
    %swap3A_918 = arith.index_cast %swap3A_917 : i32 to index
    %swap3A_919 = arith.constant 112 : index
    %swap3A_920 = tpu.vector_load %arg7[%swap3A_918, %swap3A_919] {strides = array<i32>} : memref<4x128xi32, #tpu.memory_space<vmem>>, vector<1x16xi32>,
    %swap3A_921 = vector.shape_cast %swap3A_920 : vector<1x16xi32> to vector<16xi32>
    %swap3A_922 = vector.shape_cast %add3A_916 : vector<16xi32> to vector<1x16xi32>
    tpu.vector_store %arg7[%swap3A_918, %swap3A_919], %swap3A_922 {strides = array<i32>} : memref<4x128xi32, #tpu.memory_space<vmem>>, vector<1x16xi32>,
    %get3A_923 = arith.constant 3 : i32
    %get3A_924 = arith.index_cast %get3A_923 : i32 to index
    %get3A_925 = arith.constant 0 : index
    %get3A_926 = tpu.vector_load %arg6[%get3A_924, %get3A_925] {strides = array<i32>} : memref<4x128xi32, #tpu.memory_space<vmem>>, vector<1x16xi32>,
    %get3A_927 = vector.shape_cast %get3A_926 : vector<1x16xi32> to vector<16xi32>
    %add3A_928 = vector.broadcast %mul3A_611 : i32 to vector<16xi32>
    %add3A_929 = arith.addi %get3A_927, %add3A_928 : vector<16xi32>
    %swap3A_930 = arith.constant 3 : i32
    %swap3A_931 = arith.index_cast %swap3A_930 : i32 to index
    %swap3A_932 = arith.constant 0 : index
    %swap3A_933 = tpu.vector_load %arg7[%swap3A_931, %swap3A_932] {strides = array<i32>} : memref<4x128xi32, #tpu.memory_space<vmem>>, vector<1x16xi32>,
    %swap3A_934 = vector.shape_cast %swap3A_933 : vector<1x16xi32> to vector<16xi32>
    %swap3A_935 = vector.shape_cast %add3A_929 : vector<16xi32> to vector<1x16xi32>
    tpu.vector_store %arg7[%swap3A_931, %swap3A_932], %swap3A_935 {strides = array<i32>} : memref<4x128xi32, #tpu.memory_space<vmem>>, vector<1x16xi32>,
    %get3A_936 = arith.constant 3 : i32
    %get3A_937 = arith.index_cast %get3A_936 : i32 to index
    %get3A_938 = arith.constant 16 : index
    %get3A_939 = tpu.vector_load %arg6[%get3A_937, %get3A_938] {strides = array<i32>} : memref<4x128xi32, #tpu.memory_space<vmem>>, vector<1x16xi32>,
    %get3A_940 = vector.shape_cast %get3A_939 : vector<1x16xi32> to vector<16xi32>
    %add3A_941 = vector.broadcast %mul3A_611 : i32 to vector<16xi32>
    %add3A_942 = arith.addi %get3A_940, %add3A_941 : vector<16xi32>
    %swap3A_943 = arith.constant 3 : i32
    %swap3A_944 = arith.index_cast %swap3A_943 : i32 to index
    %swap3A_945 = arith.constant 16 : index
    %swap3A_946 = tpu.vector_load %arg7[%swap3A_944, %swap3A_945] {strides = array<i32>} : memref<4x128xi32, #tpu.memory_space<vmem>>, vector<1x16xi32>,
    %swap3A_947 = vector.shape_cast %swap3A_946 : vector<1x16xi32> to vector<16xi32>
    %swap3A_948 = vector.shape_cast %add3A_942 : vector<16xi32> to vector<1x16xi32>
    tpu.vector_store %arg7[%swap3A_944, %swap3A_945], %swap3A_948 {strides = array<i32>} : memref<4x128xi32, #tpu.memory_space<vmem>>, vector<1x16xi32>,
    %get3A_949 = arith.constant 3 : i32
    %get3A_950 = arith.index_cast %get3A_949 : i32 to index
    %get3A_951 = arith.constant 32 : index
    %get3A_952 = tpu.vector_load %arg6[%get3A_950, %get3A_951] {strides = array<i32>} : memref<4x128xi32, #tpu.memory_space<vmem>>, vector<1x16xi32>,
    %get3A_953 = vector.shape_cast %get3A_952 : vector<1x16xi32> to vector<16xi32>
    %add3A_954 = vector.broadcast %mul3A_611 : i32 to vector<16xi32>
    %add3A_955 = arith.addi %get3A_953, %add3A_954 : vector<16xi32>
    %swap3A_956 = arith.constant 3 : i32
    %swap3A_957 = arith.index_cast %swap3A_956 : i32 to index
    %swap3A_958 = arith.constant 32 : index
    %swap3A_959 = tpu.vector_load %arg7[%swap3A_957, %swap3A_958] {strides = array<i32>} : memref<4x128xi32, #tpu.memory_space<vmem>>, vector<1x16xi32>,
    %swap3A_960 = vector.shape_cast %swap3A_959 : vector<1x16xi32> to vector<16xi32>
    %swap3A_961 = vector.shape_cast %add3A_955 : vector<16xi32> to vector<1x16xi32>
    tpu.vector_store %arg7[%swap3A_957, %swap3A_958], %swap3A_961 {strides = array<i32>} : memref<4x128xi32, #tpu.memory_space<vmem>>, vector<1x16xi32>,
    %get3A_962 = arith.constant 3 : i32
    %get3A_963 = arith.index_cast %get3A_962 : i32 to index
    %get3A_964 = arith.constant 48 : index
    %get3A_965 = tpu.vector_load %arg6[%get3A_963, %get3A_964] {strides = array<i32>} : memref<4x128xi32, #tpu.memory_space<vmem>>, vector<1x16xi32>,
    %get3A_966 = vector.shape_cast %get3A_965 : vector<1x16xi32> to vector<16xi32>
    %add3A_967 = vector.broadcast %mul3A_611 : i32 to vector<16xi32>
    %add3A_968 = arith.addi %get3A_966, %add3A_967 : vector<16xi32>
    %swap3A_969 = arith.constant 3 : i32
    %swap3A_970 = arith.index_cast %swap3A_969 : i32 to index
    %swap3A_971 = arith.constant 48 : index
    %swap3A_972 = tpu.vector_load %arg7[%swap3A_970, %swap3A_971] {strides = array<i32>} : memref<4x128xi32, #tpu.memory_space<vmem>>, vector<1x16xi32>,
    %swap3A_973 = vector.shape_cast %swap3A_972 : vector<1x16xi32> to vector<16xi32>
    %swap3A_974 = vector.shape_cast %add3A_968 : vector<16xi32> to vector<1x16xi32>
    tpu.vector_store %arg7[%swap3A_970, %swap3A_971], %swap3A_974 {strides = array<i32>} : memref<4x128xi32, #tpu.memory_space<vmem>>, vector<1x16xi32>,
    %get3A_975 = arith.constant 3 : i32
    %get3A_976 = arith.index_cast %get3A_975 : i32 to index
    %get3A_977 = arith.constant 64 : index
    %get3A_978 = tpu.vector_load %arg6[%get3A_976, %get3A_977] {strides = array<i32>} : memref<4x128xi32, #tpu.memory_space<vmem>>, vector<1x16xi32>,
    %get3A_979 = vector.shape_cast %get3A_978 : vector<1x16xi32> to vector<16xi32>
    %add3A_980 = vector.broadcast %mul3A_611 : i32 to vector<16xi32>
    %add3A_981 = arith.addi %get3A_979, %add3A_980 : vector<16xi32>
    %swap3A_982 = arith.constant 3 : i32
    %swap3A_983 = arith.index_cast %swap3A_982 : i32 to index
    %swap3A_984 = arith.constant 64 : index
    %swap3A_985 = tpu.vector_load %arg7[%swap3A_983, %swap3A_984] {strides = array<i32>} : memref<4x128xi32, #tpu.memory_space<vmem>>, vector<1x16xi32>,
    %swap3A_986 = vector.shape_cast %swap3A_985 : vector<1x16xi32> to vector<16xi32>
    %swap3A_987 = vector.shape_cast %add3A_981 : vector<16xi32> to vector<1x16xi32>
    tpu.vector_store %arg7[%swap3A_983, %swap3A_984], %swap3A_987 {strides = array<i32>} : memref<4x128xi32, #tpu.memory_space<vmem>>, vector<1x16xi32>,
    %get3A_988 = arith.constant 3 : i32
    %get3A_989 = arith.index_cast %get3A_988 : i32 to index
    %get3A_990 = arith.constant 80 : index
    %get3A_991 = tpu.vector_load %arg6[%get3A_989, %get3A_990] {strides = array<i32>} : memref<4x128xi32, #tpu.memory_space<vmem>>, vector<1x16xi32>,
    %get3A_992 = vector.shape_cast %get3A_991 : vector<1x16xi32> to vector<16xi32>
    %add3A_993 = vector.broadcast %mul3A_611 : i32 to vector<16xi32>
    %add3A_994 = arith.addi %get3A_992, %add3A_993 : vector<16xi32>
    %swap3A_995 = arith.constant 3 : i32
    %swap3A_996 = arith.index_cast %swap3A_995 : i32 to index
    %swap3A_997 = arith.constant 80 : index
    %swap3A_998 = tpu.vector_load %arg7[%swap3A_996, %swap3A_997] {strides = array<i32>} : memref<4x128xi32, #tpu.memory_space<vmem>>, vector<1x16xi32>,
    %swap3A_999 = vector.shape_cast %swap3A_998 : vector<1x16xi32> to vector<16xi32>
    %swap3A_1000 = vector.shape_cast %add3A_994 : vector<16xi32> to vector<1x16xi32>
    tpu.vector_store %arg7[%swap3A_996, %swap3A_997], %swap3A_1000 {strides = array<i32>} : memref<4x128xi32, #tpu.memory_space<vmem>>, vector<1x16xi32>,
    %get3A_1001 = arith.constant 3 : i32
    %get3A_1002 = arith.index_cast %get3A_1001 : i32 to index
    %get3A_1003 = arith.constant 96 : index
    %get3A_1004 = tpu.vector_load %arg6[%get3A_1002, %get3A_1003] {strides = array<i32>} : memref<4x128xi32, #tpu.memory_space<vmem>>, vector<1x16xi32>,
    %get3A_1005 = vector.shape_cast %get3A_1004 : vector<1x16xi32> to vector<16xi32>
    %add3A_1006 = vector.broadcast %mul3A_611 : i32 to vector<16xi32>
    %add3A_1007 = arith.addi %get3A_1005, %add3A_1006 : vector<16xi32>
    %swap3A_1008 = arith.constant 3 : i32
    %swap3A_1009 = arith.index_cast %swap3A_1008 : i32 to index
    %swap3A_1010 = arith.constant 96 : index
    %swap3A_1011 = tpu.vector_load %arg7[%swap3A_1009, %swap3A_1010] {strides = array<i32>} : memref<4x128xi32, #tpu.memory_space<vmem>>, vector<1x16xi32>,
    %swap3A_1012 = vector.shape_cast %swap3A_1011 : vector<1x16xi32> to vector<16xi32>
    %swap3A_1013 = vector.shape_cast %add3A_1007 : vector<16xi32> to vector<1x16xi32>
    tpu.vector_store %arg7[%swap3A_1009, %swap3A_1010], %swap3A_1013 {strides = array<i32>} : memref<4x128xi32, #tpu.memory_space<vmem>>, vector<1x16xi32>,
    %get3A_1014 = arith.constant 3 : i32
    %get3A_1015 = arith.index_cast %get3A_1014 : i32 to index
    %get3A_1016 = arith.constant 112 : index
    %get3A_1017 = tpu.vector_load %arg6[%get3A_1015, %get3A_1016] {strides = array<i32>} : memref<4x128xi32, #tpu.memory_space<vmem>>, vector<1x16xi32>,
    %get3A_1018 = vector.shape_cast %get3A_1017 : vector<1x16xi32> to vector<16xi32>
    %add3A_1019 = vector.broadcast %mul3A_611 : i32 to vector<16xi32>
    %add3A_1020 = arith.addi %get3A_1018, %add3A_1019 : vector<16xi32>
    %swap3A_1021 = arith.constant 3 : i32
    %swap3A_1022 = arith.index_cast %swap3A_1021 : i32 to index
    %swap3A_1023 = arith.constant 112 : index
    %swap3A_1024 = tpu.vector_load %arg7[%swap3A_1022, %swap3A_1023] {strides = array<i32>} : memref<4x128xi32, #tpu.memory_space<vmem>>, vector<1x16xi32>,
    %swap3A_1025 = vector.shape_cast %swap3A_1024 : vector<1x16xi32> to vector<16xi32>
    %swap3A_1026 = vector.shape_cast %add3A_1020 : vector<16xi32> to vector<1x16xi32>
    tpu.vector_store %arg7[%swap3A_1022, %swap3A_1023], %swap3A_1026 {strides = array<i32>} : memref<4x128xi32, #tpu.memory_space<vmem>>, vector<1x16xi32>,
    %dma_start3A = arith.constant 0 : i32
    %dma_start3A_1027 = tpu.memref_slice %arg5[%dma_start3A] : memref<25600xi32, #tpu.memory_space<vmem>> -> memref<512xi32, #tpu.memory_space<vmem>>
    %dma_start3A_1028 = arith.constant 0 : i32
    %dma_start3A_1029 = arith.constant 0 : i32
    %dma_start3A_1030 = tpu.memref_slice %arg3[%dma_start3A_1028, %dma_start3A_1029] : memref<1000000x32xf32, #tpu.memory_space<hbm>> -> memref<1000000x32xf32, #tpu.memory_space<hbm>>
    tpu.enqueue_indirect_dma source(%dma_start3A_1030 : memref<1000000x32xf32, #tpu.memory_space<hbm>>) target(%arg9 : memref<512x32xf32, #tpu.memory_space<vmem>>) offsets(%dma_start3A_1027 : memref<512xi32, #tpu.memory_space<vmem>>) semaphore(%arg11 : memref<!tpu.dma_semaphore, #tpu.memory_space<semaphore_mem>>)
    %scan3A = arith.constant 0 : i32
    %scan3A_1031 = arith.constant 0 : i32
    %scan3A_1032 = arith.constant 25 : i32
    %scan3A_1033 = arith.addi %scan3A_1031, %scan3A_1032 : i32
    %scan3A_1034 = arith.constant 1 : i32
    scf.for %scan3A_1115 = %scan3A_1031 to %scan3A_1033 step %scan3A_1034  : i32 {
      %mul3A_1116 = arith.constant 2 : i32
      %mul3A_1117 = arith.muli %mul3A_1116, %scan3A_1115 : i32
      %gt3A = arith.constant 0 : i32
      %gt3A_1118 = arith.cmpi sgt, %scan3A_1115, %gt3A : i32
      %convert_element_type3A = arith.extui %gt3A_1118 : i1 to i32
      %cond3A = arith.constant 0 : i32
      %cond3A_1119 = arith.cmpi ne, %convert_element_type3A, %cond3A : i32
      scf.if %cond3A_1119 {
        %dma_wait3A_1647 = arith.constant 0 : i32
        %dma_wait3A_1648 = arith.constant 0 : i32
        %dma_wait3A_1649 = arith.constant 0 : i32
        %dma_wait3A_1650 = tpu.memref_slice %arg10[%dma_wait3A_1648, %dma_wait3A_1649] : memref<512x32xf32, #tpu.memory_space<vmem>> -> memref<128x32xf32, #tpu.memory_space<vmem>>
        %dma_wait3A_1651 = arith.constant 0 : i32
        %dma_wait3A_1652 = tpu.memref_slice %arg8[%dma_wait3A_1647, %dma_wait3A_1651] : memref<4x128xi32, #tpu.memory_space<vmem>> -> memref<1x128xi32, #tpu.memory_space<vmem>>
        %dma_wait3A_1653 = tpu.memref_squeeze %dma_wait3A_1652 : memref<1x128xi32, #tpu.memory_space<vmem>> -> memref<128xi32, #tpu.memory_space<vmem>>
        %dma_wait3A_1654 = arith.constant 0 : i32
        %dma_wait3A_1655 = arith.constant 0 : i32
        %dma_wait3A_1656 = tpu.memref_slice %arg4[%dma_wait3A_1654, %dma_wait3A_1655] : memref<819200x32xf32, #tpu.memory_space<hbm>> -> memref<819200x32xf32, #tpu.memory_space<hbm>>
        tpu.wait_indirect_dma semaphore(%arg14 : memref<!tpu.dma_semaphore, #tpu.memory_space<semaphore_mem>>) src(%dma_wait3A_1650 : memref<128x32xf32, #tpu.memory_space<vmem>>) dst(%dma_wait3A_1656 : memref<819200x32xf32, #tpu.memory_space<hbm>>)
        %dma_wait3A_1657 = arith.constant 1 : i32
        %dma_wait3A_1658 = arith.constant 128 : i32
        %dma_wait3A_1659 = arith.constant 0 : i32
        %dma_wait3A_1660 = tpu.memref_slice %arg10[%dma_wait3A_1658, %dma_wait3A_1659] : memref<512x32xf32, #tpu.memory_space<vmem>> -> memref<128x32xf32, #tpu.memory_space<vmem>>
        %dma_wait3A_1661 = arith.constant 0 : i32
        %dma_wait3A_1662 = tpu.memref_slice %arg8[%dma_wait3A_1657, %dma_wait3A_1661] : memref<4x128xi32, #tpu.memory_space<vmem>> -> memref<1x128xi32, #tpu.memory_space<vmem>>
        %dma_wait3A_1663 = tpu.memref_squeeze %dma_wait3A_1662 : memref<1x128xi32, #tpu.memory_space<vmem>> -> memref<128xi32, #tpu.memory_space<vmem>>
        %dma_wait3A_1664 = arith.constant 0 : i32
        %dma_wait3A_1665 = arith.constant 0 : i32
        %dma_wait3A_1666 = tpu.memref_slice %arg4[%dma_wait3A_1664, %dma_wait3A_1665] : memref<819200x32xf32, #tpu.memory_space<hbm>> -> memref<819200x32xf32, #tpu.memory_space<hbm>>
        tpu.wait_indirect_dma semaphore(%arg14 : memref<!tpu.dma_semaphore, #tpu.memory_space<semaphore_mem>>) src(%dma_wait3A_1660 : memref<128x32xf32, #tpu.memory_space<vmem>>) dst(%dma_wait3A_1666 : memref<819200x32xf32, #tpu.memory_space<hbm>>)
        %dma_wait3A_1667 = arith.constant 2 : i32
        %dma_wait3A_1668 = arith.constant 256 : i32
        %dma_wait3A_1669 = arith.constant 0 : i32
        %dma_wait3A_1670 = tpu.memref_slice %arg10[%dma_wait3A_1668, %dma_wait3A_1669] : memref<512x32xf32, #tpu.memory_space<vmem>> -> memref<128x32xf32, #tpu.memory_space<vmem>>
        %dma_wait3A_1671 = arith.constant 0 : i32
        %dma_wait3A_1672 = tpu.memref_slice %arg8[%dma_wait3A_1667, %dma_wait3A_1671] : memref<4x128xi32, #tpu.memory_space<vmem>> -> memref<1x128xi32, #tpu.memory_space<vmem>>
        %dma_wait3A_1673 = tpu.memref_squeeze %dma_wait3A_1672 : memref<1x128xi32, #tpu.memory_space<vmem>> -> memref<128xi32, #tpu.memory_space<vmem>>
        %dma_wait3A_1674 = arith.constant 0 : i32
        %dma_wait3A_1675 = arith.constant 0 : i32
        %dma_wait3A_1676 = tpu.memref_slice %arg4[%dma_wait3A_1674, %dma_wait3A_1675] : memref<819200x32xf32, #tpu.memory_space<hbm>> -> memref<819200x32xf32, #tpu.memory_space<hbm>>
        tpu.wait_indirect_dma semaphore(%arg14 : memref<!tpu.dma_semaphore, #tpu.memory_space<semaphore_mem>>) src(%dma_wait3A_1670 : memref<128x32xf32, #tpu.memory_space<vmem>>) dst(%dma_wait3A_1676 : memref<819200x32xf32, #tpu.memory_space<hbm>>)
        %dma_wait3A_1677 = arith.constant 3 : i32
        %dma_wait3A_1678 = arith.constant 384 : i32
        %dma_wait3A_1679 = arith.constant 0 : i32
        %dma_wait3A_1680 = tpu.memref_slice %arg10[%dma_wait3A_1678, %dma_wait3A_1679] : memref<512x32xf32, #tpu.memory_space<vmem>> -> memref<128x32xf32, #tpu.memory_space<vmem>>
        %dma_wait3A_1681 = arith.constant 0 : i32
        %dma_wait3A_1682 = tpu.memref_slice %arg8[%dma_wait3A_1677, %dma_wait3A_1681] : memref<4x128xi32, #tpu.memory_space<vmem>> -> memref<1x128xi32, #tpu.memory_space<vmem>>
        %dma_wait3A_1683 = tpu.memref_squeeze %dma_wait3A_1682 : memref<1x128xi32, #tpu.memory_space<vmem>> -> memref<128xi32, #tpu.memory_space<vmem>>
        %dma_wait3A_1684 = arith.constant 0 : i32
        %dma_wait3A_1685 = arith.constant 0 : i32
        %dma_wait3A_1686 = tpu.memref_slice %arg4[%dma_wait3A_1684, %dma_wait3A_1685] : memref<819200x32xf32, #tpu.memory_space<hbm>> -> memref<819200x32xf32, #tpu.memory_space<hbm>>
        tpu.wait_indirect_dma semaphore(%arg14 : memref<!tpu.dma_semaphore, #tpu.memory_space<semaphore_mem>>) src(%dma_wait3A_1680 : memref<128x32xf32, #tpu.memory_space<vmem>>) dst(%dma_wait3A_1686 : memref<819200x32xf32, #tpu.memory_space<hbm>>)
      } else {
      }
      %add3A_1120 = arith.constant 1 : i32
      %add3A_1121 = arith.addi %mul3A_1117, %add3A_1120 : i32
      %add3A_1122 = arith.addi %mul3A_4, %add3A_1121 : i32
      %mul3A_1123 = arith.constant 512 : i32
      %mul3A_1124 = arith.muli %add3A_1122, %mul3A_1123 : i32
      %get3A_1125 = arith.constant 0 : i32
      %get3A_1126 = arith.index_cast %get3A_1125 : i32 to index
      %get3A_1127 = arith.constant 0 : index
      %get3A_1128 = tpu.vector_load %arg6[%get3A_1126, %get3A_1127] {strides = array<i32>} : memref<4x128xi32, #tpu.memory_space<vmem>>, vector<1x16xi32>,
      %get3A_1129 = vector.shape_cast %get3A_1128 : vector<1x16xi32> to vector<16xi32>
      %add3A_1130 = vector.broadcast %mul3A_1124 : i32 to vector<16xi32>
      %add3A_1131 = arith.addi %get3A_1129, %add3A_1130 : vector<16xi32>
      %swap3A_1132 = arith.constant 0 : i32
      %swap3A_1133 = arith.index_cast %swap3A_1132 : i32 to index
      %swap3A_1134 = arith.constant 0 : index
      %swap3A_1135 = tpu.vector_load %arg8[%swap3A_1133, %swap3A_1134] {strides = array<i32>} : memref<4x128xi32, #tpu.memory_space<vmem>>, vector<1x16xi32>,
      %swap3A_1136 = vector.shape_cast %swap3A_1135 : vector<1x16xi32> to vector<16xi32>
      %swap3A_1137 = vector.shape_cast %add3A_1131 : vector<16xi32> to vector<1x16xi32>
      tpu.vector_store %arg8[%swap3A_1133, %swap3A_1134], %swap3A_1137 {strides = array<i32>} : memref<4x128xi32, #tpu.memory_space<vmem>>, vector<1x16xi32>,
      %get3A_1138 = arith.constant 0 : i32
      %get3A_1139 = arith.index_cast %get3A_1138 : i32 to index
      %get3A_1140 = arith.constant 16 : index
      %get3A_1141 = tpu.vector_load %arg6[%get3A_1139, %get3A_1140] {strides = array<i32>} : memref<4x128xi32, #tpu.memory_space<vmem>>, vector<1x16xi32>,
      %get3A_1142 = vector.shape_cast %get3A_1141 : vector<1x16xi32> to vector<16xi32>
      %add3A_1143 = vector.broadcast %mul3A_1124 : i32 to vector<16xi32>
      %add3A_1144 = arith.addi %get3A_1142, %add3A_1143 : vector<16xi32>
      %swap3A_1145 = arith.constant 0 : i32
      %swap3A_1146 = arith.index_cast %swap3A_1145 : i32 to index
      %swap3A_1147 = arith.constant 16 : index
      %swap3A_1148 = tpu.vector_load %arg8[%swap3A_1146, %swap3A_1147] {strides = array<i32>} : memref<4x128xi32, #tpu.memory_space<vmem>>, vector<1x16xi32>,
      %swap3A_1149 = vector.shape_cast %swap3A_1148 : vector<1x16xi32> to vector<16xi32>
      %swap3A_1150 = vector.shape_cast %add3A_1144 : vector<16xi32> to vector<1x16xi32>
      tpu.vector_store %arg8[%swap3A_1146, %swap3A_1147], %swap3A_1150 {strides = array<i32>} : memref<4x128xi32, #tpu.memory_space<vmem>>, vector<1x16xi32>,
      %get3A_1151 = arith.constant 0 : i32
      %get3A_1152 = arith.index_cast %get3A_1151 : i32 to index
      %get3A_1153 = arith.constant 32 : index
      %get3A_1154 = tpu.vector_load %arg6[%get3A_1152, %get3A_1153] {strides = array<i32>} : memref<4x128xi32, #tpu.memory_space<vmem>>, vector<1x16xi32>,
      %get3A_1155 = vector.shape_cast %get3A_1154 : vector<1x16xi32> to vector<16xi32>
      %add3A_1156 = vector.broadcast %mul3A_1124 : i32 to vector<16xi32>
      %add3A_1157 = arith.addi %get3A_1155, %add3A_1156 : vector<16xi32>
      %swap3A_1158 = arith.constant 0 : i32
      %swap3A_1159 = arith.index_cast %swap3A_1158 : i32 to index
      %swap3A_1160 = arith.constant 32 : index
      %swap3A_1161 = tpu.vector_load %arg8[%swap3A_1159, %swap3A_1160] {strides = array<i32>} : memref<4x128xi32, #tpu.memory_space<vmem>>, vector<1x16xi32>,
      %swap3A_1162 = vector.shape_cast %swap3A_1161 : vector<1x16xi32> to vector<16xi32>
      %swap3A_1163 = vector.shape_cast %add3A_1157 : vector<16xi32> to vector<1x16xi32>
      tpu.vector_store %arg8[%swap3A_1159, %swap3A_1160], %swap3A_1163 {strides = array<i32>} : memref<4x128xi32, #tpu.memory_space<vmem>>, vector<1x16xi32>,
      %get3A_1164 = arith.constant 0 : i32
      %get3A_1165 = arith.index_cast %get3A_1164 : i32 to index
      %get3A_1166 = arith.constant 48 : index
      %get3A_1167 = tpu.vector_load %arg6[%get3A_1165, %get3A_1166] {strides = array<i32>} : memref<4x128xi32, #tpu.memory_space<vmem>>, vector<1x16xi32>,
      %get3A_1168 = vector.shape_cast %get3A_1167 : vector<1x16xi32> to vector<16xi32>
      %add3A_1169 = vector.broadcast %mul3A_1124 : i32 to vector<16xi32>
      %add3A_1170 = arith.addi %get3A_1168, %add3A_1169 : vector<16xi32>
      %swap3A_1171 = arith.constant 0 : i32
      %swap3A_1172 = arith.index_cast %swap3A_1171 : i32 to index
      %swap3A_1173 = arith.constant 48 : index
      %swap3A_1174 = tpu.vector_load %arg8[%swap3A_1172, %swap3A_1173] {strides = array<i32>} : memref<4x128xi32, #tpu.memory_space<vmem>>, vector<1x16xi32>,
      %swap3A_1175 = vector.shape_cast %swap3A_1174 : vector<1x16xi32> to vector<16xi32>
      %swap3A_1176 = vector.shape_cast %add3A_1170 : vector<16xi32> to vector<1x16xi32>
      tpu.vector_store %arg8[%swap3A_1172, %swap3A_1173], %swap3A_1176 {strides = array<i32>} : memref<4x128xi32, #tpu.memory_space<vmem>>, vector<1x16xi32>,
      %get3A_1177 = arith.constant 0 : i32
      %get3A_1178 = arith.index_cast %get3A_1177 : i32 to index
      %get3A_1179 = arith.constant 64 : index
      %get3A_1180 = tpu.vector_load %arg6[%get3A_1178, %get3A_1179] {strides = array<i32>} : memref<4x128xi32, #tpu.memory_space<vmem>>, vector<1x16xi32>,
      %get3A_1181 = vector.shape_cast %get3A_1180 : vector<1x16xi32> to vector<16xi32>
      %add3A_1182 = vector.broadcast %mul3A_1124 : i32 to vector<16xi32>
      %add3A_1183 = arith.addi %get3A_1181, %add3A_1182 : vector<16xi32>
      %swap3A_1184 = arith.constant 0 : i32
      %swap3A_1185 = arith.index_cast %swap3A_1184 : i32 to index
      %swap3A_1186 = arith.constant 64 : index
      %swap3A_1187 = tpu.vector_load %arg8[%swap3A_1185, %swap3A_1186] {strides = array<i32>} : memref<4x128xi32, #tpu.memory_space<vmem>>, vector<1x16xi32>,
      %swap3A_1188 = vector.shape_cast %swap3A_1187 : vector<1x16xi32> to vector<16xi32>
      %swap3A_1189 = vector.shape_cast %add3A_1183 : vector<16xi32> to vector<1x16xi32>
      tpu.vector_store %arg8[%swap3A_1185, %swap3A_1186], %swap3A_1189 {strides = array<i32>} : memref<4x128xi32, #tpu.memory_space<vmem>>, vector<1x16xi32>,
      %get3A_1190 = arith.constant 0 : i32
      %get3A_1191 = arith.index_cast %get3A_1190 : i32 to index
      %get3A_1192 = arith.constant 80 : index
      %get3A_1193 = tpu.vector_load %arg6[%get3A_1191, %get3A_1192] {strides = array<i32>} : memref<4x128xi32, #tpu.memory_space<vmem>>, vector<1x16xi32>,
      %get3A_1194 = vector.shape_cast %get3A_1193 : vector<1x16xi32> to vector<16xi32>
      %add3A_1195 = vector.broadcast %mul3A_1124 : i32 to vector<16xi32>
      %add3A_1196 = arith.addi %get3A_1194, %add3A_1195 : vector<16xi32>
      %swap3A_1197 = arith.constant 0 : i32
      %swap3A_1198 = arith.index_cast %swap3A_1197 : i32 to index
      %swap3A_1199 = arith.constant 80 : index
      %swap3A_1200 = tpu.vector_load %arg8[%swap3A_1198, %swap3A_1199] {strides = array<i32>} : memref<4x128xi32, #tpu.memory_space<vmem>>, vector<1x16xi32>,
      %swap3A_1201 = vector.shape_cast %swap3A_1200 : vector<1x16xi32> to vector<16xi32>
      %swap3A_1202 = vector.shape_cast %add3A_1196 : vector<16xi32> to vector<1x16xi32>
      tpu.vector_store %arg8[%swap3A_1198, %swap3A_1199], %swap3A_1202 {strides = array<i32>} : memref<4x128xi32, #tpu.memory_space<vmem>>, vector<1x16xi32>,
      %get3A_1203 = arith.constant 0 : i32
      %get3A_1204 = arith.index_cast %get3A_1203 : i32 to index
      %get3A_1205 = arith.constant 96 : index
      %get3A_1206 = tpu.vector_load %arg6[%get3A_1204, %get3A_1205] {strides = array<i32>} : memref<4x128xi32, #tpu.memory_space<vmem>>, vector<1x16xi32>,
      %get3A_1207 = vector.shape_cast %get3A_1206 : vector<1x16xi32> to vector<16xi32>
      %add3A_1208 = vector.broadcast %mul3A_1124 : i32 to vector<16xi32>
      %add3A_1209 = arith.addi %get3A_1207, %add3A_1208 : vector<16xi32>
      %swap3A_1210 = arith.constant 0 : i32
      %swap3A_1211 = arith.index_cast %swap3A_1210 : i32 to index
      %swap3A_1212 = arith.constant 96 : index
      %swap3A_1213 = tpu.vector_load %arg8[%swap3A_1211, %swap3A_1212] {strides = array<i32>} : memref<4x128xi32, #tpu.memory_space<vmem>>, vector<1x16xi32>,
      %swap3A_1214 = vector.shape_cast %swap3A_1213 : vector<1x16xi32> to vector<16xi32>
      %swap3A_1215 = vector.shape_cast %add3A_1209 : vector<16xi32> to vector<1x16xi32>
      tpu.vector_store %arg8[%swap3A_1211, %swap3A_1212], %swap3A_1215 {strides = array<i32>} : memref<4x128xi32, #tpu.memory_space<vmem>>, vector<1x16xi32>,
      %get3A_1216 = arith.constant 0 : i32
      %get3A_1217 = arith.index_cast %get3A_1216 : i32 to index
      %get3A_1218 = arith.constant 112 : index
      %get3A_1219 = tpu.vector_load %arg6[%get3A_1217, %get3A_1218] {strides = array<i32>} : memref<4x128xi32, #tpu.memory_space<vmem>>, vector<1x16xi32>,
      %get3A_1220 = vector.shape_cast %get3A_1219 : vector<1x16xi32> to vector<16xi32>
      %add3A_1221 = vector.broadcast %mul3A_1124 : i32 to vector<16xi32>
      %add3A_1222 = arith.addi %get3A_1220, %add3A_1221 : vector<16xi32>
      %swap3A_1223 = arith.constant 0 : i32
      %swap3A_1224 = arith.index_cast %swap3A_1223 : i32 to index
      %swap3A_1225 = arith.constant 112 : index
      %swap3A_1226 = tpu.vector_load %arg8[%swap3A_1224, %swap3A_1225] {strides = array<i32>} : memref<4x128xi32, #tpu.memory_space<vmem>>, vector<1x16xi32>,
      %swap3A_1227 = vector.shape_cast %swap3A_1226 : vector<1x16xi32> to vector<16xi32>
      %swap3A_1228 = vector.shape_cast %add3A_1222 : vector<16xi32> to vector<1x16xi32>
      tpu.vector_store %arg8[%swap3A_1224, %swap3A_1225], %swap3A_1228 {strides = array<i32>} : memref<4x128xi32, #tpu.memory_space<vmem>>, vector<1x16xi32>,
      %get3A_1229 = arith.constant 1 : i32
      %get3A_1230 = arith.index_cast %get3A_1229 : i32 to index
      %get3A_1231 = arith.constant 0 : index
      %get3A_1232 = tpu.vector_load %arg6[%get3A_1230, %get3A_1231] {strides = array<i32>} : memref<4x128xi32, #tpu.memory_space<vmem>>, vector<1x16xi32>,
      %get3A_1233 = vector.shape_cast %get3A_1232 : vector<1x16xi32> to vector<16xi32>
      %add3A_1234 = vector.broadcast %mul3A_1124 : i32 to vector<16xi32>
      %add3A_1235 = arith.addi %get3A_1233, %add3A_1234 : vector<16xi32>
      %swap3A_1236 = arith.constant 1 : i32
      %swap3A_1237 = arith.index_cast %swap3A_1236 : i32 to index
      %swap3A_1238 = arith.constant 0 : index
      %swap3A_1239 = tpu.vector_load %arg8[%swap3A_1237, %swap3A_1238] {strides = array<i32>} : memref<4x128xi32, #tpu.memory_space<vmem>>, vector<1x16xi32>,
      %swap3A_1240 = vector.shape_cast %swap3A_1239 : vector<1x16xi32> to vector<16xi32>
      %swap3A_1241 = vector.shape_cast %add3A_1235 : vector<16xi32> to vector<1x16xi32>
      tpu.vector_store %arg8[%swap3A_1237, %swap3A_1238], %swap3A_1241 {strides = array<i32>} : memref<4x128xi32, #tpu.memory_space<vmem>>, vector<1x16xi32>,
      %get3A_1242 = arith.constant 1 : i32
      %get3A_1243 = arith.index_cast %get3A_1242 : i32 to index
      %get3A_1244 = arith.constant 16 : index
      %get3A_1245 = tpu.vector_load %arg6[%get3A_1243, %get3A_1244] {strides = array<i32>} : memref<4x128xi32, #tpu.memory_space<vmem>>, vector<1x16xi32>,
      %get3A_1246 = vector.shape_cast %get3A_1245 : vector<1x16xi32> to vector<16xi32>
      %add3A_1247 = vector.broadcast %mul3A_1124 : i32 to vector<16xi32>
      %add3A_1248 = arith.addi %get3A_1246, %add3A_1247 : vector<16xi32>
      %swap3A_1249 = arith.constant 1 : i32
      %swap3A_1250 = arith.index_cast %swap3A_1249 : i32 to index
      %swap3A_1251 = arith.constant 16 : index
      %swap3A_1252 = tpu.vector_load %arg8[%swap3A_1250, %swap3A_1251] {strides = array<i32>} : memref<4x128xi32, #tpu.memory_space<vmem>>, vector<1x16xi32>,
      %swap3A_1253 = vector.shape_cast %swap3A_1252 : vector<1x16xi32> to vector<16xi32>
      %swap3A_1254 = vector.shape_cast %add3A_1248 : vector<16xi32> to vector<1x16xi32>
      tpu.vector_store %arg8[%swap3A_1250, %swap3A_1251], %swap3A_1254 {strides = array<i32>} : memref<4x128xi32, #tpu.memory_space<vmem>>, vector<1x16xi32>,
      %get3A_1255 = arith.constant 1 : i32
      %get3A_1256 = arith.index_cast %get3A_1255 : i32 to index
      %get3A_1257 = arith.constant 32 : index
      %get3A_1258 = tpu.vector_load %arg6[%get3A_1256, %get3A_1257] {strides = array<i32>} : memref<4x128xi32, #tpu.memory_space<vmem>>, vector<1x16xi32>,
      %get3A_1259 = vector.shape_cast %get3A_1258 : vector<1x16xi32> to vector<16xi32>
      %add3A_1260 = vector.broadcast %mul3A_1124 : i32 to vector<16xi32>
      %add3A_1261 = arith.addi %get3A_1259, %add3A_1260 : vector<16xi32>
      %swap3A_1262 = arith.constant 1 : i32
      %swap3A_1263 = arith.index_cast %swap3A_1262 : i32 to index
      %swap3A_1264 = arith.constant 32 : index
      %swap3A_1265 = tpu.vector_load %arg8[%swap3A_1263, %swap3A_1264] {strides = array<i32>} : memref<4x128xi32, #tpu.memory_space<vmem>>, vector<1x16xi32>,
      %swap3A_1266 = vector.shape_cast %swap3A_1265 : vector<1x16xi32> to vector<16xi32>
      %swap3A_1267 = vector.shape_cast %add3A_1261 : vector<16xi32> to vector<1x16xi32>
      tpu.vector_store %arg8[%swap3A_1263, %swap3A_1264], %swap3A_1267 {strides = array<i32>} : memref<4x128xi32, #tpu.memory_space<vmem>>, vector<1x16xi32>,
      %get3A_1268 = arith.constant 1 : i32
      %get3A_1269 = arith.index_cast %get3A_1268 : i32 to index
      %get3A_1270 = arith.constant 48 : index
      %get3A_1271 = tpu.vector_load %arg6[%get3A_1269, %get3A_1270] {strides = array<i32>} : memref<4x128xi32, #tpu.memory_space<vmem>>, vector<1x16xi32>,
      %get3A_1272 = vector.shape_cast %get3A_1271 : vector<1x16xi32> to vector<16xi32>
      %add3A_1273 = vector.broadcast %mul3A_1124 : i32 to vector<16xi32>
      %add3A_1274 = arith.addi %get3A_1272, %add3A_1273 : vector<16xi32>
      %swap3A_1275 = arith.constant 1 : i32
      %swap3A_1276 = arith.index_cast %swap3A_1275 : i32 to index
      %swap3A_1277 = arith.constant 48 : index
      %swap3A_1278 = tpu.vector_load %arg8[%swap3A_1276, %swap3A_1277] {strides = array<i32>} : memref<4x128xi32, #tpu.memory_space<vmem>>, vector<1x16xi32>,
      %swap3A_1279 = vector.shape_cast %swap3A_1278 : vector<1x16xi32> to vector<16xi32>
      %swap3A_1280 = vector.shape_cast %add3A_1274 : vector<16xi32> to vector<1x16xi32>
      tpu.vector_store %arg8[%swap3A_1276, %swap3A_1277], %swap3A_1280 {strides = array<i32>} : memref<4x128xi32, #tpu.memory_space<vmem>>, vector<1x16xi32>,
      %get3A_1281 = arith.constant 1 : i32
      %get3A_1282 = arith.index_cast %get3A_1281 : i32 to index
      %get3A_1283 = arith.constant 64 : index
      %get3A_1284 = tpu.vector_load %arg6[%get3A_1282, %get3A_1283] {strides = array<i32>} : memref<4x128xi32, #tpu.memory_space<vmem>>, vector<1x16xi32>,
      %get3A_1285 = vector.shape_cast %get3A_1284 : vector<1x16xi32> to vector<16xi32>
      %add3A_1286 = vector.broadcast %mul3A_1124 : i32 to vector<16xi32>
      %add3A_1287 = arith.addi %get3A_1285, %add3A_1286 : vector<16xi32>
      %swap3A_1288 = arith.constant 1 : i32
      %swap3A_1289 = arith.index_cast %swap3A_1288 : i32 to index
      %swap3A_1290 = arith.constant 64 : index
      %swap3A_1291 = tpu.vector_load %arg8[%swap3A_1289, %swap3A_1290] {strides = array<i32>} : memref<4x128xi32, #tpu.memory_space<vmem>>, vector<1x16xi32>,
      %swap3A_1292 = vector.shape_cast %swap3A_1291 : vector<1x16xi32> to vector<16xi32>
      %swap3A_1293 = vector.shape_cast %add3A_1287 : vector<16xi32> to vector<1x16xi32>
      tpu.vector_store %arg8[%swap3A_1289, %swap3A_1290], %swap3A_1293 {strides = array<i32>} : memref<4x128xi32, #tpu.memory_space<vmem>>, vector<1x16xi32>,
      %get3A_1294 = arith.constant 1 : i32
      %get3A_1295 = arith.index_cast %get3A_1294 : i32 to index
      %get3A_1296 = arith.constant 80 : index
      %get3A_1297 = tpu.vector_load %arg6[%get3A_1295, %get3A_1296] {strides = array<i32>} : memref<4x128xi32, #tpu.memory_space<vmem>>, vector<1x16xi32>,
      %get3A_1298 = vector.shape_cast %get3A_1297 : vector<1x16xi32> to vector<16xi32>
      %add3A_1299 = vector.broadcast %mul3A_1124 : i32 to vector<16xi32>
      %add3A_1300 = arith.addi %get3A_1298, %add3A_1299 : vector<16xi32>
      %swap3A_1301 = arith.constant 1 : i32
      %swap3A_1302 = arith.index_cast %swap3A_1301 : i32 to index
      %swap3A_1303 = arith.constant 80 : index
      %swap3A_1304 = tpu.vector_load %arg8[%swap3A_1302, %swap3A_1303] {strides = array<i32>} : memref<4x128xi32, #tpu.memory_space<vmem>>, vector<1x16xi32>,
      %swap3A_1305 = vector.shape_cast %swap3A_1304 : vector<1x16xi32> to vector<16xi32>
      %swap3A_1306 = vector.shape_cast %add3A_1300 : vector<16xi32> to vector<1x16xi32>
      tpu.vector_store %arg8[%swap3A_1302, %swap3A_1303], %swap3A_1306 {strides = array<i32>} : memref<4x128xi32, #tpu.memory_space<vmem>>, vector<1x16xi32>,
      %get3A_1307 = arith.constant 1 : i32
      %get3A_1308 = arith.index_cast %get3A_1307 : i32 to index
      %get3A_1309 = arith.constant 96 : index
      %get3A_1310 = tpu.vector_load %arg6[%get3A_1308, %get3A_1309] {strides = array<i32>} : memref<4x128xi32, #tpu.memory_space<vmem>>, vector<1x16xi32>,
      %get3A_1311 = vector.shape_cast %get3A_1310 : vector<1x16xi32> to vector<16xi32>
      %add3A_1312 = vector.broadcast %mul3A_1124 : i32 to vector<16xi32>
      %add3A_1313 = arith.addi %get3A_1311, %add3A_1312 : vector<16xi32>
      %swap3A_1314 = arith.constant 1 : i32
      %swap3A_1315 = arith.index_cast %swap3A_1314 : i32 to index
      %swap3A_1316 = arith.constant 96 : index
      %swap3A_1317 = tpu.vector_load %arg8[%swap3A_1315, %swap3A_1316] {strides = array<i32>} : memref<4x128xi32, #tpu.memory_space<vmem>>, vector<1x16xi32>,
      %swap3A_1318 = vector.shape_cast %swap3A_1317 : vector<1x16xi32> to vector<16xi32>
      %swap3A_1319 = vector.shape_cast %add3A_1313 : vector<16xi32> to vector<1x16xi32>
      tpu.vector_store %arg8[%swap3A_1315, %swap3A_1316], %swap3A_1319 {strides = array<i32>} : memref<4x128xi32, #tpu.memory_space<vmem>>, vector<1x16xi32>,
      %get3A_1320 = arith.constant 1 : i32
      %get3A_1321 = arith.index_cast %get3A_1320 : i32 to index
      %get3A_1322 = arith.constant 112 : index
      %get3A_1323 = tpu.vector_load %arg6[%get3A_1321, %get3A_1322] {strides = array<i32>} : memref<4x128xi32, #tpu.memory_space<vmem>>, vector<1x16xi32>,
      %get3A_1324 = vector.shape_cast %get3A_1323 : vector<1x16xi32> to vector<16xi32>
      %add3A_1325 = vector.broadcast %mul3A_1124 : i32 to vector<16xi32>
      %add3A_1326 = arith.addi %get3A_1324, %add3A_1325 : vector<16xi32>
      %swap3A_1327 = arith.constant 1 : i32
      %swap3A_1328 = arith.index_cast %swap3A_1327 : i32 to index
      %swap3A_1329 = arith.constant 112 : index
      %swap3A_1330 = tpu.vector_load %arg8[%swap3A_1328, %swap3A_1329] {strides = array<i32>} : memref<4x128xi32, #tpu.memory_space<vmem>>, vector<1x16xi32>,
      %swap3A_1331 = vector.shape_cast %swap3A_1330 : vector<1x16xi32> to vector<16xi32>
      %swap3A_1332 = vector.shape_cast %add3A_1326 : vector<16xi32> to vector<1x16xi32>
      tpu.vector_store %arg8[%swap3A_1328, %swap3A_1329], %swap3A_1332 {strides = array<i32>} : memref<4x128xi32, #tpu.memory_space<vmem>>, vector<1x16xi32>,
      %get3A_1333 = arith.constant 2 : i32
      %get3A_1334 = arith.index_cast %get3A_1333 : i32 to index
      %get3A_1335 = arith.constant 0 : index
      %get3A_1336 = tpu.vector_load %arg6[%get3A_1334, %get3A_1335] {strides = array<i32>} : memref<4x128xi32, #tpu.memory_space<vmem>>, vector<1x16xi32>,
      %get3A_1337 = vector.shape_cast %get3A_1336 : vector<1x16xi32> to vector<16xi32>
      %add3A_1338 = vector.broadcast %mul3A_1124 : i32 to vector<16xi32>
      %add3A_1339 = arith.addi %get3A_1337, %add3A_1338 : vector<16xi32>
      %swap3A_1340 = arith.constant 2 : i32
      %swap3A_1341 = arith.index_cast %swap3A_1340 : i32 to index
      %swap3A_1342 = arith.constant 0 : index
      %swap3A_1343 = tpu.vector_load %arg8[%swap3A_1341, %swap3A_1342] {strides = array<i32>} : memref<4x128xi32, #tpu.memory_space<vmem>>, vector<1x16xi32>,
      %swap3A_1344 = vector.shape_cast %swap3A_1343 : vector<1x16xi32> to vector<16xi32>
      %swap3A_1345 = vector.shape_cast %add3A_1339 : vector<16xi32> to vector<1x16xi32>
      tpu.vector_store %arg8[%swap3A_1341, %swap3A_1342], %swap3A_1345 {strides = array<i32>} : memref<4x128xi32, #tpu.memory_space<vmem>>, vector<1x16xi32>,
      %get3A_1346 = arith.constant 2 : i32
      %get3A_1347 = arith.index_cast %get3A_1346 : i32 to index
      %get3A_1348 = arith.constant 16 : index
      %get3A_1349 = tpu.vector_load %arg6[%get3A_1347, %get3A_1348] {strides = array<i32>} : memref<4x128xi32, #tpu.memory_space<vmem>>, vector<1x16xi32>,
      %get3A_1350 = vector.shape_cast %get3A_1349 : vector<1x16xi32> to vector<16xi32>
      %add3A_1351 = vector.broadcast %mul3A_1124 : i32 to vector<16xi32>
      %add3A_1352 = arith.addi %get3A_1350, %add3A_1351 : vector<16xi32>
      %swap3A_1353 = arith.constant 2 : i32
      %swap3A_1354 = arith.index_cast %swap3A_1353 : i32 to index
      %swap3A_1355 = arith.constant 16 : index
      %swap3A_1356 = tpu.vector_load %arg8[%swap3A_1354, %swap3A_1355] {strides = array<i32>} : memref<4x128xi32, #tpu.memory_space<vmem>>, vector<1x16xi32>,
      %swap3A_1357 = vector.shape_cast %swap3A_1356 : vector<1x16xi32> to vector<16xi32>
      %swap3A_1358 = vector.shape_cast %add3A_1352 : vector<16xi32> to vector<1x16xi32>
      tpu.vector_store %arg8[%swap3A_1354, %swap3A_1355], %swap3A_1358 {strides = array<i32>} : memref<4x128xi32, #tpu.memory_space<vmem>>, vector<1x16xi32>,
      %get3A_1359 = arith.constant 2 : i32
      %get3A_1360 = arith.index_cast %get3A_1359 : i32 to index
      %get3A_1361 = arith.constant 32 : index
      %get3A_1362 = tpu.vector_load %arg6[%get3A_1360, %get3A_1361] {strides = array<i32>} : memref<4x128xi32, #tpu.memory_space<vmem>>, vector<1x16xi32>,
      %get3A_1363 = vector.shape_cast %get3A_1362 : vector<1x16xi32> to vector<16xi32>
      %add3A_1364 = vector.broadcast %mul3A_1124 : i32 to vector<16xi32>
      %add3A_1365 = arith.addi %get3A_1363, %add3A_1364 : vector<16xi32>
      %swap3A_1366 = arith.constant 2 : i32
      %swap3A_1367 = arith.index_cast %swap3A_1366 : i32 to index
      %swap3A_1368 = arith.constant 32 : index
      %swap3A_1369 = tpu.vector_load %arg8[%swap3A_1367, %swap3A_1368] {strides = array<i32>} : memref<4x128xi32, #tpu.memory_space<vmem>>, vector<1x16xi32>,
      %swap3A_1370 = vector.shape_cast %swap3A_1369 : vector<1x16xi32> to vector<16xi32>
      %swap3A_1371 = vector.shape_cast %add3A_1365 : vector<16xi32> to vector<1x16xi32>
      tpu.vector_store %arg8[%swap3A_1367, %swap3A_1368], %swap3A_1371 {strides = array<i32>} : memref<4x128xi32, #tpu.memory_space<vmem>>, vector<1x16xi32>,
      %get3A_1372 = arith.constant 2 : i32
      %get3A_1373 = arith.index_cast %get3A_1372 : i32 to index
      %get3A_1374 = arith.constant 48 : index
      %get3A_1375 = tpu.vector_load %arg6[%get3A_1373, %get3A_1374] {strides = array<i32>} : memref<4x128xi32, #tpu.memory_space<vmem>>, vector<1x16xi32>,
      %get3A_1376 = vector.shape_cast %get3A_1375 : vector<1x16xi32> to vector<16xi32>
      %add3A_1377 = vector.broadcast %mul3A_1124 : i32 to vector<16xi32>
      %add3A_1378 = arith.addi %get3A_1376, %add3A_1377 : vector<16xi32>
      %swap3A_1379 = arith.constant 2 : i32
      %swap3A_1380 = arith.index_cast %swap3A_1379 : i32 to index
      %swap3A_1381 = arith.constant 48 : index
      %swap3A_1382 = tpu.vector_load %arg8[%swap3A_1380, %swap3A_1381] {strides = array<i32>} : memref<4x128xi32, #tpu.memory_space<vmem>>, vector<1x16xi32>,
      %swap3A_1383 = vector.shape_cast %swap3A_1382 : vector<1x16xi32> to vector<16xi32>
      %swap3A_1384 = vector.shape_cast %add3A_1378 : vector<16xi32> to vector<1x16xi32>
      tpu.vector_store %arg8[%swap3A_1380, %swap3A_1381], %swap3A_1384 {strides = array<i32>} : memref<4x128xi32, #tpu.memory_space<vmem>>, vector<1x16xi32>,
      %get3A_1385 = arith.constant 2 : i32
      %get3A_1386 = arith.index_cast %get3A_1385 : i32 to index
      %get3A_1387 = arith.constant 64 : index
      %get3A_1388 = tpu.vector_load %arg6[%get3A_1386, %get3A_1387] {strides = array<i32>} : memref<4x128xi32, #tpu.memory_space<vmem>>, vector<1x16xi32>,
      %get3A_1389 = vector.shape_cast %get3A_1388 : vector<1x16xi32> to vector<16xi32>
      %add3A_1390 = vector.broadcast %mul3A_1124 : i32 to vector<16xi32>
      %add3A_1391 = arith.addi %get3A_1389, %add3A_1390 : vector<16xi32>
      %swap3A_1392 = arith.constant 2 : i32
      %swap3A_1393 = arith.index_cast %swap3A_1392 : i32 to index
      %swap3A_1394 = arith.constant 64 : index
      %swap3A_1395 = tpu.vector_load %arg8[%swap3A_1393, %swap3A_1394] {strides = array<i32>} : memref<4x128xi32, #tpu.memory_space<vmem>>, vector<1x16xi32>,
      %swap3A_1396 = vector.shape_cast %swap3A_1395 : vector<1x16xi32> to vector<16xi32>
      %swap3A_1397 = vector.shape_cast %add3A_1391 : vector<16xi32> to vector<1x16xi32>
      tpu.vector_store %arg8[%swap3A_1393, %swap3A_1394], %swap3A_1397 {strides = array<i32>} : memref<4x128xi32, #tpu.memory_space<vmem>>, vector<1x16xi32>,
      %get3A_1398 = arith.constant 2 : i32
      %get3A_1399 = arith.index_cast %get3A_1398 : i32 to index
      %get3A_1400 = arith.constant 80 : index
      %get3A_1401 = tpu.vector_load %arg6[%get3A_1399, %get3A_1400] {strides = array<i32>} : memref<4x128xi32, #tpu.memory_space<vmem>>, vector<1x16xi32>,
      %get3A_1402 = vector.shape_cast %get3A_1401 : vector<1x16xi32> to vector<16xi32>
      %add3A_1403 = vector.broadcast %mul3A_1124 : i32 to vector<16xi32>
      %add3A_1404 = arith.addi %get3A_1402, %add3A_1403 : vector<16xi32>
      %swap3A_1405 = arith.constant 2 : i32
      %swap3A_1406 = arith.index_cast %swap3A_1405 : i32 to index
      %swap3A_1407 = arith.constant 80 : index
      %swap3A_1408 = tpu.vector_load %arg8[%swap3A_1406, %swap3A_1407] {strides = array<i32>} : memref<4x128xi32, #tpu.memory_space<vmem>>, vector<1x16xi32>,
      %swap3A_1409 = vector.shape_cast %swap3A_1408 : vector<1x16xi32> to vector<16xi32>
      %swap3A_1410 = vector.shape_cast %add3A_1404 : vector<16xi32> to vector<1x16xi32>
      tpu.vector_store %arg8[%swap3A_1406, %swap3A_1407], %swap3A_1410 {strides = array<i32>} : memref<4x128xi32, #tpu.memory_space<vmem>>, vector<1x16xi32>,
      %get3A_1411 = arith.constant 2 : i32
      %get3A_1412 = arith.index_cast %get3A_1411 : i32 to index
      %get3A_1413 = arith.constant 96 : index
      %get3A_1414 = tpu.vector_load %arg6[%get3A_1412, %get3A_1413] {strides = array<i32>} : memref<4x128xi32, #tpu.memory_space<vmem>>, vector<1x16xi32>,
      %get3A_1415 = vector.shape_cast %get3A_1414 : vector<1x16xi32> to vector<16xi32>
      %add3A_1416 = vector.broadcast %mul3A_1124 : i32 to vector<16xi32>
      %add3A_1417 = arith.addi %get3A_1415, %add3A_1416 : vector<16xi32>
      %swap3A_1418 = arith.constant 2 : i32
      %swap3A_1419 = arith.index_cast %swap3A_1418 : i32 to index
      %swap3A_1420 = arith.constant 96 : index
      %swap3A_1421 = tpu.vector_load %arg8[%swap3A_1419, %swap3A_1420] {strides = array<i32>} : memref<4x128xi32, #tpu.memory_space<vmem>>, vector<1x16xi32>,
      %swap3A_1422 = vector.shape_cast %swap3A_1421 : vector<1x16xi32> to vector<16xi32>
      %swap3A_1423 = vector.shape_cast %add3A_1417 : vector<16xi32> to vector<1x16xi32>
      tpu.vector_store %arg8[%swap3A_1419, %swap3A_1420], %swap3A_1423 {strides = array<i32>} : memref<4x128xi32, #tpu.memory_space<vmem>>, vector<1x16xi32>,
      %get3A_1424 = arith.constant 2 : i32
      %get3A_1425 = arith.index_cast %get3A_1424 : i32 to index
      %get3A_1426 = arith.constant 112 : index
      %get3A_1427 = tpu.vector_load %arg6[%get3A_1425, %get3A_1426] {strides = array<i32>} : memref<4x128xi32, #tpu.memory_space<vmem>>, vector<1x16xi32>,
      %get3A_1428 = vector.shape_cast %get3A_1427 : vector<1x16xi32> to vector<16xi32>
      %add3A_1429 = vector.broadcast %mul3A_1124 : i32 to vector<16xi32>
      %add3A_1430 = arith.addi %get3A_1428, %add3A_1429 : vector<16xi32>
      %swap3A_1431 = arith.constant 2 : i32
      %swap3A_1432 = arith.index_cast %swap3A_1431 : i32 to index
      %swap3A_1433 = arith.constant 112 : index
      %swap3A_1434 = tpu.vector_load %arg8[%swap3A_1432, %swap3A_1433] {strides = array<i32>} : memref<4x128xi32, #tpu.memory_space<vmem>>, vector<1x16xi32>,
      %swap3A_1435 = vector.shape_cast %swap3A_1434 : vector<1x16xi32> to vector<16xi32>
      %swap3A_1436 = vector.shape_cast %add3A_1430 : vector<16xi32> to vector<1x16xi32>
      tpu.vector_store %arg8[%swap3A_1432, %swap3A_1433], %swap3A_1436 {strides = array<i32>} : memref<4x128xi32, #tpu.memory_space<vmem>>, vector<1x16xi32>,
      %get3A_1437 = arith.constant 3 : i32
      %get3A_1438 = arith.index_cast %get3A_1437 : i32 to index
      %get3A_1439 = arith.constant 0 : index
      %get3A_1440 = tpu.vector_load %arg6[%get3A_1438, %get3A_1439] {strides = array<i32>} : memref<4x128xi32, #tpu.memory_space<vmem>>, vector<1x16xi32>,
      %get3A_1441 = vector.shape_cast %get3A_1440 : vector<1x16xi32> to vector<16xi32>
      %add3A_1442 = vector.broadcast %mul3A_1124 : i32 to vector<16xi32>
      %add3A_1443 = arith.addi %get3A_1441, %add3A_1442 : vector<16xi32>
      %swap3A_1444 = arith.constant 3 : i32
      %swap3A_1445 = arith.index_cast %swap3A_1444 : i32 to index
      %swap3A_1446 = arith.constant 0 : index
      %swap3A_1447 = tpu.vector_load %arg8[%swap3A_1445, %swap3A_1446] {strides = array<i32>} : memref<4x128xi32, #tpu.memory_space<vmem>>, vector<1x16xi32>,
      %swap3A_1448 = vector.shape_cast %swap3A_1447 : vector<1x16xi32> to vector<16xi32>
      %swap3A_1449 = vector.shape_cast %add3A_1443 : vector<16xi32> to vector<1x16xi32>
      tpu.vector_store %arg8[%swap3A_1445, %swap3A_1446], %swap3A_1449 {strides = array<i32>} : memref<4x128xi32, #tpu.memory_space<vmem>>, vector<1x16xi32>,
      %get3A_1450 = arith.constant 3 : i32
      %get3A_1451 = arith.index_cast %get3A_1450 : i32 to index
      %get3A_1452 = arith.constant 16 : index
      %get3A_1453 = tpu.vector_load %arg6[%get3A_1451, %get3A_1452] {strides = array<i32>} : memref<4x128xi32, #tpu.memory_space<vmem>>, vector<1x16xi32>,
      %get3A_1454 = vector.shape_cast %get3A_1453 : vector<1x16xi32> to vector<16xi32>
      %add3A_1455 = vector.broadcast %mul3A_1124 : i32 to vector<16xi32>
      %add3A_1456 = arith.addi %get3A_1454, %add3A_1455 : vector<16xi32>
      %swap3A_1457 = arith.constant 3 : i32
      %swap3A_1458 = arith.index_cast %swap3A_1457 : i32 to index
      %swap3A_1459 = arith.constant 16 : index
      %swap3A_1460 = tpu.vector_load %arg8[%swap3A_1458, %swap3A_1459] {strides = array<i32>} : memref<4x128xi32, #tpu.memory_space<vmem>>, vector<1x16xi32>,
      %swap3A_1461 = vector.shape_cast %swap3A_1460 : vector<1x16xi32> to vector<16xi32>
      %swap3A_1462 = vector.shape_cast %add3A_1456 : vector<16xi32> to vector<1x16xi32>
      tpu.vector_store %arg8[%swap3A_1458, %swap3A_1459], %swap3A_1462 {strides = array<i32>} : memref<4x128xi32, #tpu.memory_space<vmem>>, vector<1x16xi32>,
      %get3A_1463 = arith.constant 3 : i32
      %get3A_1464 = arith.index_cast %get3A_1463 : i32 to index
      %get3A_1465 = arith.constant 32 : index
      %get3A_1466 = tpu.vector_load %arg6[%get3A_1464, %get3A_1465] {strides = array<i32>} : memref<4x128xi32, #tpu.memory_space<vmem>>, vector<1x16xi32>,
      %get3A_1467 = vector.shape_cast %get3A_1466 : vector<1x16xi32> to vector<16xi32>
      %add3A_1468 = vector.broadcast %mul3A_1124 : i32 to vector<16xi32>
      %add3A_1469 = arith.addi %get3A_1467, %add3A_1468 : vector<16xi32>
      %swap3A_1470 = arith.constant 3 : i32
      %swap3A_1471 = arith.index_cast %swap3A_1470 : i32 to index
      %swap3A_1472 = arith.constant 32 : index
      %swap3A_1473 = tpu.vector_load %arg8[%swap3A_1471, %swap3A_1472] {strides = array<i32>} : memref<4x128xi32, #tpu.memory_space<vmem>>, vector<1x16xi32>,
      %swap3A_1474 = vector.shape_cast %swap3A_1473 : vector<1x16xi32> to vector<16xi32>
      %swap3A_1475 = vector.shape_cast %add3A_1469 : vector<16xi32> to vector<1x16xi32>
      tpu.vector_store %arg8[%swap3A_1471, %swap3A_1472], %swap3A_1475 {strides = array<i32>} : memref<4x128xi32, #tpu.memory_space<vmem>>, vector<1x16xi32>,
      %get3A_1476 = arith.constant 3 : i32
      %get3A_1477 = arith.index_cast %get3A_1476 : i32 to index
      %get3A_1478 = arith.constant 48 : index
      %get3A_1479 = tpu.vector_load %arg6[%get3A_1477, %get3A_1478] {strides = array<i32>} : memref<4x128xi32, #tpu.memory_space<vmem>>, vector<1x16xi32>,
      %get3A_1480 = vector.shape_cast %get3A_1479 : vector<1x16xi32> to vector<16xi32>
      %add3A_1481 = vector.broadcast %mul3A_1124 : i32 to vector<16xi32>
      %add3A_1482 = arith.addi %get3A_1480, %add3A_1481 : vector<16xi32>
      %swap3A_1483 = arith.constant 3 : i32
      %swap3A_1484 = arith.index_cast %swap3A_1483 : i32 to index
      %swap3A_1485 = arith.constant 48 : index
      %swap3A_1486 = tpu.vector_load %arg8[%swap3A_1484, %swap3A_1485] {strides = array<i32>} : memref<4x128xi32, #tpu.memory_space<vmem>>, vector<1x16xi32>,
      %swap3A_1487 = vector.shape_cast %swap3A_1486 : vector<1x16xi32> to vector<16xi32>
      %swap3A_1488 = vector.shape_cast %add3A_1482 : vector<16xi32> to vector<1x16xi32>
      tpu.vector_store %arg8[%swap3A_1484, %swap3A_1485], %swap3A_1488 {strides = array<i32>} : memref<4x128xi32, #tpu.memory_space<vmem>>, vector<1x16xi32>,
      %get3A_1489 = arith.constant 3 : i32
      %get3A_1490 = arith.index_cast %get3A_1489 : i32 to index
      %get3A_1491 = arith.constant 64 : index
      %get3A_1492 = tpu.vector_load %arg6[%get3A_1490, %get3A_1491] {strides = array<i32>} : memref<4x128xi32, #tpu.memory_space<vmem>>, vector<1x16xi32>,
      %get3A_1493 = vector.shape_cast %get3A_1492 : vector<1x16xi32> to vector<16xi32>
      %add3A_1494 = vector.broadcast %mul3A_1124 : i32 to vector<16xi32>
      %add3A_1495 = arith.addi %get3A_1493, %add3A_1494 : vector<16xi32>
      %swap3A_1496 = arith.constant 3 : i32
      %swap3A_1497 = arith.index_cast %swap3A_1496 : i32 to index
      %swap3A_1498 = arith.constant 64 : index
      %swap3A_1499 = tpu.vector_load %arg8[%swap3A_1497, %swap3A_1498] {strides = array<i32>} : memref<4x128xi32, #tpu.memory_space<vmem>>, vector<1x16xi32>,
      %swap3A_1500 = vector.shape_cast %swap3A_1499 : vector<1x16xi32> to vector<16xi32>
      %swap3A_1501 = vector.shape_cast %add3A_1495 : vector<16xi32> to vector<1x16xi32>
      tpu.vector_store %arg8[%swap3A_1497, %swap3A_1498], %swap3A_1501 {strides = array<i32>} : memref<4x128xi32, #tpu.memory_space<vmem>>, vector<1x16xi32>,
      %get3A_1502 = arith.constant 3 : i32
      %get3A_1503 = arith.index_cast %get3A_1502 : i32 to index
      %get3A_1504 = arith.constant 80 : index
      %get3A_1505 = tpu.vector_load %arg6[%get3A_1503, %get3A_1504] {strides = array<i32>} : memref<4x128xi32, #tpu.memory_space<vmem>>, vector<1x16xi32>,
      %get3A_1506 = vector.shape_cast %get3A_1505 : vector<1x16xi32> to vector<16xi32>
      %add3A_1507 = vector.broadcast %mul3A_1124 : i32 to vector<16xi32>
      %add3A_1508 = arith.addi %get3A_1506, %add3A_1507 : vector<16xi32>
      %swap3A_1509 = arith.constant 3 : i32
      %swap3A_1510 = arith.index_cast %swap3A_1509 : i32 to index
      %swap3A_1511 = arith.constant 80 : index
      %swap3A_1512 = tpu.vector_load %arg8[%swap3A_1510, %swap3A_1511] {strides = array<i32>} : memref<4x128xi32, #tpu.memory_space<vmem>>, vector<1x16xi32>,
      %swap3A_1513 = vector.shape_cast %swap3A_1512 : vector<1x16xi32> to vector<16xi32>
      %swap3A_1514 = vector.shape_cast %add3A_1508 : vector<16xi32> to vector<1x16xi32>
      tpu.vector_store %arg8[%swap3A_1510, %swap3A_1511], %swap3A_1514 {strides = array<i32>} : memref<4x128xi32, #tpu.memory_space<vmem>>, vector<1x16xi32>,
      %get3A_1515 = arith.constant 3 : i32
      %get3A_1516 = arith.index_cast %get3A_1515 : i32 to index
      %get3A_1517 = arith.constant 96 : index
      %get3A_1518 = tpu.vector_load %arg6[%get3A_1516, %get3A_1517] {strides = array<i32>} : memref<4x128xi32, #tpu.memory_space<vmem>>, vector<1x16xi32>,
      %get3A_1519 = vector.shape_cast %get3A_1518 : vector<1x16xi32> to vector<16xi32>
      %add3A_1520 = vector.broadcast %mul3A_1124 : i32 to vector<16xi32>
      %add3A_1521 = arith.addi %get3A_1519, %add3A_1520 : vector<16xi32>
      %swap3A_1522 = arith.constant 3 : i32
      %swap3A_1523 = arith.index_cast %swap3A_1522 : i32 to index
      %swap3A_1524 = arith.constant 96 : index
      %swap3A_1525 = tpu.vector_load %arg8[%swap3A_1523, %swap3A_1524] {strides = array<i32>} : memref<4x128xi32, #tpu.memory_space<vmem>>, vector<1x16xi32>,
      %swap3A_1526 = vector.shape_cast %swap3A_1525 : vector<1x16xi32> to vector<16xi32>
      %swap3A_1527 = vector.shape_cast %add3A_1521 : vector<16xi32> to vector<1x16xi32>
      tpu.vector_store %arg8[%swap3A_1523, %swap3A_1524], %swap3A_1527 {strides = array<i32>} : memref<4x128xi32, #tpu.memory_space<vmem>>, vector<1x16xi32>,
      %get3A_1528 = arith.constant 3 : i32
      %get3A_1529 = arith.index_cast %get3A_1528 : i32 to index
      %get3A_1530 = arith.constant 112 : index
      %get3A_1531 = tpu.vector_load %arg6[%get3A_1529, %get3A_1530] {strides = array<i32>} : memref<4x128xi32, #tpu.memory_space<vmem>>, vector<1x16xi32>,
      %get3A_1532 = vector.shape_cast %get3A_1531 : vector<1x16xi32> to vector<16xi32>
      %add3A_1533 = vector.broadcast %mul3A_1124 : i32 to vector<16xi32>
      %add3A_1534 = arith.addi %get3A_1532, %add3A_1533 : vector<16xi32>
      %swap3A_1535 = arith.constant 3 : i32
      %swap3A_1536 = arith.index_cast %swap3A_1535 : i32 to index
      %swap3A_1537 = arith.constant 112 : index
      %swap3A_1538 = tpu.vector_load %arg8[%swap3A_1536, %swap3A_1537] {strides = array<i32>} : memref<4x128xi32, #tpu.memory_space<vmem>>, vector<1x16xi32>,
      %swap3A_1539 = vector.shape_cast %swap3A_1538 : vector<1x16xi32> to vector<16xi32>
      %swap3A_1540 = vector.shape_cast %add3A_1534 : vector<16xi32> to vector<1x16xi32>
      tpu.vector_store %arg8[%swap3A_1536, %swap3A_1537], %swap3A_1540 {strides = array<i32>} : memref<4x128xi32, #tpu.memory_space<vmem>>, vector<1x16xi32>,
      %add3A_1541 = arith.constant 1 : i32
      %add3A_1542 = arith.addi %mul3A_1117, %add3A_1541 : i32
      %mul3A_1543 = arith.constant 512 : i32
      %mul3A_1544 = arith.muli %add3A_1542, %mul3A_1543 : i32
      %dma_start3A_1545 = tpu.memref_slice %arg5[%mul3A_1544] : memref<25600xi32, #tpu.memory_space<vmem>> -> memref<512xi32, #tpu.memory_space<vmem>>
      %dma_start3A_1546 = arith.constant 0 : i32
      %dma_start3A_1547 = arith.constant 0 : i32
      %dma_start3A_1548 = tpu.memref_slice %arg3[%dma_start3A_1546, %dma_start3A_1547] : memref<1000000x32xf32, #tpu.memory_space<hbm>> -> memref<1000000x32xf32, #tpu.memory_space<hbm>>
      tpu.enqueue_indirect_dma source(%dma_start3A_1548 : memref<1000000x32xf32, #tpu.memory_space<hbm>>) target(%arg10 : memref<512x32xf32, #tpu.memory_space<vmem>>) offsets(%dma_start3A_1545 : memref<512xi32, #tpu.memory_space<vmem>>) semaphore(%arg12 : memref<!tpu.dma_semaphore, #tpu.memory_space<semaphore_mem>>)
      %mul3A_1549 = arith.constant 512 : i32
      %mul3A_1550 = arith.muli %mul3A_1117, %mul3A_1549 : i32
      %dma_wait3A_1551 = tpu.memref_slice %arg5[%mul3A_1550] : memref<25600xi32, #tpu.memory_space<vmem>> -> memref<512xi32, #tpu.memory_space<vmem>>
      %dma_wait3A_1552 = arith.constant 0 : i32
      %dma_wait3A_1553 = arith.constant 0 : i32
      %dma_wait3A_1554 = tpu.memref_slice %arg3[%dma_wait3A_1552, %dma_wait3A_1553] : memref<1000000x32xf32, #tpu.memory_space<hbm>> -> memref<1000000x32xf32, #tpu.memory_space<hbm>>
      tpu.wait_indirect_dma semaphore(%arg11 : memref<!tpu.dma_semaphore, #tpu.memory_space<semaphore_mem>>) src(%dma_wait3A_1554 : memref<1000000x32xf32, #tpu.memory_space<hbm>>) dst(%arg9 : memref<512x32xf32, #tpu.memory_space<vmem>>)
      %dma_start3A_1555 = arith.constant 0 : i32
      %dma_start3A_1556 = arith.constant 0 : i32
      %dma_start3A_1557 = arith.constant 0 : i32
      %dma_start3A_1558 = tpu.memref_slice %arg9[%dma_start3A_1556, %dma_start3A_1557] : memref<512x32xf32, #tpu.memory_space<vmem>> -> memref<128x32xf32, #tpu.memory_space<vmem>>
      %dma_start3A_1559 = arith.constant 0 : i32
      %dma_start3A_1560 = tpu.memref_slice %arg7[%dma_start3A_1555, %dma_start3A_1559] : memref<4x128xi32, #tpu.memory_space<vmem>> -> memref<1x128xi32, #tpu.memory_space<vmem>>
      %dma_start3A_1561 = tpu.memref_squeeze %dma_start3A_1560 : memref<1x128xi32, #tpu.memory_space<vmem>> -> memref<128xi32, #tpu.memory_space<vmem>>
      %dma_start3A_1562 = arith.constant 0 : i32
      %dma_start3A_1563 = arith.constant 0 : i32
      %dma_start3A_1564 = tpu.memref_slice %arg4[%dma_start3A_1562, %dma_start3A_1563] : memref<819200x32xf32, #tpu.memory_space<hbm>> -> memref<819200x32xf32, #tpu.memory_space<hbm>>
      tpu.enqueue_indirect_dma source(%dma_start3A_1558 : memref<128x32xf32, #tpu.memory_space<vmem>>) target(%dma_start3A_1564 : memref<819200x32xf32, #tpu.memory_space<hbm>>) offsets(%dma_start3A_1561 : memref<128xi32, #tpu.memory_space<vmem>>) semaphore(%arg13 : memref<!tpu.dma_semaphore, #tpu.memory_space<semaphore_mem>>)
      %dma_start3A_1565 = arith.constant 1 : i32
      %dma_start3A_1566 = arith.constant 128 : i32
      %dma_start3A_1567 = arith.constant 0 : i32
      %dma_start3A_1568 = tpu.memref_slice %arg9[%dma_start3A_1566, %dma_start3A_1567] : memref<512x32xf32, #tpu.memory_space<vmem>> -> memref<128x32xf32, #tpu.memory_space<vmem>>
      %dma_start3A_1569 = arith.constant 0 : i32
      %dma_start3A_1570 = tpu.memref_slice %arg7[%dma_start3A_1565, %dma_start3A_1569] : memref<4x128xi32, #tpu.memory_space<vmem>> -> memref<1x128xi32, #tpu.memory_space<vmem>>
      %dma_start3A_1571 = tpu.memref_squeeze %dma_start3A_1570 : memref<1x128xi32, #tpu.memory_space<vmem>> -> memref<128xi32, #tpu.memory_space<vmem>>
      %dma_start3A_1572 = arith.constant 0 : i32
      %dma_start3A_1573 = arith.constant 0 : i32
      %dma_start3A_1574 = tpu.memref_slice %arg4[%dma_start3A_1572, %dma_start3A_1573] : memref<819200x32xf32, #tpu.memory_space<hbm>> -> memref<819200x32xf32, #tpu.memory_space<hbm>>
      tpu.enqueue_indirect_dma source(%dma_start3A_1568 : memref<128x32xf32, #tpu.memory_space<vmem>>) target(%dma_start3A_1574 : memref<819200x32xf32, #tpu.memory_space<hbm>>) offsets(%dma_start3A_1571 : memref<128xi32, #tpu.memory_space<vmem>>) semaphore(%arg13 : memref<!tpu.dma_semaphore, #tpu.memory_space<semaphore_mem>>)
      %dma_start3A_1575 = arith.constant 2 : i32
      %dma_start3A_1576 = arith.constant 256 : i32
      %dma_start3A_1577 = arith.constant 0 : i32
      %dma_start3A_1578 = tpu.memref_slice %arg9[%dma_start3A_1576, %dma_start3A_1577] : memref<512x32xf32, #tpu.memory_space<vmem>> -> memref<128x32xf32, #tpu.memory_space<vmem>>
      %dma_start3A_1579 = arith.constant 0 : i32
      %dma_start3A_1580 = tpu.memref_slice %arg7[%dma_start3A_1575, %dma_start3A_1579] : memref<4x128xi32, #tpu.memory_space<vmem>> -> memref<1x128xi32, #tpu.memory_space<vmem>>
      %dma_start3A_1581 = tpu.memref_squeeze %dma_start3A_1580 : memref<1x128xi32, #tpu.memory_space<vmem>> -> memref<128xi32, #tpu.memory_space<vmem>>
      %dma_start3A_1582 = arith.constant 0 : i32
      %dma_start3A_1583 = arith.constant 0 : i32
      %dma_start3A_1584 = tpu.memref_slice %arg4[%dma_start3A_1582, %dma_start3A_1583] : memref<819200x32xf32, #tpu.memory_space<hbm>> -> memref<819200x32xf32, #tpu.memory_space<hbm>>
      tpu.enqueue_indirect_dma source(%dma_start3A_1578 : memref<128x32xf32, #tpu.memory_space<vmem>>) target(%dma_start3A_1584 : memref<819200x32xf32, #tpu.memory_space<hbm>>) offsets(%dma_start3A_1581 : memref<128xi32, #tpu.memory_space<vmem>>) semaphore(%arg13 : memref<!tpu.dma_semaphore, #tpu.memory_space<semaphore_mem>>)
      %dma_start3A_1585 = arith.constant 3 : i32
      %dma_start3A_1586 = arith.constant 384 : i32
      %dma_start3A_1587 = arith.constant 0 : i32
      %dma_start3A_1588 = tpu.memref_slice %arg9[%dma_start3A_1586, %dma_start3A_1587] : memref<512x32xf32, #tpu.memory_space<vmem>> -> memref<128x32xf32, #tpu.memory_space<vmem>>
      %dma_start3A_1589 = arith.constant 0 : i32
      %dma_start3A_1590 = tpu.memref_slice %arg7[%dma_start3A_1585, %dma_start3A_1589] : memref<4x128xi32, #tpu.memory_space<vmem>> -> memref<1x128xi32, #tpu.memory_space<vmem>>
      %dma_start3A_1591 = tpu.memref_squeeze %dma_start3A_1590 : memref<1x128xi32, #tpu.memory_space<vmem>> -> memref<128xi32, #tpu.memory_space<vmem>>
      %dma_start3A_1592 = arith.constant 0 : i32
      %dma_start3A_1593 = arith.constant 0 : i32
      %dma_start3A_1594 = tpu.memref_slice %arg4[%dma_start3A_1592, %dma_start3A_1593] : memref<819200x32xf32, #tpu.memory_space<hbm>> -> memref<819200x32xf32, #tpu.memory_space<hbm>>
      tpu.enqueue_indirect_dma source(%dma_start3A_1588 : memref<128x32xf32, #tpu.memory_space<vmem>>) target(%dma_start3A_1594 : memref<819200x32xf32, #tpu.memory_space<hbm>>) offsets(%dma_start3A_1591 : memref<128xi32, #tpu.memory_space<vmem>>) semaphore(%arg13 : memref<!tpu.dma_semaphore, #tpu.memory_space<semaphore_mem>>)
      %lt3A = arith.constant 24 : i32
      %lt3A_1595 = arith.cmpi slt, %scan3A_1115, %lt3A : i32
      %convert_element_type3A_1596 = arith.extui %lt3A_1595 : i1 to i32
      %cond3A_1597 = arith.constant 0 : i32
      %cond3A_1598 = arith.cmpi ne, %convert_element_type3A_1596, %cond3A_1597 : i32
      scf.if %cond3A_1598 {
        %dma_wait3A_1647 = arith.constant 0 : i32
        %dma_wait3A_1648 = arith.constant 0 : i32
        %dma_wait3A_1649 = arith.constant 0 : i32
        %dma_wait3A_1650 = tpu.memref_slice %arg9[%dma_wait3A_1648, %dma_wait3A_1649] : memref<512x32xf32, #tpu.memory_space<vmem>> -> memref<128x32xf32, #tpu.memory_space<vmem>>
        %dma_wait3A_1651 = arith.constant 0 : i32
        %dma_wait3A_1652 = tpu.memref_slice %arg7[%dma_wait3A_1647, %dma_wait3A_1651] : memref<4x128xi32, #tpu.memory_space<vmem>> -> memref<1x128xi32, #tpu.memory_space<vmem>>
        %dma_wait3A_1653 = tpu.memref_squeeze %dma_wait3A_1652 : memref<1x128xi32, #tpu.memory_space<vmem>> -> memref<128xi32, #tpu.memory_space<vmem>>
        %dma_wait3A_1654 = arith.constant 0 : i32
        %dma_wait3A_1655 = arith.constant 0 : i32
        %dma_wait3A_1656 = tpu.memref_slice %arg4[%dma_wait3A_1654, %dma_wait3A_1655] : memref<819200x32xf32, #tpu.memory_space<hbm>> -> memref<819200x32xf32, #tpu.memory_space<hbm>>
        tpu.wait_indirect_dma semaphore(%arg13 : memref<!tpu.dma_semaphore, #tpu.memory_space<semaphore_mem>>) src(%dma_wait3A_1650 : memref<128x32xf32, #tpu.memory_space<vmem>>) dst(%dma_wait3A_1656 : memref<819200x32xf32, #tpu.memory_space<hbm>>)
        %dma_wait3A_1657 = arith.constant 1 : i32
        %dma_wait3A_1658 = arith.constant 128 : i32
        %dma_wait3A_1659 = arith.constant 0 : i32
        %dma_wait3A_1660 = tpu.memref_slice %arg9[%dma_wait3A_1658, %dma_wait3A_1659] : memref<512x32xf32, #tpu.memory_space<vmem>> -> memref<128x32xf32, #tpu.memory_space<vmem>>
        %dma_wait3A_1661 = arith.constant 0 : i32
        %dma_wait3A_1662 = tpu.memref_slice %arg7[%dma_wait3A_1657, %dma_wait3A_1661] : memref<4x128xi32, #tpu.memory_space<vmem>> -> memref<1x128xi32, #tpu.memory_space<vmem>>
        %dma_wait3A_1663 = tpu.memref_squeeze %dma_wait3A_1662 : memref<1x128xi32, #tpu.memory_space<vmem>> -> memref<128xi32, #tpu.memory_space<vmem>>
        %dma_wait3A_1664 = arith.constant 0 : i32
        %dma_wait3A_1665 = arith.constant 0 : i32
        %dma_wait3A_1666 = tpu.memref_slice %arg4[%dma_wait3A_1664, %dma_wait3A_1665] : memref<819200x32xf32, #tpu.memory_space<hbm>> -> memref<819200x32xf32, #tpu.memory_space<hbm>>
        tpu.wait_indirect_dma semaphore(%arg13 : memref<!tpu.dma_semaphore, #tpu.memory_space<semaphore_mem>>) src(%dma_wait3A_1660 : memref<128x32xf32, #tpu.memory_space<vmem>>) dst(%dma_wait3A_1666 : memref<819200x32xf32, #tpu.memory_space<hbm>>)
        %dma_wait3A_1667 = arith.constant 2 : i32
        %dma_wait3A_1668 = arith.constant 256 : i32
        %dma_wait3A_1669 = arith.constant 0 : i32
        %dma_wait3A_1670 = tpu.memref_slice %arg9[%dma_wait3A_1668, %dma_wait3A_1669] : memref<512x32xf32, #tpu.memory_space<vmem>> -> memref<128x32xf32, #tpu.memory_space<vmem>>
        %dma_wait3A_1671 = arith.constant 0 : i32
        %dma_wait3A_1672 = tpu.memref_slice %arg7[%dma_wait3A_1667, %dma_wait3A_1671] : memref<4x128xi32, #tpu.memory_space<vmem>> -> memref<1x128xi32, #tpu.memory_space<vmem>>
        %dma_wait3A_1673 = tpu.memref_squeeze %dma_wait3A_1672 : memref<1x128xi32, #tpu.memory_space<vmem>> -> memref<128xi32, #tpu.memory_space<vmem>>
        %dma_wait3A_1674 = arith.constant 0 : i32
        %dma_wait3A_1675 = arith.constant 0 : i32
        %dma_wait3A_1676 = tpu.memref_slice %arg4[%dma_wait3A_1674, %dma_wait3A_1675] : memref<819200x32xf32, #tpu.memory_space<hbm>> -> memref<819200x32xf32, #tpu.memory_space<hbm>>
        tpu.wait_indirect_dma semaphore(%arg13 : memref<!tpu.dma_semaphore, #tpu.memory_space<semaphore_mem>>) src(%dma_wait3A_1670 : memref<128x32xf32, #tpu.memory_space<vmem>>) dst(%dma_wait3A_1676 : memref<819200x32xf32, #tpu.memory_space<hbm>>)
        %dma_wait3A_1677 = arith.constant 3 : i32
        %dma_wait3A_1678 = arith.constant 384 : i32
        %dma_wait3A_1679 = arith.constant 0 : i32
        %dma_wait3A_1680 = tpu.memref_slice %arg9[%dma_wait3A_1678, %dma_wait3A_1679] : memref<512x32xf32, #tpu.memory_space<vmem>> -> memref<128x32xf32, #tpu.memory_space<vmem>>
        %dma_wait3A_1681 = arith.constant 0 : i32
        %dma_wait3A_1682 = tpu.memref_slice %arg7[%dma_wait3A_1677, %dma_wait3A_1681] : memref<4x128xi32, #tpu.memory_space<vmem>> -> memref<1x128xi32, #tpu.memory_space<vmem>>
        %dma_wait3A_1683 = tpu.memref_squeeze %dma_wait3A_1682 : memref<1x128xi32, #tpu.memory_space<vmem>> -> memref<128xi32, #tpu.memory_space<vmem>>
        %dma_wait3A_1684 = arith.constant 0 : i32
        %dma_wait3A_1685 = arith.constant 0 : i32
        %dma_wait3A_1686 = tpu.memref_slice %arg4[%dma_wait3A_1684, %dma_wait3A_1685] : memref<819200x32xf32, #tpu.memory_space<hbm>> -> memref<819200x32xf32, #tpu.memory_space<hbm>>
        tpu.wait_indirect_dma semaphore(%arg13 : memref<!tpu.dma_semaphore, #tpu.memory_space<semaphore_mem>>) src(%dma_wait3A_1680 : memref<128x32xf32, #tpu.memory_space<vmem>>) dst(%dma_wait3A_1686 : memref<819200x32xf32, #tpu.memory_space<hbm>>)
        %add3A_1687 = arith.constant 2 : i32
        %add3A_1688 = arith.addi %mul3A_1117, %add3A_1687 : i32
        %add3A_1689 = arith.addi %mul3A_4, %add3A_1688 : i32
        %mul3A_1690 = arith.constant 512 : i32
        %mul3A_1691 = arith.muli %add3A_1689, %mul3A_1690 : i32
        %get3A_1692 = arith.constant 0 : i32
        %get3A_1693 = arith.index_cast %get3A_1692 : i32 to index
        %get3A_1694 = arith.constant 0 : index
        %get3A_1695 = tpu.vector_load %arg6[%get3A_1693, %get3A_1694] {strides = array<i32>} : memref<4x128xi32, #tpu.memory_space<vmem>>, vector<1x16xi32>,
        %get3A_1696 = vector.shape_cast %get3A_1695 : vector<1x16xi32> to vector<16xi32>
        %add3A_1697 = vector.broadcast %mul3A_1691 : i32 to vector<16xi32>
        %add3A_1698 = arith.addi %get3A_1696, %add3A_1697 : vector<16xi32>
        %swap3A_1699 = arith.constant 0 : i32
        %swap3A_1700 = arith.index_cast %swap3A_1699 : i32 to index
        %swap3A_1701 = arith.constant 0 : index
        %swap3A_1702 = tpu.vector_load %arg7[%swap3A_1700, %swap3A_1701] {strides = array<i32>} : memref<4x128xi32, #tpu.memory_space<vmem>>, vector<1x16xi32>,
        %swap3A_1703 = vector.shape_cast %swap3A_1702 : vector<1x16xi32> to vector<16xi32>
        %swap3A_1704 = vector.shape_cast %add3A_1698 : vector<16xi32> to vector<1x16xi32>
        tpu.vector_store %arg7[%swap3A_1700, %swap3A_1701], %swap3A_1704 {strides = array<i32>} : memref<4x128xi32, #tpu.memory_space<vmem>>, vector<1x16xi32>,
        %get3A_1705 = arith.constant 0 : i32
        %get3A_1706 = arith.index_cast %get3A_1705 : i32 to index
        %get3A_1707 = arith.constant 16 : index
        %get3A_1708 = tpu.vector_load %arg6[%get3A_1706, %get3A_1707] {strides = array<i32>} : memref<4x128xi32, #tpu.memory_space<vmem>>, vector<1x16xi32>,
        %get3A_1709 = vector.shape_cast %get3A_1708 : vector<1x16xi32> to vector<16xi32>
        %add3A_1710 = vector.broadcast %mul3A_1691 : i32 to vector<16xi32>
        %add3A_1711 = arith.addi %get3A_1709, %add3A_1710 : vector<16xi32>
        %swap3A_1712 = arith.constant 0 : i32
        %swap3A_1713 = arith.index_cast %swap3A_1712 : i32 to index
        %swap3A_1714 = arith.constant 16 : index
        %swap3A_1715 = tpu.vector_load %arg7[%swap3A_1713, %swap3A_1714] {strides = array<i32>} : memref<4x128xi32, #tpu.memory_space<vmem>>, vector<1x16xi32>,
        %swap3A_1716 = vector.shape_cast %swap3A_1715 : vector<1x16xi32> to vector<16xi32>
        %swap3A_1717 = vector.shape_cast %add3A_1711 : vector<16xi32> to vector<1x16xi32>
        tpu.vector_store %arg7[%swap3A_1713, %swap3A_1714], %swap3A_1717 {strides = array<i32>} : memref<4x128xi32, #tpu.memory_space<vmem>>, vector<1x16xi32>,
        %get3A_1718 = arith.constant 0 : i32
        %get3A_1719 = arith.index_cast %get3A_1718 : i32 to index
        %get3A_1720 = arith.constant 32 : index
        %get3A_1721 = tpu.vector_load %arg6[%get3A_1719, %get3A_1720] {strides = array<i32>} : memref<4x128xi32, #tpu.memory_space<vmem>>, vector<1x16xi32>,
        %get3A_1722 = vector.shape_cast %get3A_1721 : vector<1x16xi32> to vector<16xi32>
        %add3A_1723 = vector.broadcast %mul3A_1691 : i32 to vector<16xi32>
        %add3A_1724 = arith.addi %get3A_1722, %add3A_1723 : vector<16xi32>
        %swap3A_1725 = arith.constant 0 : i32
        %swap3A_1726 = arith.index_cast %swap3A_1725 : i32 to index
        %swap3A_1727 = arith.constant 32 : index
        %swap3A_1728 = tpu.vector_load %arg7[%swap3A_1726, %swap3A_1727] {strides = array<i32>} : memref<4x128xi32, #tpu.memory_space<vmem>>, vector<1x16xi32>,
        %swap3A_1729 = vector.shape_cast %swap3A_1728 : vector<1x16xi32> to vector<16xi32>
        %swap3A_1730 = vector.shape_cast %add3A_1724 : vector<16xi32> to vector<1x16xi32>
        tpu.vector_store %arg7[%swap3A_1726, %swap3A_1727], %swap3A_1730 {strides = array<i32>} : memref<4x128xi32, #tpu.memory_space<vmem>>, vector<1x16xi32>,
        %get3A_1731 = arith.constant 0 : i32
        %get3A_1732 = arith.index_cast %get3A_1731 : i32 to index
        %get3A_1733 = arith.constant 48 : index
        %get3A_1734 = tpu.vector_load %arg6[%get3A_1732, %get3A_1733] {strides = array<i32>} : memref<4x128xi32, #tpu.memory_space<vmem>>, vector<1x16xi32>,
        %get3A_1735 = vector.shape_cast %get3A_1734 : vector<1x16xi32> to vector<16xi32>
        %add3A_1736 = vector.broadcast %mul3A_1691 : i32 to vector<16xi32>
        %add3A_1737 = arith.addi %get3A_1735, %add3A_1736 : vector<16xi32>
        %swap3A_1738 = arith.constant 0 : i32
        %swap3A_1739 = arith.index_cast %swap3A_1738 : i32 to index
        %swap3A_1740 = arith.constant 48 : index
        %swap3A_1741 = tpu.vector_load %arg7[%swap3A_1739, %swap3A_1740] {strides = array<i32>} : memref<4x128xi32, #tpu.memory_space<vmem>>, vector<1x16xi32>,
        %swap3A_1742 = vector.shape_cast %swap3A_1741 : vector<1x16xi32> to vector<16xi32>
        %swap3A_1743 = vector.shape_cast %add3A_1737 : vector<16xi32> to vector<1x16xi32>
        tpu.vector_store %arg7[%swap3A_1739, %swap3A_1740], %swap3A_1743 {strides = array<i32>} : memref<4x128xi32, #tpu.memory_space<vmem>>, vector<1x16xi32>,
        %get3A_1744 = arith.constant 0 : i32
        %get3A_1745 = arith.index_cast %get3A_1744 : i32 to index
        %get3A_1746 = arith.constant 64 : index
        %get3A_1747 = tpu.vector_load %arg6[%get3A_1745, %get3A_1746] {strides = array<i32>} : memref<4x128xi32, #tpu.memory_space<vmem>>, vector<1x16xi32>,
        %get3A_1748 = vector.shape_cast %get3A_1747 : vector<1x16xi32> to vector<16xi32>
        %add3A_1749 = vector.broadcast %mul3A_1691 : i32 to vector<16xi32>
        %add3A_1750 = arith.addi %get3A_1748, %add3A_1749 : vector<16xi32>
        %swap3A_1751 = arith.constant 0 : i32
        %swap3A_1752 = arith.index_cast %swap3A_1751 : i32 to index
        %swap3A_1753 = arith.constant 64 : index
        %swap3A_1754 = tpu.vector_load %arg7[%swap3A_1752, %swap3A_1753] {strides = array<i32>} : memref<4x128xi32, #tpu.memory_space<vmem>>, vector<1x16xi32>,
        %swap3A_1755 = vector.shape_cast %swap3A_1754 : vector<1x16xi32> to vector<16xi32>
        %swap3A_1756 = vector.shape_cast %add3A_1750 : vector<16xi32> to vector<1x16xi32>
        tpu.vector_store %arg7[%swap3A_1752, %swap3A_1753], %swap3A_1756 {strides = array<i32>} : memref<4x128xi32, #tpu.memory_space<vmem>>, vector<1x16xi32>,
        %get3A_1757 = arith.constant 0 : i32
        %get3A_1758 = arith.index_cast %get3A_1757 : i32 to index
        %get3A_1759 = arith.constant 80 : index
        %get3A_1760 = tpu.vector_load %arg6[%get3A_1758, %get3A_1759] {strides = array<i32>} : memref<4x128xi32, #tpu.memory_space<vmem>>, vector<1x16xi32>,
        %get3A_1761 = vector.shape_cast %get3A_1760 : vector<1x16xi32> to vector<16xi32>
        %add3A_1762 = vector.broadcast %mul3A_1691 : i32 to vector<16xi32>
        %add3A_1763 = arith.addi %get3A_1761, %add3A_1762 : vector<16xi32>
        %swap3A_1764 = arith.constant 0 : i32
        %swap3A_1765 = arith.index_cast %swap3A_1764 : i32 to index
        %swap3A_1766 = arith.constant 80 : index
        %swap3A_1767 = tpu.vector_load %arg7[%swap3A_1765, %swap3A_1766] {strides = array<i32>} : memref<4x128xi32, #tpu.memory_space<vmem>>, vector<1x16xi32>,
        %swap3A_1768 = vector.shape_cast %swap3A_1767 : vector<1x16xi32> to vector<16xi32>
        %swap3A_1769 = vector.shape_cast %add3A_1763 : vector<16xi32> to vector<1x16xi32>
        tpu.vector_store %arg7[%swap3A_1765, %swap3A_1766], %swap3A_1769 {strides = array<i32>} : memref<4x128xi32, #tpu.memory_space<vmem>>, vector<1x16xi32>,
        %get3A_1770 = arith.constant 0 : i32
        %get3A_1771 = arith.index_cast %get3A_1770 : i32 to index
        %get3A_1772 = arith.constant 96 : index
        %get3A_1773 = tpu.vector_load %arg6[%get3A_1771, %get3A_1772] {strides = array<i32>} : memref<4x128xi32, #tpu.memory_space<vmem>>, vector<1x16xi32>,
        %get3A_1774 = vector.shape_cast %get3A_1773 : vector<1x16xi32> to vector<16xi32>
        %add3A_1775 = vector.broadcast %mul3A_1691 : i32 to vector<16xi32>
        %add3A_1776 = arith.addi %get3A_1774, %add3A_1775 : vector<16xi32>
        %swap3A_1777 = arith.constant 0 : i32
        %swap3A_1778 = arith.index_cast %swap3A_1777 : i32 to index
        %swap3A_1779 = arith.constant 96 : index
        %swap3A_1780 = tpu.vector_load %arg7[%swap3A_1778, %swap3A_1779] {strides = array<i32>} : memref<4x128xi32, #tpu.memory_space<vmem>>, vector<1x16xi32>,
        %swap3A_1781 = vector.shape_cast %swap3A_1780 : vector<1x16xi32> to vector<16xi32>
        %swap3A_1782 = vector.shape_cast %add3A_1776 : vector<16xi32> to vector<1x16xi32>
        tpu.vector_store %arg7[%swap3A_1778, %swap3A_1779], %swap3A_1782 {strides = array<i32>} : memref<4x128xi32, #tpu.memory_space<vmem>>, vector<1x16xi32>,
        %get3A_1783 = arith.constant 0 : i32
        %get3A_1784 = arith.index_cast %get3A_1783 : i32 to index
        %get3A_1785 = arith.constant 112 : index
        %get3A_1786 = tpu.vector_load %arg6[%get3A_1784, %get3A_1785] {strides = array<i32>} : memref<4x128xi32, #tpu.memory_space<vmem>>, vector<1x16xi32>,
        %get3A_1787 = vector.shape_cast %get3A_1786 : vector<1x16xi32> to vector<16xi32>
        %add3A_1788 = vector.broadcast %mul3A_1691 : i32 to vector<16xi32>
        %add3A_1789 = arith.addi %get3A_1787, %add3A_1788 : vector<16xi32>
        %swap3A_1790 = arith.constant 0 : i32
        %swap3A_1791 = arith.index_cast %swap3A_1790 : i32 to index
        %swap3A_1792 = arith.constant 112 : index
        %swap3A_1793 = tpu.vector_load %arg7[%swap3A_1791, %swap3A_1792] {strides = array<i32>} : memref<4x128xi32, #tpu.memory_space<vmem>>, vector<1x16xi32>,
        %swap3A_1794 = vector.shape_cast %swap3A_1793 : vector<1x16xi32> to vector<16xi32>
        %swap3A_1795 = vector.shape_cast %add3A_1789 : vector<16xi32> to vector<1x16xi32>
        tpu.vector_store %arg7[%swap3A_1791, %swap3A_1792], %swap3A_1795 {strides = array<i32>} : memref<4x128xi32, #tpu.memory_space<vmem>>, vector<1x16xi32>,
        %get3A_1796 = arith.constant 1 : i32
        %get3A_1797 = arith.index_cast %get3A_1796 : i32 to index
        %get3A_1798 = arith.constant 0 : index
        %get3A_1799 = tpu.vector_load %arg6[%get3A_1797, %get3A_1798] {strides = array<i32>} : memref<4x128xi32, #tpu.memory_space<vmem>>, vector<1x16xi32>,
        %get3A_1800 = vector.shape_cast %get3A_1799 : vector<1x16xi32> to vector<16xi32>
        %add3A_1801 = vector.broadcast %mul3A_1691 : i32 to vector<16xi32>
        %add3A_1802 = arith.addi %get3A_1800, %add3A_1801 : vector<16xi32>
        %swap3A_1803 = arith.constant 1 : i32
        %swap3A_1804 = arith.index_cast %swap3A_1803 : i32 to index
        %swap3A_1805 = arith.constant 0 : index
        %swap3A_1806 = tpu.vector_load %arg7[%swap3A_1804, %swap3A_1805] {strides = array<i32>} : memref<4x128xi32, #tpu.memory_space<vmem>>, vector<1x16xi32>,
        %swap3A_1807 = vector.shape_cast %swap3A_1806 : vector<1x16xi32> to vector<16xi32>
        %swap3A_1808 = vector.shape_cast %add3A_1802 : vector<16xi32> to vector<1x16xi32>
        tpu.vector_store %arg7[%swap3A_1804, %swap3A_1805], %swap3A_1808 {strides = array<i32>} : memref<4x128xi32, #tpu.memory_space<vmem>>, vector<1x16xi32>,
        %get3A_1809 = arith.constant 1 : i32
        %get3A_1810 = arith.index_cast %get3A_1809 : i32 to index
        %get3A_1811 = arith.constant 16 : index
        %get3A_1812 = tpu.vector_load %arg6[%get3A_1810, %get3A_1811] {strides = array<i32>} : memref<4x128xi32, #tpu.memory_space<vmem>>, vector<1x16xi32>,
        %get3A_1813 = vector.shape_cast %get3A_1812 : vector<1x16xi32> to vector<16xi32>
        %add3A_1814 = vector.broadcast %mul3A_1691 : i32 to vector<16xi32>
        %add3A_1815 = arith.addi %get3A_1813, %add3A_1814 : vector<16xi32>
        %swap3A_1816 = arith.constant 1 : i32
        %swap3A_1817 = arith.index_cast %swap3A_1816 : i32 to index
        %swap3A_1818 = arith.constant 16 : index
        %swap3A_1819 = tpu.vector_load %arg7[%swap3A_1817, %swap3A_1818] {strides = array<i32>} : memref<4x128xi32, #tpu.memory_space<vmem>>, vector<1x16xi32>,
        %swap3A_1820 = vector.shape_cast %swap3A_1819 : vector<1x16xi32> to vector<16xi32>
        %swap3A_1821 = vector.shape_cast %add3A_1815 : vector<16xi32> to vector<1x16xi32>
        tpu.vector_store %arg7[%swap3A_1817, %swap3A_1818], %swap3A_1821 {strides = array<i32>} : memref<4x128xi32, #tpu.memory_space<vmem>>, vector<1x16xi32>,
        %get3A_1822 = arith.constant 1 : i32
        %get3A_1823 = arith.index_cast %get3A_1822 : i32 to index
        %get3A_1824 = arith.constant 32 : index
        %get3A_1825 = tpu.vector_load %arg6[%get3A_1823, %get3A_1824] {strides = array<i32>} : memref<4x128xi32, #tpu.memory_space<vmem>>, vector<1x16xi32>,
        %get3A_1826 = vector.shape_cast %get3A_1825 : vector<1x16xi32> to vector<16xi32>
        %add3A_1827 = vector.broadcast %mul3A_1691 : i32 to vector<16xi32>
        %add3A_1828 = arith.addi %get3A_1826, %add3A_1827 : vector<16xi32>
        %swap3A_1829 = arith.constant 1 : i32
        %swap3A_1830 = arith.index_cast %swap3A_1829 : i32 to index
        %swap3A_1831 = arith.constant 32 : index
        %swap3A_1832 = tpu.vector_load %arg7[%swap3A_1830, %swap3A_1831] {strides = array<i32>} : memref<4x128xi32, #tpu.memory_space<vmem>>, vector<1x16xi32>,
        %swap3A_1833 = vector.shape_cast %swap3A_1832 : vector<1x16xi32> to vector<16xi32>
        %swap3A_1834 = vector.shape_cast %add3A_1828 : vector<16xi32> to vector<1x16xi32>
        tpu.vector_store %arg7[%swap3A_1830, %swap3A_1831], %swap3A_1834 {strides = array<i32>} : memref<4x128xi32, #tpu.memory_space<vmem>>, vector<1x16xi32>,
        %get3A_1835 = arith.constant 1 : i32
        %get3A_1836 = arith.index_cast %get3A_1835 : i32 to index
        %get3A_1837 = arith.constant 48 : index
        %get3A_1838 = tpu.vector_load %arg6[%get3A_1836, %get3A_1837] {strides = array<i32>} : memref<4x128xi32, #tpu.memory_space<vmem>>, vector<1x16xi32>,
        %get3A_1839 = vector.shape_cast %get3A_1838 : vector<1x16xi32> to vector<16xi32>
        %add3A_1840 = vector.broadcast %mul3A_1691 : i32 to vector<16xi32>
        %add3A_1841 = arith.addi %get3A_1839, %add3A_1840 : vector<16xi32>
        %swap3A_1842 = arith.constant 1 : i32
        %swap3A_1843 = arith.index_cast %swap3A_1842 : i32 to index
        %swap3A_1844 = arith.constant 48 : index
        %swap3A_1845 = tpu.vector_load %arg7[%swap3A_1843, %swap3A_1844] {strides = array<i32>} : memref<4x128xi32, #tpu.memory_space<vmem>>, vector<1x16xi32>,
        %swap3A_1846 = vector.shape_cast %swap3A_1845 : vector<1x16xi32> to vector<16xi32>
        %swap3A_1847 = vector.shape_cast %add3A_1841 : vector<16xi32> to vector<1x16xi32>
        tpu.vector_store %arg7[%swap3A_1843, %swap3A_1844], %swap3A_1847 {strides = array<i32>} : memref<4x128xi32, #tpu.memory_space<vmem>>, vector<1x16xi32>,
        %get3A_1848 = arith.constant 1 : i32
        %get3A_1849 = arith.index_cast %get3A_1848 : i32 to index
        %get3A_1850 = arith.constant 64 : index
        %get3A_1851 = tpu.vector_load %arg6[%get3A_1849, %get3A_1850] {strides = array<i32>} : memref<4x128xi32, #tpu.memory_space<vmem>>, vector<1x16xi32>,
        %get3A_1852 = vector.shape_cast %get3A_1851 : vector<1x16xi32> to vector<16xi32>
        %add3A_1853 = vector.broadcast %mul3A_1691 : i32 to vector<16xi32>
        %add3A_1854 = arith.addi %get3A_1852, %add3A_1853 : vector<16xi32>
        %swap3A_1855 = arith.constant 1 : i32
        %swap3A_1856 = arith.index_cast %swap3A_1855 : i32 to index
        %swap3A_1857 = arith.constant 64 : index
        %swap3A_1858 = tpu.vector_load %arg7[%swap3A_1856, %swap3A_1857] {strides = array<i32>} : memref<4x128xi32, #tpu.memory_space<vmem>>, vector<1x16xi32>,
        %swap3A_1859 = vector.shape_cast %swap3A_1858 : vector<1x16xi32> to vector<16xi32>
        %swap3A_1860 = vector.shape_cast %add3A_1854 : vector<16xi32> to vector<1x16xi32>
        tpu.vector_store %arg7[%swap3A_1856, %swap3A_1857], %swap3A_1860 {strides = array<i32>} : memref<4x128xi32, #tpu.memory_space<vmem>>, vector<1x16xi32>,
        %get3A_1861 = arith.constant 1 : i32
        %get3A_1862 = arith.index_cast %get3A_1861 : i32 to index
        %get3A_1863 = arith.constant 80 : index
        %get3A_1864 = tpu.vector_load %arg6[%get3A_1862, %get3A_1863] {strides = array<i32>} : memref<4x128xi32, #tpu.memory_space<vmem>>, vector<1x16xi32>,
        %get3A_1865 = vector.shape_cast %get3A_1864 : vector<1x16xi32> to vector<16xi32>
        %add3A_1866 = vector.broadcast %mul3A_1691 : i32 to vector<16xi32>
        %add3A_1867 = arith.addi %get3A_1865, %add3A_1866 : vector<16xi32>
        %swap3A_1868 = arith.constant 1 : i32
        %swap3A_1869 = arith.index_cast %swap3A_1868 : i32 to index
        %swap3A_1870 = arith.constant 80 : index
        %swap3A_1871 = tpu.vector_load %arg7[%swap3A_1869, %swap3A_1870] {strides = array<i32>} : memref<4x128xi32, #tpu.memory_space<vmem>>, vector<1x16xi32>,
        %swap3A_1872 = vector.shape_cast %swap3A_1871 : vector<1x16xi32> to vector<16xi32>
        %swap3A_1873 = vector.shape_cast %add3A_1867 : vector<16xi32> to vector<1x16xi32>
        tpu.vector_store %arg7[%swap3A_1869, %swap3A_1870], %swap3A_1873 {strides = array<i32>} : memref<4x128xi32, #tpu.memory_space<vmem>>, vector<1x16xi32>,
        %get3A_1874 = arith.constant 1 : i32
        %get3A_1875 = arith.index_cast %get3A_1874 : i32 to index
        %get3A_1876 = arith.constant 96 : index
        %get3A_1877 = tpu.vector_load %arg6[%get3A_1875, %get3A_1876] {strides = array<i32>} : memref<4x128xi32, #tpu.memory_space<vmem>>, vector<1x16xi32>,
        %get3A_1878 = vector.shape_cast %get3A_1877 : vector<1x16xi32> to vector<16xi32>
        %add3A_1879 = vector.broadcast %mul3A_1691 : i32 to vector<16xi32>
        %add3A_1880 = arith.addi %get3A_1878, %add3A_1879 : vector<16xi32>
        %swap3A_1881 = arith.constant 1 : i32
        %swap3A_1882 = arith.index_cast %swap3A_1881 : i32 to index
        %swap3A_1883 = arith.constant 96 : index
        %swap3A_1884 = tpu.vector_load %arg7[%swap3A_1882, %swap3A_1883] {strides = array<i32>} : memref<4x128xi32, #tpu.memory_space<vmem>>, vector<1x16xi32>,
        %swap3A_1885 = vector.shape_cast %swap3A_1884 : vector<1x16xi32> to vector<16xi32>
        %swap3A_1886 = vector.shape_cast %add3A_1880 : vector<16xi32> to vector<1x16xi32>
        tpu.vector_store %arg7[%swap3A_1882, %swap3A_1883], %swap3A_1886 {strides = array<i32>} : memref<4x128xi32, #tpu.memory_space<vmem>>, vector<1x16xi32>,
        %get3A_1887 = arith.constant 1 : i32
        %get3A_1888 = arith.index_cast %get3A_1887 : i32 to index
        %get3A_1889 = arith.constant 112 : index
        %get3A_1890 = tpu.vector_load %arg6[%get3A_1888, %get3A_1889] {strides = array<i32>} : memref<4x128xi32, #tpu.memory_space<vmem>>, vector<1x16xi32>,
        %get3A_1891 = vector.shape_cast %get3A_1890 : vector<1x16xi32> to vector<16xi32>
        %add3A_1892 = vector.broadcast %mul3A_1691 : i32 to vector<16xi32>
        %add3A_1893 = arith.addi %get3A_1891, %add3A_1892 : vector<16xi32>
        %swap3A_1894 = arith.constant 1 : i32
        %swap3A_1895 = arith.index_cast %swap3A_1894 : i32 to index
        %swap3A_1896 = arith.constant 112 : index
        %swap3A_1897 = tpu.vector_load %arg7[%swap3A_1895, %swap3A_1896] {strides = array<i32>} : memref<4x128xi32, #tpu.memory_space<vmem>>, vector<1x16xi32>,
        %swap3A_1898 = vector.shape_cast %swap3A_1897 : vector<1x16xi32> to vector<16xi32>
        %swap3A_1899 = vector.shape_cast %add3A_1893 : vector<16xi32> to vector<1x16xi32>
        tpu.vector_store %arg7[%swap3A_1895, %swap3A_1896], %swap3A_1899 {strides = array<i32>} : memref<4x128xi32, #tpu.memory_space<vmem>>, vector<1x16xi32>,
        %get3A_1900 = arith.constant 2 : i32
        %get3A_1901 = arith.index_cast %get3A_1900 : i32 to index
        %get3A_1902 = arith.constant 0 : index
        %get3A_1903 = tpu.vector_load %arg6[%get3A_1901, %get3A_1902] {strides = array<i32>} : memref<4x128xi32, #tpu.memory_space<vmem>>, vector<1x16xi32>,
        %get3A_1904 = vector.shape_cast %get3A_1903 : vector<1x16xi32> to vector<16xi32>
        %add3A_1905 = vector.broadcast %mul3A_1691 : i32 to vector<16xi32>
        %add3A_1906 = arith.addi %get3A_1904, %add3A_1905 : vector<16xi32>
        %swap3A_1907 = arith.constant 2 : i32
        %swap3A_1908 = arith.index_cast %swap3A_1907 : i32 to index
        %swap3A_1909 = arith.constant 0 : index
        %swap3A_1910 = tpu.vector_load %arg7[%swap3A_1908, %swap3A_1909] {strides = array<i32>} : memref<4x128xi32, #tpu.memory_space<vmem>>, vector<1x16xi32>,
        %swap3A_1911 = vector.shape_cast %swap3A_1910 : vector<1x16xi32> to vector<16xi32>
        %swap3A_1912 = vector.shape_cast %add3A_1906 : vector<16xi32> to vector<1x16xi32>
        tpu.vector_store %arg7[%swap3A_1908, %swap3A_1909], %swap3A_1912 {strides = array<i32>} : memref<4x128xi32, #tpu.memory_space<vmem>>, vector<1x16xi32>,
        %get3A_1913 = arith.constant 2 : i32
        %get3A_1914 = arith.index_cast %get3A_1913 : i32 to index
        %get3A_1915 = arith.constant 16 : index
        %get3A_1916 = tpu.vector_load %arg6[%get3A_1914, %get3A_1915] {strides = array<i32>} : memref<4x128xi32, #tpu.memory_space<vmem>>, vector<1x16xi32>,
        %get3A_1917 = vector.shape_cast %get3A_1916 : vector<1x16xi32> to vector<16xi32>
        %add3A_1918 = vector.broadcast %mul3A_1691 : i32 to vector<16xi32>
        %add3A_1919 = arith.addi %get3A_1917, %add3A_1918 : vector<16xi32>
        %swap3A_1920 = arith.constant 2 : i32
        %swap3A_1921 = arith.index_cast %swap3A_1920 : i32 to index
        %swap3A_1922 = arith.constant 16 : index
        %swap3A_1923 = tpu.vector_load %arg7[%swap3A_1921, %swap3A_1922] {strides = array<i32>} : memref<4x128xi32, #tpu.memory_space<vmem>>, vector<1x16xi32>,
        %swap3A_1924 = vector.shape_cast %swap3A_1923 : vector<1x16xi32> to vector<16xi32>
        %swap3A_1925 = vector.shape_cast %add3A_1919 : vector<16xi32> to vector<1x16xi32>
        tpu.vector_store %arg7[%swap3A_1921, %swap3A_1922], %swap3A_1925 {strides = array<i32>} : memref<4x128xi32, #tpu.memory_space<vmem>>, vector<1x16xi32>,
        %get3A_1926 = arith.constant 2 : i32
        %get3A_1927 = arith.index_cast %get3A_1926 : i32 to index
        %get3A_1928 = arith.constant 32 : index
        %get3A_1929 = tpu.vector_load %arg6[%get3A_1927, %get3A_1928] {strides = array<i32>} : memref<4x128xi32, #tpu.memory_space<vmem>>, vector<1x16xi32>,
        %get3A_1930 = vector.shape_cast %get3A_1929 : vector<1x16xi32> to vector<16xi32>
        %add3A_1931 = vector.broadcast %mul3A_1691 : i32 to vector<16xi32>
        %add3A_1932 = arith.addi %get3A_1930, %add3A_1931 : vector<16xi32>
        %swap3A_1933 = arith.constant 2 : i32
        %swap3A_1934 = arith.index_cast %swap3A_1933 : i32 to index
        %swap3A_1935 = arith.constant 32 : index
        %swap3A_1936 = tpu.vector_load %arg7[%swap3A_1934, %swap3A_1935] {strides = array<i32>} : memref<4x128xi32, #tpu.memory_space<vmem>>, vector<1x16xi32>,
        %swap3A_1937 = vector.shape_cast %swap3A_1936 : vector<1x16xi32> to vector<16xi32>
        %swap3A_1938 = vector.shape_cast %add3A_1932 : vector<16xi32> to vector<1x16xi32>
        tpu.vector_store %arg7[%swap3A_1934, %swap3A_1935], %swap3A_1938 {strides = array<i32>} : memref<4x128xi32, #tpu.memory_space<vmem>>, vector<1x16xi32>,
        %get3A_1939 = arith.constant 2 : i32
        %get3A_1940 = arith.index_cast %get3A_1939 : i32 to index
        %get3A_1941 = arith.constant 48 : index
        %get3A_1942 = tpu.vector_load %arg6[%get3A_1940, %get3A_1941] {strides = array<i32>} : memref<4x128xi32, #tpu.memory_space<vmem>>, vector<1x16xi32>,
        %get3A_1943 = vector.shape_cast %get3A_1942 : vector<1x16xi32> to vector<16xi32>
        %add3A_1944 = vector.broadcast %mul3A_1691 : i32 to vector<16xi32>
        %add3A_1945 = arith.addi %get3A_1943, %add3A_1944 : vector<16xi32>
        %swap3A_1946 = arith.constant 2 : i32
        %swap3A_1947 = arith.index_cast %swap3A_1946 : i32 to index
        %swap3A_1948 = arith.constant 48 : index
        %swap3A_1949 = tpu.vector_load %arg7[%swap3A_1947, %swap3A_1948] {strides = array<i32>} : memref<4x128xi32, #tpu.memory_space<vmem>>, vector<1x16xi32>,
        %swap3A_1950 = vector.shape_cast %swap3A_1949 : vector<1x16xi32> to vector<16xi32>
        %swap3A_1951 = vector.shape_cast %add3A_1945 : vector<16xi32> to vector<1x16xi32>
        tpu.vector_store %arg7[%swap3A_1947, %swap3A_1948], %swap3A_1951 {strides = array<i32>} : memref<4x128xi32, #tpu.memory_space<vmem>>, vector<1x16xi32>,
        %get3A_1952 = arith.constant 2 : i32
        %get3A_1953 = arith.index_cast %get3A_1952 : i32 to index
        %get3A_1954 = arith.constant 64 : index
        %get3A_1955 = tpu.vector_load %arg6[%get3A_1953, %get3A_1954] {strides = array<i32>} : memref<4x128xi32, #tpu.memory_space<vmem>>, vector<1x16xi32>,
        %get3A_1956 = vector.shape_cast %get3A_1955 : vector<1x16xi32> to vector<16xi32>
        %add3A_1957 = vector.broadcast %mul3A_1691 : i32 to vector<16xi32>
        %add3A_1958 = arith.addi %get3A_1956, %add3A_1957 : vector<16xi32>
        %swap3A_1959 = arith.constant 2 : i32
        %swap3A_1960 = arith.index_cast %swap3A_1959 : i32 to index
        %swap3A_1961 = arith.constant 64 : index
        %swap3A_1962 = tpu.vector_load %arg7[%swap3A_1960, %swap3A_1961] {strides = array<i32>} : memref<4x128xi32, #tpu.memory_space<vmem>>, vector<1x16xi32>,
        %swap3A_1963 = vector.shape_cast %swap3A_1962 : vector<1x16xi32> to vector<16xi32>
        %swap3A_1964 = vector.shape_cast %add3A_1958 : vector<16xi32> to vector<1x16xi32>
        tpu.vector_store %arg7[%swap3A_1960, %swap3A_1961], %swap3A_1964 {strides = array<i32>} : memref<4x128xi32, #tpu.memory_space<vmem>>, vector<1x16xi32>,
        %get3A_1965 = arith.constant 2 : i32
        %get3A_1966 = arith.index_cast %get3A_1965 : i32 to index
        %get3A_1967 = arith.constant 80 : index
        %get3A_1968 = tpu.vector_load %arg6[%get3A_1966, %get3A_1967] {strides = array<i32>} : memref<4x128xi32, #tpu.memory_space<vmem>>, vector<1x16xi32>,
        %get3A_1969 = vector.shape_cast %get3A_1968 : vector<1x16xi32> to vector<16xi32>
        %add3A_1970 = vector.broadcast %mul3A_1691 : i32 to vector<16xi32>
        %add3A_1971 = arith.addi %get3A_1969, %add3A_1970 : vector<16xi32>
        %swap3A_1972 = arith.constant 2 : i32
        %swap3A_1973 = arith.index_cast %swap3A_1972 : i32 to index
        %swap3A_1974 = arith.constant 80 : index
        %swap3A_1975 = tpu.vector_load %arg7[%swap3A_1973, %swap3A_1974] {strides = array<i32>} : memref<4x128xi32, #tpu.memory_space<vmem>>, vector<1x16xi32>,
        %swap3A_1976 = vector.shape_cast %swap3A_1975 : vector<1x16xi32> to vector<16xi32>
        %swap3A_1977 = vector.shape_cast %add3A_1971 : vector<16xi32> to vector<1x16xi32>
        tpu.vector_store %arg7[%swap3A_1973, %swap3A_1974], %swap3A_1977 {strides = array<i32>} : memref<4x128xi32, #tpu.memory_space<vmem>>, vector<1x16xi32>,
        %get3A_1978 = arith.constant 2 : i32
        %get3A_1979 = arith.index_cast %get3A_1978 : i32 to index
        %get3A_1980 = arith.constant 96 : index
        %get3A_1981 = tpu.vector_load %arg6[%get3A_1979, %get3A_1980] {strides = array<i32>} : memref<4x128xi32, #tpu.memory_space<vmem>>, vector<1x16xi32>,
        %get3A_1982 = vector.shape_cast %get3A_1981 : vector<1x16xi32> to vector<16xi32>
        %add3A_1983 = vector.broadcast %mul3A_1691 : i32 to vector<16xi32>
        %add3A_1984 = arith.addi %get3A_1982, %add3A_1983 : vector<16xi32>
        %swap3A_1985 = arith.constant 2 : i32
        %swap3A_1986 = arith.index_cast %swap3A_1985 : i32 to index
        %swap3A_1987 = arith.constant 96 : index
        %swap3A_1988 = tpu.vector_load %arg7[%swap3A_1986, %swap3A_1987] {strides = array<i32>} : memref<4x128xi32, #tpu.memory_space<vmem>>, vector<1x16xi32>,
        %swap3A_1989 = vector.shape_cast %swap3A_1988 : vector<1x16xi32> to vector<16xi32>
        %swap3A_1990 = vector.shape_cast %add3A_1984 : vector<16xi32> to vector<1x16xi32>
        tpu.vector_store %arg7[%swap3A_1986, %swap3A_1987], %swap3A_1990 {strides = array<i32>} : memref<4x128xi32, #tpu.memory_space<vmem>>, vector<1x16xi32>,
        %get3A_1991 = arith.constant 2 : i32
        %get3A_1992 = arith.index_cast %get3A_1991 : i32 to index
        %get3A_1993 = arith.constant 112 : index
        %get3A_1994 = tpu.vector_load %arg6[%get3A_1992, %get3A_1993] {strides = array<i32>} : memref<4x128xi32, #tpu.memory_space<vmem>>, vector<1x16xi32>,
        %get3A_1995 = vector.shape_cast %get3A_1994 : vector<1x16xi32> to vector<16xi32>
        %add3A_1996 = vector.broadcast %mul3A_1691 : i32 to vector<16xi32>
        %add3A_1997 = arith.addi %get3A_1995, %add3A_1996 : vector<16xi32>
        %swap3A_1998 = arith.constant 2 : i32
        %swap3A_1999 = arith.index_cast %swap3A_1998 : i32 to index
        %swap3A_2000 = arith.constant 112 : index
        %swap3A_2001 = tpu.vector_load %arg7[%swap3A_1999, %swap3A_2000] {strides = array<i32>} : memref<4x128xi32, #tpu.memory_space<vmem>>, vector<1x16xi32>,
        %swap3A_2002 = vector.shape_cast %swap3A_2001 : vector<1x16xi32> to vector<16xi32>
        %swap3A_2003 = vector.shape_cast %add3A_1997 : vector<16xi32> to vector<1x16xi32>
        tpu.vector_store %arg7[%swap3A_1999, %swap3A_2000], %swap3A_2003 {strides = array<i32>} : memref<4x128xi32, #tpu.memory_space<vmem>>, vector<1x16xi32>,
        %get3A_2004 = arith.constant 3 : i32
        %get3A_2005 = arith.index_cast %get3A_2004 : i32 to index
        %get3A_2006 = arith.constant 0 : index
        %get3A_2007 = tpu.vector_load %arg6[%get3A_2005, %get3A_2006] {strides = array<i32>} : memref<4x128xi32, #tpu.memory_space<vmem>>, vector<1x16xi32>,
        %get3A_2008 = vector.shape_cast %get3A_2007 : vector<1x16xi32> to vector<16xi32>
        %add3A_2009 = vector.broadcast %mul3A_1691 : i32 to vector<16xi32>
        %add3A_2010 = arith.addi %get3A_2008, %add3A_2009 : vector<16xi32>
        %swap3A_2011 = arith.constant 3 : i32
        %swap3A_2012 = arith.index_cast %swap3A_2011 : i32 to index
        %swap3A_2013 = arith.constant 0 : index
        %swap3A_2014 = tpu.vector_load %arg7[%swap3A_2012, %swap3A_2013] {strides = array<i32>} : memref<4x128xi32, #tpu.memory_space<vmem>>, vector<1x16xi32>,
        %swap3A_2015 = vector.shape_cast %swap3A_2014 : vector<1x16xi32> to vector<16xi32>
        %swap3A_2016 = vector.shape_cast %add3A_2010 : vector<16xi32> to vector<1x16xi32>
        tpu.vector_store %arg7[%swap3A_2012, %swap3A_2013], %swap3A_2016 {strides = array<i32>} : memref<4x128xi32, #tpu.memory_space<vmem>>, vector<1x16xi32>,
        %get3A_2017 = arith.constant 3 : i32
        %get3A_2018 = arith.index_cast %get3A_2017 : i32 to index
        %get3A_2019 = arith.constant 16 : index
        %get3A_2020 = tpu.vector_load %arg6[%get3A_2018, %get3A_2019] {strides = array<i32>} : memref<4x128xi32, #tpu.memory_space<vmem>>, vector<1x16xi32>,
        %get3A_2021 = vector.shape_cast %get3A_2020 : vector<1x16xi32> to vector<16xi32>
        %add3A_2022 = vector.broadcast %mul3A_1691 : i32 to vector<16xi32>
        %add3A_2023 = arith.addi %get3A_2021, %add3A_2022 : vector<16xi32>
        %swap3A_2024 = arith.constant 3 : i32
        %swap3A_2025 = arith.index_cast %swap3A_2024 : i32 to index
        %swap3A_2026 = arith.constant 16 : index
        %swap3A_2027 = tpu.vector_load %arg7[%swap3A_2025, %swap3A_2026] {strides = array<i32>} : memref<4x128xi32, #tpu.memory_space<vmem>>, vector<1x16xi32>,
        %swap3A_2028 = vector.shape_cast %swap3A_2027 : vector<1x16xi32> to vector<16xi32>
        %swap3A_2029 = vector.shape_cast %add3A_2023 : vector<16xi32> to vector<1x16xi32>
        tpu.vector_store %arg7[%swap3A_2025, %swap3A_2026], %swap3A_2029 {strides = array<i32>} : memref<4x128xi32, #tpu.memory_space<vmem>>, vector<1x16xi32>,
        %get3A_2030 = arith.constant 3 : i32
        %get3A_2031 = arith.index_cast %get3A_2030 : i32 to index
        %get3A_2032 = arith.constant 32 : index
        %get3A_2033 = tpu.vector_load %arg6[%get3A_2031, %get3A_2032] {strides = array<i32>} : memref<4x128xi32, #tpu.memory_space<vmem>>, vector<1x16xi32>,
        %get3A_2034 = vector.shape_cast %get3A_2033 : vector<1x16xi32> to vector<16xi32>
        %add3A_2035 = vector.broadcast %mul3A_1691 : i32 to vector<16xi32>
        %add3A_2036 = arith.addi %get3A_2034, %add3A_2035 : vector<16xi32>
        %swap3A_2037 = arith.constant 3 : i32
        %swap3A_2038 = arith.index_cast %swap3A_2037 : i32 to index
        %swap3A_2039 = arith.constant 32 : index
        %swap3A_2040 = tpu.vector_load %arg7[%swap3A_2038, %swap3A_2039] {strides = array<i32>} : memref<4x128xi32, #tpu.memory_space<vmem>>, vector<1x16xi32>,
        %swap3A_2041 = vector.shape_cast %swap3A_2040 : vector<1x16xi32> to vector<16xi32>
        %swap3A_2042 = vector.shape_cast %add3A_2036 : vector<16xi32> to vector<1x16xi32>
        tpu.vector_store %arg7[%swap3A_2038, %swap3A_2039], %swap3A_2042 {strides = array<i32>} : memref<4x128xi32, #tpu.memory_space<vmem>>, vector<1x16xi32>,
        %get3A_2043 = arith.constant 3 : i32
        %get3A_2044 = arith.index_cast %get3A_2043 : i32 to index
        %get3A_2045 = arith.constant 48 : index
        %get3A_2046 = tpu.vector_load %arg6[%get3A_2044, %get3A_2045] {strides = array<i32>} : memref<4x128xi32, #tpu.memory_space<vmem>>, vector<1x16xi32>,
        %get3A_2047 = vector.shape_cast %get3A_2046 : vector<1x16xi32> to vector<16xi32>
        %add3A_2048 = vector.broadcast %mul3A_1691 : i32 to vector<16xi32>
        %add3A_2049 = arith.addi %get3A_2047, %add3A_2048 : vector<16xi32>
        %swap3A_2050 = arith.constant 3 : i32
        %swap3A_2051 = arith.index_cast %swap3A_2050 : i32 to index
        %swap3A_2052 = arith.constant 48 : index
        %swap3A_2053 = tpu.vector_load %arg7[%swap3A_2051, %swap3A_2052] {strides = array<i32>} : memref<4x128xi32, #tpu.memory_space<vmem>>, vector<1x16xi32>,
        %swap3A_2054 = vector.shape_cast %swap3A_2053 : vector<1x16xi32> to vector<16xi32>
        %swap3A_2055 = vector.shape_cast %add3A_2049 : vector<16xi32> to vector<1x16xi32>
        tpu.vector_store %arg7[%swap3A_2051, %swap3A_2052], %swap3A_2055 {strides = array<i32>} : memref<4x128xi32, #tpu.memory_space<vmem>>, vector<1x16xi32>,
        %get3A_2056 = arith.constant 3 : i32
        %get3A_2057 = arith.index_cast %get3A_2056 : i32 to index
        %get3A_2058 = arith.constant 64 : index
        %get3A_2059 = tpu.vector_load %arg6[%get3A_2057, %get3A_2058] {strides = array<i32>} : memref<4x128xi32, #tpu.memory_space<vmem>>, vector<1x16xi32>,
        %get3A_2060 = vector.shape_cast %get3A_2059 : vector<1x16xi32> to vector<16xi32>
        %add3A_2061 = vector.broadcast %mul3A_1691 : i32 to vector<16xi32>
        %add3A_2062 = arith.addi %get3A_2060, %add3A_2061 : vector<16xi32>
        %swap3A_2063 = arith.constant 3 : i32
        %swap3A_2064 = arith.index_cast %swap3A_2063 : i32 to index
        %swap3A_2065 = arith.constant 64 : index
        %swap3A_2066 = tpu.vector_load %arg7[%swap3A_2064, %swap3A_2065] {strides = array<i32>} : memref<4x128xi32, #tpu.memory_space<vmem>>, vector<1x16xi32>,
        %swap3A_2067 = vector.shape_cast %swap3A_2066 : vector<1x16xi32> to vector<16xi32>
        %swap3A_2068 = vector.shape_cast %add3A_2062 : vector<16xi32> to vector<1x16xi32>
        tpu.vector_store %arg7[%swap3A_2064, %swap3A_2065], %swap3A_2068 {strides = array<i32>} : memref<4x128xi32, #tpu.memory_space<vmem>>, vector<1x16xi32>,
        %get3A_2069 = arith.constant 3 : i32
        %get3A_2070 = arith.index_cast %get3A_2069 : i32 to index
        %get3A_2071 = arith.constant 80 : index
        %get3A_2072 = tpu.vector_load %arg6[%get3A_2070, %get3A_2071] {strides = array<i32>} : memref<4x128xi32, #tpu.memory_space<vmem>>, vector<1x16xi32>,
        %get3A_2073 = vector.shape_cast %get3A_2072 : vector<1x16xi32> to vector<16xi32>
        %add3A_2074 = vector.broadcast %mul3A_1691 : i32 to vector<16xi32>
        %add3A_2075 = arith.addi %get3A_2073, %add3A_2074 : vector<16xi32>
        %swap3A_2076 = arith.constant 3 : i32
        %swap3A_2077 = arith.index_cast %swap3A_2076 : i32 to index
        %swap3A_2078 = arith.constant 80 : index
        %swap3A_2079 = tpu.vector_load %arg7[%swap3A_2077, %swap3A_2078] {strides = array<i32>} : memref<4x128xi32, #tpu.memory_space<vmem>>, vector<1x16xi32>,
        %swap3A_2080 = vector.shape_cast %swap3A_2079 : vector<1x16xi32> to vector<16xi32>
        %swap3A_2081 = vector.shape_cast %add3A_2075 : vector<16xi32> to vector<1x16xi32>
        tpu.vector_store %arg7[%swap3A_2077, %swap3A_2078], %swap3A_2081 {strides = array<i32>} : memref<4x128xi32, #tpu.memory_space<vmem>>, vector<1x16xi32>,
        %get3A_2082 = arith.constant 3 : i32
        %get3A_2083 = arith.index_cast %get3A_2082 : i32 to index
        %get3A_2084 = arith.constant 96 : index
        %get3A_2085 = tpu.vector_load %arg6[%get3A_2083, %get3A_2084] {strides = array<i32>} : memref<4x128xi32, #tpu.memory_space<vmem>>, vector<1x16xi32>,
        %get3A_2086 = vector.shape_cast %get3A_2085 : vector<1x16xi32> to vector<16xi32>
        %add3A_2087 = vector.broadcast %mul3A_1691 : i32 to vector<16xi32>
        %add3A_2088 = arith.addi %get3A_2086, %add3A_2087 : vector<16xi32>
        %swap3A_2089 = arith.constant 3 : i32
        %swap3A_2090 = arith.index_cast %swap3A_2089 : i32 to index
        %swap3A_2091 = arith.constant 96 : index
        %swap3A_2092 = tpu.vector_load %arg7[%swap3A_2090, %swap3A_2091] {strides = array<i32>} : memref<4x128xi32, #tpu.memory_space<vmem>>, vector<1x16xi32>,
        %swap3A_2093 = vector.shape_cast %swap3A_2092 : vector<1x16xi32> to vector<16xi32>
        %swap3A_2094 = vector.shape_cast %add3A_2088 : vector<16xi32> to vector<1x16xi32>
        tpu.vector_store %arg7[%swap3A_2090, %swap3A_2091], %swap3A_2094 {strides = array<i32>} : memref<4x128xi32, #tpu.memory_space<vmem>>, vector<1x16xi32>,
        %get3A_2095 = arith.constant 3 : i32
        %get3A_2096 = arith.index_cast %get3A_2095 : i32 to index
        %get3A_2097 = arith.constant 112 : index
        %get3A_2098 = tpu.vector_load %arg6[%get3A_2096, %get3A_2097] {strides = array<i32>} : memref<4x128xi32, #tpu.memory_space<vmem>>, vector<1x16xi32>,
        %get3A_2099 = vector.shape_cast %get3A_2098 : vector<1x16xi32> to vector<16xi32>
        %add3A_2100 = vector.broadcast %mul3A_1691 : i32 to vector<16xi32>
        %add3A_2101 = arith.addi %get3A_2099, %add3A_2100 : vector<16xi32>
        %swap3A_2102 = arith.constant 3 : i32
        %swap3A_2103 = arith.index_cast %swap3A_2102 : i32 to index
        %swap3A_2104 = arith.constant 112 : index
        %swap3A_2105 = tpu.vector_load %arg7[%swap3A_2103, %swap3A_2104] {strides = array<i32>} : memref<4x128xi32, #tpu.memory_space<vmem>>, vector<1x16xi32>,
        %swap3A_2106 = vector.shape_cast %swap3A_2105 : vector<1x16xi32> to vector<16xi32>
        %swap3A_2107 = vector.shape_cast %add3A_2101 : vector<16xi32> to vector<1x16xi32>
        tpu.vector_store %arg7[%swap3A_2103, %swap3A_2104], %swap3A_2107 {strides = array<i32>} : memref<4x128xi32, #tpu.memory_space<vmem>>, vector<1x16xi32>,
        %add3A_2108 = arith.constant 2 : i32
        %add3A_2109 = arith.addi %mul3A_1117, %add3A_2108 : i32
        %mul3A_2110 = arith.constant 512 : i32
        %mul3A_2111 = arith.muli %add3A_2109, %mul3A_2110 : i32
        %dma_start3A_2112 = tpu.memref_slice %arg5[%mul3A_2111] : memref<25600xi32, #tpu.memory_space<vmem>> -> memref<512xi32, #tpu.memory_space<vmem>>
        %dma_start3A_2113 = arith.constant 0 : i32
        %dma_start3A_2114 = arith.constant 0 : i32
        %dma_start3A_2115 = tpu.memref_slice %arg3[%dma_start3A_2113, %dma_start3A_2114] : memref<1000000x32xf32, #tpu.memory_space<hbm>> -> memref<1000000x32xf32, #tpu.memory_space<hbm>>
        tpu.enqueue_indirect_dma source(%dma_start3A_2115 : memref<1000000x32xf32, #tpu.memory_space<hbm>>) target(%arg9 : memref<512x32xf32, #tpu.memory_space<vmem>>) offsets(%dma_start3A_2112 : memref<512xi32, #tpu.memory_space<vmem>>) semaphore(%arg11 : memref<!tpu.dma_semaphore, #tpu.memory_space<semaphore_mem>>)
      } else {
      }
      %add3A_1599 = arith.constant 1 : i32
      %add3A_1600 = arith.addi %mul3A_1117, %add3A_1599 : i32
      %mul3A_1601 = arith.constant 512 : i32
      %mul3A_1602 = arith.muli %add3A_1600, %mul3A_1601 : i32
      %dma_wait3A_1603 = tpu.memref_slice %arg5[%mul3A_1602] : memref<25600xi32, #tpu.memory_space<vmem>> -> memref<512xi32, #tpu.memory_space<vmem>>
      %dma_wait3A_1604 = arith.constant 0 : i32
      %dma_wait3A_1605 = arith.constant 0 : i32
      %dma_wait3A_1606 = tpu.memref_slice %arg3[%dma_wait3A_1604, %dma_wait3A_1605] : memref<1000000x32xf32, #tpu.memory_space<hbm>> -> memref<1000000x32xf32, #tpu.memory_space<hbm>>
      tpu.wait_indirect_dma semaphore(%arg12 : memref<!tpu.dma_semaphore, #tpu.memory_space<semaphore_mem>>) src(%dma_wait3A_1606 : memref<1000000x32xf32, #tpu.memory_space<hbm>>) dst(%arg10 : memref<512x32xf32, #tpu.memory_space<vmem>>)
      %dma_start3A_1607 = arith.constant 0 : i32
      %dma_start3A_1608 = arith.constant 0 : i32
      %dma_start3A_1609 = arith.constant 0 : i32
      %dma_start3A_1610 = tpu.memref_slice %arg10[%dma_start3A_1608, %dma_start3A_1609] : memref<512x32xf32, #tpu.memory_space<vmem>> -> memref<128x32xf32, #tpu.memory_space<vmem>>
      %dma_start3A_1611 = arith.constant 0 : i32
      %dma_start3A_1612 = tpu.memref_slice %arg8[%dma_start3A_1607, %dma_start3A_1611] : memref<4x128xi32, #tpu.memory_space<vmem>> -> memref<1x128xi32, #tpu.memory_space<vmem>>
      %dma_start3A_1613 = tpu.memref_squeeze %dma_start3A_1612 : memref<1x128xi32, #tpu.memory_space<vmem>> -> memref<128xi32, #tpu.memory_space<vmem>>
      %dma_start3A_1614 = arith.constant 0 : i32
      %dma_start3A_1615 = arith.constant 0 : i32
      %dma_start3A_1616 = tpu.memref_slice %arg4[%dma_start3A_1614, %dma_start3A_1615] : memref<819200x32xf32, #tpu.memory_space<hbm>> -> memref<819200x32xf32, #tpu.memory_space<hbm>>
      tpu.enqueue_indirect_dma source(%dma_start3A_1610 : memref<128x32xf32, #tpu.memory_space<vmem>>) target(%dma_start3A_1616 : memref<819200x32xf32, #tpu.memory_space<hbm>>) offsets(%dma_start3A_1613 : memref<128xi32, #tpu.memory_space<vmem>>) semaphore(%arg14 : memref<!tpu.dma_semaphore, #tpu.memory_space<semaphore_mem>>)
      %dma_start3A_1617 = arith.constant 1 : i32
      %dma_start3A_1618 = arith.constant 128 : i32
      %dma_start3A_1619 = arith.constant 0 : i32
      %dma_start3A_1620 = tpu.memref_slice %arg10[%dma_start3A_1618, %dma_start3A_1619] : memref<512x32xf32, #tpu.memory_space<vmem>> -> memref<128x32xf32, #tpu.memory_space<vmem>>
      %dma_start3A_1621 = arith.constant 0 : i32
      %dma_start3A_1622 = tpu.memref_slice %arg8[%dma_start3A_1617, %dma_start3A_1621] : memref<4x128xi32, #tpu.memory_space<vmem>> -> memref<1x128xi32, #tpu.memory_space<vmem>>
      %dma_start3A_1623 = tpu.memref_squeeze %dma_start3A_1622 : memref<1x128xi32, #tpu.memory_space<vmem>> -> memref<128xi32, #tpu.memory_space<vmem>>
      %dma_start3A_1624 = arith.constant 0 : i32
      %dma_start3A_1625 = arith.constant 0 : i32
      %dma_start3A_1626 = tpu.memref_slice %arg4[%dma_start3A_1624, %dma_start3A_1625] : memref<819200x32xf32, #tpu.memory_space<hbm>> -> memref<819200x32xf32, #tpu.memory_space<hbm>>
      tpu.enqueue_indirect_dma source(%dma_start3A_1620 : memref<128x32xf32, #tpu.memory_space<vmem>>) target(%dma_start3A_1626 : memref<819200x32xf32, #tpu.memory_space<hbm>>) offsets(%dma_start3A_1623 : memref<128xi32, #tpu.memory_space<vmem>>) semaphore(%arg14 : memref<!tpu.dma_semaphore, #tpu.memory_space<semaphore_mem>>)
      %dma_start3A_1627 = arith.constant 2 : i32
      %dma_start3A_1628 = arith.constant 256 : i32
      %dma_start3A_1629 = arith.constant 0 : i32
      %dma_start3A_1630 = tpu.memref_slice %arg10[%dma_start3A_1628, %dma_start3A_1629] : memref<512x32xf32, #tpu.memory_space<vmem>> -> memref<128x32xf32, #tpu.memory_space<vmem>>
      %dma_start3A_1631 = arith.constant 0 : i32
      %dma_start3A_1632 = tpu.memref_slice %arg8[%dma_start3A_1627, %dma_start3A_1631] : memref<4x128xi32, #tpu.memory_space<vmem>> -> memref<1x128xi32, #tpu.memory_space<vmem>>
      %dma_start3A_1633 = tpu.memref_squeeze %dma_start3A_1632 : memref<1x128xi32, #tpu.memory_space<vmem>> -> memref<128xi32, #tpu.memory_space<vmem>>
      %dma_start3A_1634 = arith.constant 0 : i32
      %dma_start3A_1635 = arith.constant 0 : i32
      %dma_start3A_1636 = tpu.memref_slice %arg4[%dma_start3A_1634, %dma_start3A_1635] : memref<819200x32xf32, #tpu.memory_space<hbm>> -> memref<819200x32xf32, #tpu.memory_space<hbm>>
      tpu.enqueue_indirect_dma source(%dma_start3A_1630 : memref<128x32xf32, #tpu.memory_space<vmem>>) target(%dma_start3A_1636 : memref<819200x32xf32, #tpu.memory_space<hbm>>) offsets(%dma_start3A_1633 : memref<128xi32, #tpu.memory_space<vmem>>) semaphore(%arg14 : memref<!tpu.dma_semaphore, #tpu.memory_space<semaphore_mem>>)
      %dma_start3A_1637 = arith.constant 3 : i32
      %dma_start3A_1638 = arith.constant 384 : i32
      %dma_start3A_1639 = arith.constant 0 : i32
      %dma_start3A_1640 = tpu.memref_slice %arg10[%dma_start3A_1638, %dma_start3A_1639] : memref<512x32xf32, #tpu.memory_space<vmem>> -> memref<128x32xf32, #tpu.memory_space<vmem>>
      %dma_start3A_1641 = arith.constant 0 : i32
      %dma_start3A_1642 = tpu.memref_slice %arg8[%dma_start3A_1637, %dma_start3A_1641] : memref<4x128xi32, #tpu.memory_space<vmem>> -> memref<1x128xi32, #tpu.memory_space<vmem>>
      %dma_start3A_1643 = tpu.memref_squeeze %dma_start3A_1642 : memref<1x128xi32, #tpu.memory_space<vmem>> -> memref<128xi32, #tpu.memory_space<vmem>>
      %dma_start3A_1644 = arith.constant 0 : i32
      %dma_start3A_1645 = arith.constant 0 : i32
      %dma_start3A_1646 = tpu.memref_slice %arg4[%dma_start3A_1644, %dma_start3A_1645] : memref<819200x32xf32, #tpu.memory_space<hbm>> -> memref<819200x32xf32, #tpu.memory_space<hbm>>
      tpu.enqueue_indirect_dma source(%dma_start3A_1640 : memref<128x32xf32, #tpu.memory_space<vmem>>) target(%dma_start3A_1646 : memref<819200x32xf32, #tpu.memory_space<hbm>>) offsets(%dma_start3A_1643 : memref<128xi32, #tpu.memory_space<vmem>>) semaphore(%arg14 : memref<!tpu.dma_semaphore, #tpu.memory_space<semaphore_mem>>)
    }
    %scan3A_1035 = arith.constant 25 : i32
    %dma_wait3A = arith.constant 0 : i32
    %dma_wait3A_1036 = arith.constant 0 : i32
    %dma_wait3A_1037 = arith.constant 0 : i32
    %dma_wait3A_1038 = tpu.memref_slice %arg9[%dma_wait3A_1036, %dma_wait3A_1037] : memref<512x32xf32, #tpu.memory_space<vmem>> -> memref<128x32xf32, #tpu.memory_space<vmem>>
    %dma_wait3A_1039 = arith.constant 0 : i32
    %dma_wait3A_1040 = tpu.memref_slice %arg7[%dma_wait3A, %dma_wait3A_1039] : memref<4x128xi32, #tpu.memory_space<vmem>> -> memref<1x128xi32, #tpu.memory_space<vmem>>
    %dma_wait3A_1041 = tpu.memref_squeeze %dma_wait3A_1040 : memref<1x128xi32, #tpu.memory_space<vmem>> -> memref<128xi32, #tpu.memory_space<vmem>>
    %dma_wait3A_1042 = arith.constant 0 : i32
    %dma_wait3A_1043 = arith.constant 0 : i32
    %dma_wait3A_1044 = tpu.memref_slice %arg4[%dma_wait3A_1042, %dma_wait3A_1043] : memref<819200x32xf32, #tpu.memory_space<hbm>> -> memref<819200x32xf32, #tpu.memory_space<hbm>>
    tpu.wait_indirect_dma semaphore(%arg13 : memref<!tpu.dma_semaphore, #tpu.memory_space<semaphore_mem>>) src(%dma_wait3A_1038 : memref<128x32xf32, #tpu.memory_space<vmem>>) dst(%dma_wait3A_1044 : memref<819200x32xf32, #tpu.memory_space<hbm>>)
    %dma_wait3A_1045 = arith.constant 1 : i32
    %dma_wait3A_1046 = arith.constant 128 : i32
    %dma_wait3A_1047 = arith.constant 0 : i32
    %dma_wait3A_1048 = tpu.memref_slice %arg9[%dma_wait3A_1046, %dma_wait3A_1047] : memref<512x32xf32, #tpu.memory_space<vmem>> -> memref<128x32xf32, #tpu.memory_space<vmem>>
    %dma_wait3A_1049 = arith.constant 0 : i32
    %dma_wait3A_1050 = tpu.memref_slice %arg7[%dma_wait3A_1045, %dma_wait3A_1049] : memref<4x128xi32, #tpu.memory_space<vmem>> -> memref<1x128xi32, #tpu.memory_space<vmem>>
    %dma_wait3A_1051 = tpu.memref_squeeze %dma_wait3A_1050 : memref<1x128xi32, #tpu.memory_space<vmem>> -> memref<128xi32, #tpu.memory_space<vmem>>
    %dma_wait3A_1052 = arith.constant 0 : i32
    %dma_wait3A_1053 = arith.constant 0 : i32
    %dma_wait3A_1054 = tpu.memref_slice %arg4[%dma_wait3A_1052, %dma_wait3A_1053] : memref<819200x32xf32, #tpu.memory_space<hbm>> -> memref<819200x32xf32, #tpu.memory_space<hbm>>
    tpu.wait_indirect_dma semaphore(%arg13 : memref<!tpu.dma_semaphore, #tpu.memory_space<semaphore_mem>>) src(%dma_wait3A_1048 : memref<128x32xf32, #tpu.memory_space<vmem>>) dst(%dma_wait3A_1054 : memref<819200x32xf32, #tpu.memory_space<hbm>>)
    %dma_wait3A_1055 = arith.constant 2 : i32
    %dma_wait3A_1056 = arith.constant 256 : i32
    %dma_wait3A_1057 = arith.constant 0 : i32
    %dma_wait3A_1058 = tpu.memref_slice %arg9[%dma_wait3A_1056, %dma_wait3A_1057] : memref<512x32xf32, #tpu.memory_space<vmem>> -> memref<128x32xf32, #tpu.memory_space<vmem>>
    %dma_wait3A_1059 = arith.constant 0 : i32
    %dma_wait3A_1060 = tpu.memref_slice %arg7[%dma_wait3A_1055, %dma_wait3A_1059] : memref<4x128xi32, #tpu.memory_space<vmem>> -> memref<1x128xi32, #tpu.memory_space<vmem>>
    %dma_wait3A_1061 = tpu.memref_squeeze %dma_wait3A_1060 : memref<1x128xi32, #tpu.memory_space<vmem>> -> memref<128xi32, #tpu.memory_space<vmem>>
    %dma_wait3A_1062 = arith.constant 0 : i32
    %dma_wait3A_1063 = arith.constant 0 : i32
    %dma_wait3A_1064 = tpu.memref_slice %arg4[%dma_wait3A_1062, %dma_wait3A_1063] : memref<819200x32xf32, #tpu.memory_space<hbm>> -> memref<819200x32xf32, #tpu.memory_space<hbm>>
    tpu.wait_indirect_dma semaphore(%arg13 : memref<!tpu.dma_semaphore, #tpu.memory_space<semaphore_mem>>) src(%dma_wait3A_1058 : memref<128x32xf32, #tpu.memory_space<vmem>>) dst(%dma_wait3A_1064 : memref<819200x32xf32, #tpu.memory_space<hbm>>)
    %dma_wait3A_1065 = arith.constant 3 : i32
    %dma_wait3A_1066 = arith.constant 384 : i32
    %dma_wait3A_1067 = arith.constant 0 : i32
    %dma_wait3A_1068 = tpu.memref_slice %arg9[%dma_wait3A_1066, %dma_wait3A_1067] : memref<512x32xf32, #tpu.memory_space<vmem>> -> memref<128x32xf32, #tpu.memory_space<vmem>>
    %dma_wait3A_1069 = arith.constant 0 : i32
    %dma_wait3A_1070 = tpu.memref_slice %arg7[%dma_wait3A_1065, %dma_wait3A_1069] : memref<4x128xi32, #tpu.memory_space<vmem>> -> memref<1x128xi32, #tpu.memory_space<vmem>>
    %dma_wait3A_1071 = tpu.memref_squeeze %dma_wait3A_1070 : memref<1x128xi32, #tpu.memory_space<vmem>> -> memref<128xi32, #tpu.memory_space<vmem>>
    %dma_wait3A_1072 = arith.constant 0 : i32
    %dma_wait3A_1073 = arith.constant 0 : i32
    %dma_wait3A_1074 = tpu.memref_slice %arg4[%dma_wait3A_1072, %dma_wait3A_1073] : memref<819200x32xf32, #tpu.memory_space<hbm>> -> memref<819200x32xf32, #tpu.memory_space<hbm>>
    tpu.wait_indirect_dma semaphore(%arg13 : memref<!tpu.dma_semaphore, #tpu.memory_space<semaphore_mem>>) src(%dma_wait3A_1068 : memref<128x32xf32, #tpu.memory_space<vmem>>) dst(%dma_wait3A_1074 : memref<819200x32xf32, #tpu.memory_space<hbm>>)
    %dma_wait3A_1075 = arith.constant 0 : i32
    %dma_wait3A_1076 = arith.constant 0 : i32
    %dma_wait3A_1077 = arith.constant 0 : i32
    %dma_wait3A_1078 = tpu.memref_slice %arg10[%dma_wait3A_1076, %dma_wait3A_1077] : memref<512x32xf32, #tpu.memory_space<vmem>> -> memref<128x32xf32, #tpu.memory_space<vmem>>
    %dma_wait3A_1079 = arith.constant 0 : i32
    %dma_wait3A_1080 = tpu.memref_slice %arg8[%dma_wait3A_1075, %dma_wait3A_1079] : memref<4x128xi32, #tpu.memory_space<vmem>> -> memref<1x128xi32, #tpu.memory_space<vmem>>
    %dma_wait3A_1081 = tpu.memref_squeeze %dma_wait3A_1080 : memref<1x128xi32, #tpu.memory_space<vmem>> -> memref<128xi32, #tpu.memory_space<vmem>>
    %dma_wait3A_1082 = arith.constant 0 : i32
    %dma_wait3A_1083 = arith.constant 0 : i32
    %dma_wait3A_1084 = tpu.memref_slice %arg4[%dma_wait3A_1082, %dma_wait3A_1083] : memref<819200x32xf32, #tpu.memory_space<hbm>> -> memref<819200x32xf32, #tpu.memory_space<hbm>>
    tpu.wait_indirect_dma semaphore(%arg14 : memref<!tpu.dma_semaphore, #tpu.memory_space<semaphore_mem>>) src(%dma_wait3A_1078 : memref<128x32xf32, #tpu.memory_space<vmem>>) dst(%dma_wait3A_1084 : memref<819200x32xf32, #tpu.memory_space<hbm>>)
    %dma_wait3A_1085 = arith.constant 1 : i32
    %dma_wait3A_1086 = arith.constant 128 : i32
    %dma_wait3A_1087 = arith.constant 0 : i32
    %dma_wait3A_1088 = tpu.memref_slice %arg10[%dma_wait3A_1086, %dma_wait3A_1087] : memref<512x32xf32, #tpu.memory_space<vmem>> -> memref<128x32xf32, #tpu.memory_space<vmem>>
    %dma_wait3A_1089 = arith.constant 0 : i32
    %dma_wait3A_1090 = tpu.memref_slice %arg8[%dma_wait3A_1085, %dma_wait3A_1089] : memref<4x128xi32, #tpu.memory_space<vmem>> -> memref<1x128xi32, #tpu.memory_space<vmem>>
    %dma_wait3A_1091 = tpu.memref_squeeze %dma_wait3A_1090 : memref<1x128xi32, #tpu.memory_space<vmem>> -> memref<128xi32, #tpu.memory_space<vmem>>
    %dma_wait3A_1092 = arith.constant 0 : i32
    %dma_wait3A_1093 = arith.constant 0 : i32
    %dma_wait3A_1094 = tpu.memref_slice %arg4[%dma_wait3A_1092, %dma_wait3A_1093] : memref<819200x32xf32, #tpu.memory_space<hbm>> -> memref<819200x32xf32, #tpu.memory_space<hbm>>
    tpu.wait_indirect_dma semaphore(%arg14 : memref<!tpu.dma_semaphore, #tpu.memory_space<semaphore_mem>>) src(%dma_wait3A_1088 : memref<128x32xf32, #tpu.memory_space<vmem>>) dst(%dma_wait3A_1094 : memref<819200x32xf32, #tpu.memory_space<hbm>>)
    %dma_wait3A_1095 = arith.constant 2 : i32
    %dma_wait3A_1096 = arith.constant 256 : i32
    %dma_wait3A_1097 = arith.constant 0 : i32
    %dma_wait3A_1098 = tpu.memref_slice %arg10[%dma_wait3A_1096, %dma_wait3A_1097] : memref<512x32xf32, #tpu.memory_space<vmem>> -> memref<128x32xf32, #tpu.memory_space<vmem>>
    %dma_wait3A_1099 = arith.constant 0 : i32
    %dma_wait3A_1100 = tpu.memref_slice %arg8[%dma_wait3A_1095, %dma_wait3A_1099] : memref<4x128xi32, #tpu.memory_space<vmem>> -> memref<1x128xi32, #tpu.memory_space<vmem>>
    %dma_wait3A_1101 = tpu.memref_squeeze %dma_wait3A_1100 : memref<1x128xi32, #tpu.memory_space<vmem>> -> memref<128xi32, #tpu.memory_space<vmem>>
    %dma_wait3A_1102 = arith.constant 0 : i32
    %dma_wait3A_1103 = arith.constant 0 : i32
    %dma_wait3A_1104 = tpu.memref_slice %arg4[%dma_wait3A_1102, %dma_wait3A_1103] : memref<819200x32xf32, #tpu.memory_space<hbm>> -> memref<819200x32xf32, #tpu.memory_space<hbm>>
    tpu.wait_indirect_dma semaphore(%arg14 : memref<!tpu.dma_semaphore, #tpu.memory_space<semaphore_mem>>) src(%dma_wait3A_1098 : memref<128x32xf32, #tpu.memory_space<vmem>>) dst(%dma_wait3A_1104 : memref<819200x32xf32, #tpu.memory_space<hbm>>)
    %dma_wait3A_1105 = arith.constant 3 : i32
    %dma_wait3A_1106 = arith.constant 384 : i32
    %dma_wait3A_1107 = arith.constant 0 : i32
    %dma_wait3A_1108 = tpu.memref_slice %arg10[%dma_wait3A_1106, %dma_wait3A_1107] : memref<512x32xf32, #tpu.memory_space<vmem>> -> memref<128x32xf32, #tpu.memory_space<vmem>>
    %dma_wait3A_1109 = arith.constant 0 : i32
    %dma_wait3A_1110 = tpu.memref_slice %arg8[%dma_wait3A_1105, %dma_wait3A_1109] : memref<4x128xi32, #tpu.memory_space<vmem>> -> memref<1x128xi32, #tpu.memory_space<vmem>>
    %dma_wait3A_1111 = tpu.memref_squeeze %dma_wait3A_1110 : memref<1x128xi32, #tpu.memory_space<vmem>> -> memref<128xi32, #tpu.memory_space<vmem>>
    %dma_wait3A_1112 = arith.constant 0 : i32
    %dma_wait3A_1113 = arith.constant 0 : i32
    %dma_wait3A_1114 = tpu.memref_slice %arg4[%dma_wait3A_1112, %dma_wait3A_1113] : memref<819200x32xf32, #tpu.memory_space<hbm>> -> memref<819200x32xf32, #tpu.memory_space<hbm>>
    tpu.wait_indirect_dma semaphore(%arg14 : memref<!tpu.dma_semaphore, #tpu.memory_space<semaphore_mem>>) src(%dma_wait3A_1108 : memref<128x32xf32, #tpu.memory_space<vmem>>) dst(%dma_wait3A_1114 : memref<819200x32xf32, #tpu.memory_space<hbm>>)
    return
  }
}

module attributes {stable_mosaic.version = 14 : i64} {
  func.func @_deint_body(%arg0: i32, %arg1: i32, %arg2: memref<1x512x128xf32, #tpu.memory_space<vmem>>, %arg3: memref<1x32x2048xf32, #tpu.memory_space<vmem>>) attributes {dimension_semantics = [#tpu.dimension_semantics<arbitrary>, #tpu.dimension_semantics<arbitrary>], iteration_bounds = array<i64: 50, 8>, scalar_prefetch = 0 : i64, scratch_operands = 0 : i64, tpu.core_type = #tpu.core_type<tc>, window_params = [{transform_indices = @transform_0, window_bounds = array<i64: 1, 512, 128>}, {transform_indices = @transform_1, window_bounds = array<i64: 1, 32, 2048>}]} {
    %iota3A = tpu.iota {dimensions = array<i32: 0>} : vector<32x32xi32>
    %iota3A_0 = tpu.iota {dimensions = array<i32: 1>} : vector<32x32xi32>
    %add3A = arith.constant 0 : i32
    %add3A_1 = vector.broadcast %add3A : i32 to vector<32x32xi32>
    %add3A_2 = arith.addi %iota3A, %add3A_1 : vector<32x32xi32>
    %eq3A = arith.cmpi eq, %add3A_2, %iota3A_0 : vector<32x32xi32>
    %convert_element_type3A = arith.extui %eq3A : vector<32x32xi1> to vector<32x32xi32>
    %convert_element_type3A_3 = arith.sitofp %convert_element_type3A : vector<32x32xi32> to vector<32x32xf32>
    %get3A = arith.constant 0 : index
    %get3A_4 = arith.constant 0 : index
    %get3A_5 = arith.constant 0 : index
    %get3A_6 = vector.load %arg2[%get3A, %get3A_4, %get3A_5] : memref<1x512x128xf32, #tpu.memory_space<vmem>>, vector<1x128x32xf32>
    %get3A_7 = vector.shape_cast %get3A_6 : vector<1x128x32xf32> to vector<128x32xf32>
    %dot_general3A = arith.constant dense<0.000000e+00> : vector<32x128xf32>
    %dot_general3A_8 = tpu.matmul %convert_element_type3A_3, %get3A_7, %dot_general3A {dimension_numbers = #tpu.dot_dimension_numbers<[1], [1], [0], [0], [0, 0, 1, 0], [], []>, precision = #tpu.contract_precision<fp32>, transpose_lhs_hint = false} : vector<32x32xf32>, vector<128x32xf32>, vector<32x128xf32> -> vector<32x128xf32>
    %get3A_9 = arith.constant 0 : index
    %get3A_10 = arith.constant 0 : index
    %get3A_11 = arith.constant 32 : index
    %get3A_12 = vector.load %arg2[%get3A_9, %get3A_10, %get3A_11] : memref<1x512x128xf32, #tpu.memory_space<vmem>>, vector<1x128x32xf32>
    %get3A_13 = vector.shape_cast %get3A_12 : vector<1x128x32xf32> to vector<128x32xf32>
    %dot_general3A_14 = arith.constant dense<0.000000e+00> : vector<32x128xf32>
    %dot_general3A_15 = tpu.matmul %convert_element_type3A_3, %get3A_13, %dot_general3A_14 {dimension_numbers = #tpu.dot_dimension_numbers<[1], [1], [0], [0], [0, 0, 1, 0], [], []>, precision = #tpu.contract_precision<fp32>, transpose_lhs_hint = false} : vector<32x32xf32>, vector<128x32xf32>, vector<32x128xf32> -> vector<32x128xf32>
    %get3A_16 = arith.constant 0 : index
    %get3A_17 = arith.constant 0 : index
    %get3A_18 = arith.constant 64 : index
    %get3A_19 = vector.load %arg2[%get3A_16, %get3A_17, %get3A_18] : memref<1x512x128xf32, #tpu.memory_space<vmem>>, vector<1x128x32xf32>
    %get3A_20 = vector.shape_cast %get3A_19 : vector<1x128x32xf32> to vector<128x32xf32>
    %dot_general3A_21 = arith.constant dense<0.000000e+00> : vector<32x128xf32>
    %dot_general3A_22 = tpu.matmul %convert_element_type3A_3, %get3A_20, %dot_general3A_21 {dimension_numbers = #tpu.dot_dimension_numbers<[1], [1], [0], [0], [0, 0, 1, 0], [], []>, precision = #tpu.contract_precision<fp32>, transpose_lhs_hint = false} : vector<32x32xf32>, vector<128x32xf32>, vector<32x128xf32> -> vector<32x128xf32>
    %get3A_23 = arith.constant 0 : index
    %get3A_24 = arith.constant 0 : index
    %get3A_25 = arith.constant 96 : index
    %get3A_26 = vector.load %arg2[%get3A_23, %get3A_24, %get3A_25] : memref<1x512x128xf32, #tpu.memory_space<vmem>>, vector<1x128x32xf32>
    %get3A_27 = vector.shape_cast %get3A_26 : vector<1x128x32xf32> to vector<128x32xf32>
    %dot_general3A_28 = arith.constant dense<0.000000e+00> : vector<32x128xf32>
    %dot_general3A_29 = tpu.matmul %convert_element_type3A_3, %get3A_27, %dot_general3A_28 {dimension_numbers = #tpu.dot_dimension_numbers<[1], [1], [0], [0], [0, 0, 1, 0], [], []>, precision = #tpu.contract_precision<fp32>, transpose_lhs_hint = false} : vector<32x32xf32>, vector<128x32xf32>, vector<32x128xf32> -> vector<32x128xf32>
    %get3A_30 = arith.constant 0 : index
    %get3A_31 = arith.constant 128 : index
    %get3A_32 = arith.constant 0 : index
    %get3A_33 = vector.load %arg2[%get3A_30, %get3A_31, %get3A_32] : memref<1x512x128xf32, #tpu.memory_space<vmem>>, vector<1x128x32xf32>
    %get3A_34 = vector.shape_cast %get3A_33 : vector<1x128x32xf32> to vector<128x32xf32>
    %dot_general3A_35 = arith.constant dense<0.000000e+00> : vector<32x128xf32>
    %dot_general3A_36 = tpu.matmul %convert_element_type3A_3, %get3A_34, %dot_general3A_35 {dimension_numbers = #tpu.dot_dimension_numbers<[1], [1], [0], [0], [0, 0, 1, 0], [], []>, precision = #tpu.contract_precision<fp32>, transpose_lhs_hint = false} : vector<32x32xf32>, vector<128x32xf32>, vector<32x128xf32> -> vector<32x128xf32>
    %get3A_37 = arith.constant 0 : index
    %get3A_38 = arith.constant 128 : index
    %get3A_39 = arith.constant 32 : index
    %get3A_40 = vector.load %arg2[%get3A_37, %get3A_38, %get3A_39] : memref<1x512x128xf32, #tpu.memory_space<vmem>>, vector<1x128x32xf32>
    %get3A_41 = vector.shape_cast %get3A_40 : vector<1x128x32xf32> to vector<128x32xf32>
    %dot_general3A_42 = arith.constant dense<0.000000e+00> : vector<32x128xf32>
    %dot_general3A_43 = tpu.matmul %convert_element_type3A_3, %get3A_41, %dot_general3A_42 {dimension_numbers = #tpu.dot_dimension_numbers<[1], [1], [0], [0], [0, 0, 1, 0], [], []>, precision = #tpu.contract_precision<fp32>, transpose_lhs_hint = false} : vector<32x32xf32>, vector<128x32xf32>, vector<32x128xf32> -> vector<32x128xf32>
    %get3A_44 = arith.constant 0 : index
    %get3A_45 = arith.constant 128 : index
    %get3A_46 = arith.constant 64 : index
    %get3A_47 = vector.load %arg2[%get3A_44, %get3A_45, %get3A_46] : memref<1x512x128xf32, #tpu.memory_space<vmem>>, vector<1x128x32xf32>
    %get3A_48 = vector.shape_cast %get3A_47 : vector<1x128x32xf32> to vector<128x32xf32>
    %dot_general3A_49 = arith.constant dense<0.000000e+00> : vector<32x128xf32>
    %dot_general3A_50 = tpu.matmul %convert_element_type3A_3, %get3A_48, %dot_general3A_49 {dimension_numbers = #tpu.dot_dimension_numbers<[1], [1], [0], [0], [0, 0, 1, 0], [], []>, precision = #tpu.contract_precision<fp32>, transpose_lhs_hint = false} : vector<32x32xf32>, vector<128x32xf32>, vector<32x128xf32> -> vector<32x128xf32>
    %get3A_51 = arith.constant 0 : index
    %get3A_52 = arith.constant 128 : index
    %get3A_53 = arith.constant 96 : index
    %get3A_54 = vector.load %arg2[%get3A_51, %get3A_52, %get3A_53] : memref<1x512x128xf32, #tpu.memory_space<vmem>>, vector<1x128x32xf32>
    %get3A_55 = vector.shape_cast %get3A_54 : vector<1x128x32xf32> to vector<128x32xf32>
    %dot_general3A_56 = arith.constant dense<0.000000e+00> : vector<32x128xf32>
    %dot_general3A_57 = tpu.matmul %convert_element_type3A_3, %get3A_55, %dot_general3A_56 {dimension_numbers = #tpu.dot_dimension_numbers<[1], [1], [0], [0], [0, 0, 1, 0], [], []>, precision = #tpu.contract_precision<fp32>, transpose_lhs_hint = false} : vector<32x32xf32>, vector<128x32xf32>, vector<32x128xf32> -> vector<32x128xf32>
    %get3A_58 = arith.constant 0 : index
    %get3A_59 = arith.constant 256 : index
    %get3A_60 = arith.constant 0 : index
    %get3A_61 = vector.load %arg2[%get3A_58, %get3A_59, %get3A_60] : memref<1x512x128xf32, #tpu.memory_space<vmem>>, vector<1x128x32xf32>
    %get3A_62 = vector.shape_cast %get3A_61 : vector<1x128x32xf32> to vector<128x32xf32>
    %dot_general3A_63 = arith.constant dense<0.000000e+00> : vector<32x128xf32>
    %dot_general3A_64 = tpu.matmul %convert_element_type3A_3, %get3A_62, %dot_general3A_63 {dimension_numbers = #tpu.dot_dimension_numbers<[1], [1], [0], [0], [0, 0, 1, 0], [], []>, precision = #tpu.contract_precision<fp32>, transpose_lhs_hint = false} : vector<32x32xf32>, vector<128x32xf32>, vector<32x128xf32> -> vector<32x128xf32>
    %get3A_65 = arith.constant 0 : index
    %get3A_66 = arith.constant 256 : index
    %get3A_67 = arith.constant 32 : index
    %get3A_68 = vector.load %arg2[%get3A_65, %get3A_66, %get3A_67] : memref<1x512x128xf32, #tpu.memory_space<vmem>>, vector<1x128x32xf32>
    %get3A_69 = vector.shape_cast %get3A_68 : vector<1x128x32xf32> to vector<128x32xf32>
    %dot_general3A_70 = arith.constant dense<0.000000e+00> : vector<32x128xf32>
    %dot_general3A_71 = tpu.matmul %convert_element_type3A_3, %get3A_69, %dot_general3A_70 {dimension_numbers = #tpu.dot_dimension_numbers<[1], [1], [0], [0], [0, 0, 1, 0], [], []>, precision = #tpu.contract_precision<fp32>, transpose_lhs_hint = false} : vector<32x32xf32>, vector<128x32xf32>, vector<32x128xf32> -> vector<32x128xf32>
    %get3A_72 = arith.constant 0 : index
    %get3A_73 = arith.constant 256 : index
    %get3A_74 = arith.constant 64 : index
    %get3A_75 = vector.load %arg2[%get3A_72, %get3A_73, %get3A_74] : memref<1x512x128xf32, #tpu.memory_space<vmem>>, vector<1x128x32xf32>
    %get3A_76 = vector.shape_cast %get3A_75 : vector<1x128x32xf32> to vector<128x32xf32>
    %dot_general3A_77 = arith.constant dense<0.000000e+00> : vector<32x128xf32>
    %dot_general3A_78 = tpu.matmul %convert_element_type3A_3, %get3A_76, %dot_general3A_77 {dimension_numbers = #tpu.dot_dimension_numbers<[1], [1], [0], [0], [0, 0, 1, 0], [], []>, precision = #tpu.contract_precision<fp32>, transpose_lhs_hint = false} : vector<32x32xf32>, vector<128x32xf32>, vector<32x128xf32> -> vector<32x128xf32>
    %get3A_79 = arith.constant 0 : index
    %get3A_80 = arith.constant 256 : index
    %get3A_81 = arith.constant 96 : index
    %get3A_82 = vector.load %arg2[%get3A_79, %get3A_80, %get3A_81] : memref<1x512x128xf32, #tpu.memory_space<vmem>>, vector<1x128x32xf32>
    %get3A_83 = vector.shape_cast %get3A_82 : vector<1x128x32xf32> to vector<128x32xf32>
    %dot_general3A_84 = arith.constant dense<0.000000e+00> : vector<32x128xf32>
    %dot_general3A_85 = tpu.matmul %convert_element_type3A_3, %get3A_83, %dot_general3A_84 {dimension_numbers = #tpu.dot_dimension_numbers<[1], [1], [0], [0], [0, 0, 1, 0], [], []>, precision = #tpu.contract_precision<fp32>, transpose_lhs_hint = false} : vector<32x32xf32>, vector<128x32xf32>, vector<32x128xf32> -> vector<32x128xf32>
    %get3A_86 = arith.constant 0 : index
    %get3A_87 = arith.constant 384 : index
    %get3A_88 = arith.constant 0 : index
    %get3A_89 = vector.load %arg2[%get3A_86, %get3A_87, %get3A_88] : memref<1x512x128xf32, #tpu.memory_space<vmem>>, vector<1x128x32xf32>
    %get3A_90 = vector.shape_cast %get3A_89 : vector<1x128x32xf32> to vector<128x32xf32>
    %dot_general3A_91 = arith.constant dense<0.000000e+00> : vector<32x128xf32>
    %dot_general3A_92 = tpu.matmul %convert_element_type3A_3, %get3A_90, %dot_general3A_91 {dimension_numbers = #tpu.dot_dimension_numbers<[1], [1], [0], [0], [0, 0, 1, 0], [], []>, precision = #tpu.contract_precision<fp32>, transpose_lhs_hint = false} : vector<32x32xf32>, vector<128x32xf32>, vector<32x128xf32> -> vector<32x128xf32>
    %get3A_93 = arith.constant 0 : index
    %get3A_94 = arith.constant 384 : index
    %get3A_95 = arith.constant 32 : index
    %get3A_96 = vector.load %arg2[%get3A_93, %get3A_94, %get3A_95] : memref<1x512x128xf32, #tpu.memory_space<vmem>>, vector<1x128x32xf32>
    %get3A_97 = vector.shape_cast %get3A_96 : vector<1x128x32xf32> to vector<128x32xf32>
    %dot_general3A_98 = arith.constant dense<0.000000e+00> : vector<32x128xf32>
    %dot_general3A_99 = tpu.matmul %convert_element_type3A_3, %get3A_97, %dot_general3A_98 {dimension_numbers = #tpu.dot_dimension_numbers<[1], [1], [0], [0], [0, 0, 1, 0], [], []>, precision = #tpu.contract_precision<fp32>, transpose_lhs_hint = false} : vector<32x32xf32>, vector<128x32xf32>, vector<32x128xf32> -> vector<32x128xf32>
    %get3A_100 = arith.constant 0 : index
    %get3A_101 = arith.constant 384 : index
    %get3A_102 = arith.constant 64 : index
    %get3A_103 = vector.load %arg2[%get3A_100, %get3A_101, %get3A_102] : memref<1x512x128xf32, #tpu.memory_space<vmem>>, vector<1x128x32xf32>
    %get3A_104 = vector.shape_cast %get3A_103 : vector<1x128x32xf32> to vector<128x32xf32>
    %dot_general3A_105 = arith.constant dense<0.000000e+00> : vector<32x128xf32>
    %dot_general3A_106 = tpu.matmul %convert_element_type3A_3, %get3A_104, %dot_general3A_105 {dimension_numbers = #tpu.dot_dimension_numbers<[1], [1], [0], [0], [0, 0, 1, 0], [], []>, precision = #tpu.contract_precision<fp32>, transpose_lhs_hint = false} : vector<32x32xf32>, vector<128x32xf32>, vector<32x128xf32> -> vector<32x128xf32>
    %get3A_107 = arith.constant 0 : index
    %get3A_108 = arith.constant 384 : index
    %get3A_109 = arith.constant 96 : index
    %get3A_110 = vector.load %arg2[%get3A_107, %get3A_108, %get3A_109] : memref<1x512x128xf32, #tpu.memory_space<vmem>>, vector<1x128x32xf32>
    %get3A_111 = vector.shape_cast %get3A_110 : vector<1x128x32xf32> to vector<128x32xf32>
    %dot_general3A_112 = arith.constant dense<0.000000e+00> : vector<32x128xf32>
    %dot_general3A_113 = tpu.matmul %convert_element_type3A_3, %get3A_111, %dot_general3A_112 {dimension_numbers = #tpu.dot_dimension_numbers<[1], [1], [0], [0], [0, 0, 1, 0], [], []>, precision = #tpu.contract_precision<fp32>, transpose_lhs_hint = false} : vector<32x32xf32>, vector<128x32xf32>, vector<32x128xf32> -> vector<32x128xf32>
    %concatenate3A = tpu.concatenate %dot_general3A_8, %dot_general3A_15, %dot_general3A_22, %dot_general3A_29, %dot_general3A_36, %dot_general3A_43, %dot_general3A_50, %dot_general3A_57, %dot_general3A_64, %dot_general3A_71, %dot_general3A_78, %dot_general3A_85, %dot_general3A_92, %dot_general3A_99, %dot_general3A_106, %dot_general3A_113 in 1 : vector<32x128xf32>, vector<32x128xf32>, vector<32x128xf32>, vector<32x128xf32>, vector<32x128xf32>, vector<32x128xf32>, vector<32x128xf32>, vector<32x128xf32>, vector<32x128xf32>, vector<32x128xf32>, vector<32x128xf32>, vector<32x128xf32>, vector<32x128xf32>, vector<32x128xf32>, vector<32x128xf32>, vector<32x128xf32> -> vector<32x2048xf32>
    %swap3A = arith.constant 0 : index
    %swap3A_114 = arith.constant 0 : index
    %swap3A_115 = arith.constant 0 : index
    %swap3A_116 = vector.load %arg3[%swap3A, %swap3A_114, %swap3A_115] : memref<1x32x2048xf32, #tpu.memory_space<vmem>>, vector<1x32x2048xf32>
    %swap3A_117 = vector.shape_cast %swap3A_116 : vector<1x32x2048xf32> to vector<32x2048xf32>
    %swap3A_118 = vector.shape_cast %concatenate3A : vector<32x2048xf32> to vector<1x32x2048xf32>
    tpu.vector_store %arg3[%swap3A, %swap3A_114, %swap3A_115], %swap3A_118 {strides = array<i32>} : memref<1x32x2048xf32, #tpu.memory_space<vmem>>, vector<1x32x2048xf32>,
    return
  }
  func.func @transform_0(%arg0: i32, %arg1: i32) -> (i32, i32, i32) {
    %c0_i32 = arith.constant 0 : i32
    %c0_i32_0 = arith.constant 0 : i32
    return %arg0, %arg1, %c0_i32 : i32, i32, i32
  }
  func.func @transform_1(%arg0: i32, %arg1: i32) -> (i32, i32, i32) {
    %c0_i32 = arith.constant 0 : i32
    %c0_i32_0 = arith.constant 0 : i32
    return %arg0, %c0_i32, %arg1 : i32, i32, i32
  }
}

</mosaic_0001>

<sc_bundles>
// kernel: kernel.4.cloned.1.call-start
scs
__scs_entry_jumppad:
0x0: {  	(pc) =	sbr.rel $0x88, $3  }
0x1: {  	(tag) =	ssettag $0x0;
	lr =	simm.s32 $0x1  }
0x2: {  	[smem:$0x3F9F] =	sst lr;
	_ =	strace $0xD0000000  }
0x3: {  	_ = 	snop  }
0x4: {  	_ = 	snop  }
0x5: {  	_ = 	snop  }
0x6: {  	_ = 	snop  }
0x7: {  	_ = 	snop  }
__scs_overlays_trampoline_lowered:
0x8: {  	[smem:$0x3FAE] =	sst s0  }
0x9: {  	[smem:$0x3FAF] =	sst s1  }
0xa: {  	[smem:$0x3FB0] =	sst s2  }
0xb: {  	[smem:$0x3FB1] =	sst s3  }
0xc: {  	[smem:$0x3FB2] =	sst s4  }
0xd: {  	[smem:$0x3FB3] =	sst s5  }
0xe: {  	[smem:$0x3FB4] =	sst s6  }
0xf: {  	[smem:$0x3FB5] =	sst s7  }
0x10: {  	[smem:$0x3FB6] =	sst s8  }
0x11: {  	[smem:$0x3FB7] =	sst s9;
	s0 =	simm.s32 @!p0 $0x0  }
0x12: {  	s1 =	sld [smem:$0x3F9D];
	s0 =	simm.s32 @p0 $0x1  }
0x13: {  	[smem:$0x3FB8] =	sst s0;
	s0 =	simm.s32 @!p1 $0x0  }
0x14: {  	s2 =	sld [smem:$0x3F9C];
	s0 =	simm.s32 @p1 $0x1  }
0x15: {  	[smem:$0x3FB9] =	sst s0;
	s0 =	simm.s32 @!p2 $0x0  }
0x16: {  	s3 =	sld [smem:$0x3FDB];
	s0 =	simm.s32 @p2 $0x1  }
0x17: {  	s4 =	simm.s32 $0x1BF5;
	[smem:$0x3FBB] =	sst s0  }
0x18: {  	s0 =	sld [smem:$0x3F9E];
	_ =	swait.ge [sflag:s4], $0x0  }
0x19: {  	s7 =	sld [smem:$0x3F9F]  }
0x1a: {  	s8 =	sadd.s32 $0xFFFFE003, lr  }
0x1b: {  	s9 =	sadd.s32 $0xFFFFFEF7, lr;
	s5 =	simm.s32 $0xFFFFFFFF;
	p2 =	slt.u32 s8, $0xFFFFF086  }
0x1c: {  	p1 =	slt.u32 s9, $0xF7A;
	s5 =	simm.s32 @!p2 $0x0  }
0x1d: {  	s5 =	simm.s32 @p1 $0x1;
	p0 =	seq.s32 s7, s2  }
0x1e: {  	s7 =	smul.u32 @!p0 $0xF7A, s2;
	p2 =	seq.s32 @!p0 s5, $0x0  }
0x1f: {  	s9 =	smul.u32 $0xF7A, s1;
	s8 =	simm.s32 @!p0 $0x1BF5;
	p2 =	por !p2, p0  }
0x20: {  	[sflag:s8] =	ssyncset.s32 @!p0 $0xFFFFF086;
	s6 =	sadd.s32 @!p0 s3, s7;
	s7 =	simm.s32 @!p0 $0x108  }
0x21: {  	s3 =	sadd.s32 s3, s9;
	s6 =	sadd.s32 @!p0 $0x88, s6;
	s7 =	simm.s32 @p2 $0x1082  }
0x22: {  	[simem:s7], [sflag:s8] =	dma.local @!p0 [hbm:s6], $0xF7A  }
0x23: {  	s9 =	sor.u32 $0xD0000000, s2;
	s6 =	simm.s32 $0x108;
	_ =	swait.ge @!p0 [sflag:s8], $0x0  }
0x24: {  	s3 =	sadd.s32 $0x88, s3;
	s6 =	simm.s32 @!p1 $0x1082;
	[sflag:s4] =	ssyncset.s32 $0xFFFFF086  }
0x25: {  	[simem:s6], [sflag:s4] =	dma.local [hbm:s3], $0xF7A  }
0x26: {  	[smem:$0x3F9F] =	sst s1;
	(tag) =	ssettag s2;
	_ =	strace s9  }
0x27: {  	s1 =	sld [smem:$0x3FAF]  }
0x28: {  	s2 =	sld [smem:$0x3FB0]  }
0x29: {  	s4 =	sld [smem:$0x3FB2]  }
0x2a: {  	p0 =	seq.s32 s5, $0x0;
	s5 =	sld [smem:$0x3FB3]  }
0x2b: {  	s6 =	sld [smem:$0x3FB4]  }
0x2c: {  	s7 =	sld [smem:$0x3FB5]  }
0x2d: {  	s3 =	simm.s32 $0x108;
	s8 =	sld [smem:$0x3FB6]  }
0x2e: {  	s3 =	simm.s32 @!p0 $0x1082;
	s9 =	sld [smem:$0x3FB7]  }
0x2f: {  	lr =	sadd.s32 s0, s3;
	s0 =	sld [smem:$0x3FAE]  }
0x30: {  	s3 =	sld [smem:$0x3FB1]  }
0x31: {  	[smem:$0x3FBA] =	sst s10  }
0x32: {  	s10 =	sld [smem:$0x3FB8];
	_ =	sdelay $0x3  }
0x33: {  	p0 =	seq.s32 s10, $0x1;
	s10 =	sld [smem:$0x3FBA];
	_ =	sdelay $0x3  }
0x34: {  	[smem:$0x3FBA] =	sst s10  }
0x35: {  	s10 =	sld [smem:$0x3FB9];
	_ =	sdelay $0x3  }
0x36: {  	p1 =	seq.s32 s10, $0x1;
	s10 =	sld [smem:$0x3FBA];
	_ =	sdelay $0x3  }
0x37: {  	[smem:$0x3FBA] =	sst s10  }
0x38: {  	s10 =	sld [smem:$0x3FBB]  }
0x39: {  	_ = 	snop;
	(pc) =	sbr.ind lr, $3  }
0x3a: {  	_ = 	snop  }
0x3b: {  	_ = 	snop  }
0x3c: {  	p2 =	seq.s32 s10, $0x1;
	s10 =	sld [smem:$0x3FBA]  }
0x3d: {  	_ =	shalt  }
0x3e: {  	_ =	shalt  }
0x3f: {  	_ =	shalt  }
0x40: {  	_ =	shalt  }
0x41: {  	_ =	shalt  }
0x42: {  	_ =	shalt  }
0x43: {  	_ =	shalt  }
0x44: {  	_ =	shalt  }
0x45: {  	_ =	shalt  }
0x46: {  	_ =	shalt  }
0x47: {  	_ =	shalt  }
0x48: {  	_ =	shalt  }
0x49: {  	_ =	shalt  }
0x4a: {  	_ =	shalt  }
0x4b: {  	_ =	shalt  }
0x4c: {  	_ =	shalt  }
0x4d: {  	_ =	shalt  }
0x4e: {  	_ =	shalt  }
0x4f: {  	_ =	shalt  }
0x50: {  	_ =	shalt  }
0x51: {  	_ =	shalt  }
0x52: {  	_ =	shalt  }
0x53: {  	_ =	shalt  }
0x54: {  	_ =	shalt  }
0x55: {  	_ =	shalt  }
0x56: {  	_ =	shalt  }
0x57: {  	_ =	shalt  }
0x58: {  	_ =	shalt  }
0x59: {  	_ =	shalt  }
0x5a: {  	_ =	shalt  }
0x5b: {  	_ =	shalt  }
0x5c: {  	_ =	shalt  }
0x5d: {  	_ =	shalt  }
0x5e: {  	_ =	shalt  }
0x5f: {  	_ =	shalt  }
0x60: {  	_ =	shalt  }
0x61: {  	_ =	shalt  }
0x62: {  	_ =	shalt  }
0x63: {  	_ =	shalt  }
0x64: {  	_ =	shalt  }
0x65: {  	_ =	shalt  }
0x66: {  	_ =	shalt  }
0x67: {  	_ =	shalt  }
0x68: {  	_ =	shalt  }
0x69: {  	_ =	shalt  }
0x6a: {  	_ =	shalt  }
0x6b: {  	_ =	shalt  }
0x6c: {  	_ =	shalt  }
0x6d: {  	_ =	shalt  }
0x6e: {  	_ =	shalt  }
0x6f: {  	_ =	shalt  }
0x70: {  	_ =	shalt  }
0x71: {  	_ =	shalt  }
0x72: {  	_ =	shalt  }
0x73: {  	_ =	shalt  }
0x74: {  	_ =	shalt  }
0x75: {  	_ =	shalt  }
0x76: {  	_ =	shalt  }
0x77: {  	_ =	shalt  }
0x78: {  	_ =	shalt  }
0x79: {  	_ =	shalt  }
0x7a: {  	_ =	shalt  }
0x7b: {  	_ =	shalt  }
0x7c: {  	_ =	shalt  }
0x7d: {  	_ =	shalt  }
0x7e: {  	_ =	shalt  }
0x7f: {  	_ =	shalt  }
0x80: {  	_ =	shalt  }
0x81: {  	_ =	shalt  }
0x82: {  	_ =	shalt  }
0x83: {  	_ =	shalt  }
0x84: {  	_ =	shalt  }
0x85: {  	_ =	shalt  }
0x86: {  	_ =	shalt  }
0x87: {  	_ =	shalt  }
.Lfunc_end0:
.L_simem_size_0:
called_computation_lowered:
.L_overlay_start_0:
0x88: {  	s2 =	sld [smem:$0x3FD9]  }
0x89: {  	s3 =	sld [smem:$0x3FFE];
	_ =	sdelay $0x1  }
0x8a: {  	s1 =	srdreg.scid  }
0x8b: {  	s0 =	sand.u32 $0x1, s1  }
0x8c: {  	s17 =	sshll.u32 s0, $0xA;
	s2 =	sadd.s32 s3, s2  }
0x8d: {  	s2 =	sadd.s32 s2, s17  }
0x8e: {  	[smem:$0x3FC6] =	sst s2  }
0x8f: {  	_ = 	snop  }
0x90: {  	s2 =	sld [smem:$0x3FD0];
	(tm) =	ssettm $0x1  }
0x91: {  	s18 =	sld [smem:$0x3FFB];
	_ =	sdelay $0x3  }
0x92: {  	_ =	strace s18  }
0x93: {  	s3 =	sld [smem:$0x3FFC];
	_ =	sdelay $0x3  }
0x94: {  	_ =	strace s3  }
0x95: {  	s3 =	sld [smem:$0x3FFD];
	_ =	sdelay $0x3  }
0x96: {  	_ =	strace s3  }
0x97: {  	_ =	strace $0x8FFFFFFF  }
0x98: {  	s19 =	sld [smem:$0x3FDB];
	_ =	sdelay $0x1  }
0x99: {  	s4 =	simm.s32 $_scs_section_size  }
0x9a: {  	s5 =	simm.s32 $_size__tile_overlayer_lowered;
	s6 =	simm.s32 $_tile_overlayer_lowered  }
0x9b: {  	s22 =	simm.s32 $0x1BFF;
	s21 =	sshll.u32 s6, $0x1;
	s3 =	sadd.s32 s4, s19  }
0x9c: {  	s7 =	simm.s32 $0x0;
	s20 =	sshll.u32 s5, $0x1;
	s5 =	sadd.s32 s21, s3  }
0x9d: {  	[timem:s7], [sflag:s22] =	dma.local [hbm:s5], s20  }
0x9e: {  	_ =	swait.ge [sflag:s22], s20  }
0x9f: {  	s4 =	ssub.s32 $0x0, s20;
	[sflag:s22] =	ssyncset.done $0x0  }
0xa0: {  	[sflag:s22] =	ssyncadd.s32 s4;
	_ =	sdelay $0x1  }
0xa1: {  	s23 =	simm.s32 $0x1B8B  }
0xa2: {  	_ =	swait.ge [sflag:s23], $0x1  }
0xa3: {  	[sflag:s23] =	ssyncset.done $0x0  }
0xa4: {  	s25 =	simm.s32 $0x1B8E;
	s24 =	sld [smem:$0x3FFE];
	[sflag:s23] =	ssyncadd.s32 $0xFFFFFFFF  }
0xa5: {  	s26 =	simm.s32 $execute0_lowered;
	[smem:$0x3FD2] =	sst s25  }
0xa6: {  	s5 =	sshll.u32 s26, $0x1;
	_ =	strace $0x80000046;
	[dreg:$0x1] =	wrdreg $0xFFFFFFFF  }
0xa7: {  	s28 =	simm.s32 $_size_execute0_lowered;
	s3 =	sadd.s32 s3, s5;
	[dreg:$0x0] =	wrdreg $0x0  }
0xa8: {  	s5 =	sshll.u32 s28, $0x1;
	[dreg:$0x2] =	wrdreg s3  }
0xa9: {  	[dreg:$0x3] =	wrdreg s5  }
0xaa: {  	[dreg:$0x4] =	wrdreg $0xC0  }
0xab: {  	_ =	task [dreg:s7], $0x5FFFF  }
0xac: {  	[dreg:$0x1] =	wrdreg $0xFFFFFFFF  }
0xad: {  	[dreg:$0x0] =	wrdreg $0x60  }
0xae: {  	[dreg:$0x2] =	wrdreg s2  }
0xaf: {  	[dreg:$0x3] =	wrdreg s24  }
0xb0: {  	[dreg:$0x4] =	wrdreg $0x9  }
0xb1: {  	_ =	task.clear_ibuf [dreg:s7], $0x5FFFF;
	_ =	strace $0x90000046  }
0xb2: {  	s29 =	simm.s32 $0x9;
	_ =	strace $0x80000048  }
0xb3: {  	_ =	swait.ge [sflag:s29], $0x1  }
0xb4: {  	[sflag:s29] =	ssyncadd.s32 $0xFFFFFFFF  }
0xb5: {  	_ =	strace $0x90000048  }
0xb6: {  	_ =	sfence  }
0xb7: {  	s30 =	sld [smem:$0x0];
	_ =	sdelay $0x2  }
0xb8: {  	s31 =	sshll.u32 s1, $0xD;
	s1 =	sshrl.u32 s1, $0x2  }
0xb9: {  	s3 =	sand.u32 $0x4000, s31;
	s1 =	sadd.s32 s1, s30  }
0xba: {  	s0 =	sor.u32 s3, s0;
	s1 =	sshll.u32 s1, $0x11  }
0xbb: {  	s0 =	sor.u32 s1, s0  }
0xbc: {  	s0 =	sadd.s32 $0x8F2B, s0  }
0xbd: {  	[sflag:s0] =	ssyncadd.remote.s32 $0x1  }
0xbe: {  	_ =	sfence.sel $0xFFFF  }
0xbf: {  	[dreg:$0x0] =	wrdreg $0xFFFFFFFF;
	(pc) =	sbr.abs _section_cstart, $3  }
0xc0: {  	[dreg:$0x1] =	wrdreg $0xFFFFFFFF  }
0xc1: {  	_ =	task.clear_ibuf [dreg:s7], $0x2FFFF;
	_ =	strace $0x9FFFFFFF  }
0xc2: {  	(tm) =	ssettm $0x7FFFFFFF  }
0xc3: {  	_ =	shalt  }
tec
execute0_lowered:
.L_overlay_start_1:
0x0: {  	(tag) =	ssettag $0x1  }
0x1: {  	s0 =	rddreg [dreg:$0x0];
	s1 =	srdreg.scid  }
0x2: {  	s4 =	stileid.u32;
	s2 =	rddreg [dreg:$0x1]  }
0x3: {  	s5 =	simm.s32 $0x0;
	s9 =	simm.s32 $0x200;
	s10 =	simm.s32 $0x6A00  }
0x4: {  	v0 =	vlaneseq.u32;
	s11 =	simm.s32 $0xAA00;
	s12 =	simm.s32 $0x1;
	s13 =	simm.s32 $0x80  }
0x5: {  	s14 =	simm.s32 $0x6600;
	s15 =	simm.s32 $0x6680;
	s16 =	simm.s32 $0x7A00;
	v0 =	vmul.u32 $0x4, v0  }
0x6: {  	s17 =	simm.s32 $0x6700;
	s18 =	simm.s32 $0x8A00;
	s19 =	simm.s32 $0x6780  }
0x7: {  	s20 =	simm.s32 $0x9A00;
	s21 =	simm.s32 $0x2;
	s22 =	simm.s32 $0x6800;
	v3 =	vor.u32 $0x40, v0;
	v4 =	vor.u32 $0x80, v0;
	v5 =	vor.u32 $0xC0, v0  }
0x8: {  	s23 =	simm.s32 $0x6880;
	s28 =	simm.s32 $0x6980;
	s29 =	simm.s32 $0xDA00;
	v6 =	vor.u32 $0x100, v0;
	v7 =	vor.u32 $0x140, v0;
	v8 =	vor.u32 $0x180, v0  }
0x9: {  	s30 =	simm.s32 $0x3;
	s31 =	simm.s32 $0x4;
	s1 =	sand.u32 $0x1, s1;
	v9 =	vor.u32 $0x1C0, v0;
	v10 =	vor.u32 $0x1, v0;
	v11 =	vor.u32 $0x41, v0  }
0xa: {  	s3 =	sshll.u32 s4, $0x1;
	[smem:$0x7FF] =	sst s5;
	s7 =	smul.u32 $0xC800, s4;
	v12 =	vor.u32 $0x81, v0;
	v13 =	vor.u32 $0xC1, v0;
	v14 =	vor.u32 $0x101, v0  }
0xb: {  	s3 =	sor.u32 s1, s3;
	s6 =	ssub.s32 $0x2, s1;
	s1 =	smul.u32 $0x6400, s1;
	v15 =	vor.u32 $0x141, v0;
	v16 =	vor.u32 $0x181, v0;
	v17 =	vor.u32 $0x1C1, v0  }
0xc: {  	s4 =	sadd.s32 $0x600, s2;
	_ =	strace $0x80000047;
	s24 =	smul.u32 $0x6400, s3;
	v18 =	vor.u32 $0x2, v0;
	v19 =	vor.u32 $0x42, v0;
	v20 =	vor.u32 $0x82, v0  }
.Ltmp0:
0xd: {  	s3 =	sadd.s32 $0xF42A00, s2;
	s8 =	sshrl.u32 s6, $0x1;
	v21 =	vor.u32 $0xC2, v0;
	v22 =	vor.u32 $0x102, v0;
	v23 =	vor.u32 $0x142, v0;
	(pc) =	sbr.rel .LBB2_1-.Ltmp0, $4  }
0xe: {  	v24 =	vor.u32 $0x182, v0;
	v25 =	vor.u32 $0x1C2, v0;
	v26 =	vor.u32 $0x3, v0;
	s25 =	ssub.s32 s6, s8;
	s8 =	simm.s32 $0x5;
	s5 =	sshrl.u32 s24, $0x3  }
0xf: {  	v27 =	vor.u32 $0x43, v0;
	v1 =	vmov s24;
	v2 =	vor.u32 s24, v0;
	s26 =	smax.u32 s25, $0x1;
	s24 =	simm.s32 $0xBA00;
	s25 =	simm.s32 $0x6900  }
0x10: {  	v28 =	vor.u32 $0x83, v0;
	v29 =	vor.u32 $0xC3, v0;
	v30 =	vor.u32 $0x103, v0;
	s0 =	sadd.s32 s0, s5;
	[dreg:$0x4] =	wrdreg s26;
	s26 =	simm.s32 $0xCA00  }
0x11: {  	v31 =	vor.u32 $0x143, v0;
	v32 =	vor.u32 $0x183, v0;
	v33 =	vor.u32 $0x1C3, v0;
	[dreg:$0x3] =	wrdreg s0;
	s0 =	sadd.s32 s1, s7;
	s1 =	simm.s32 $0x0  }
.LBB2_5:
0x12: {  	_ =	swait.ge [sflag:s30], $0x1000  }
0x13: {  	[sflag:s30] =	ssyncset.done $0x0  }
0x14: {  	[sflag:s30] =	ssyncadd.s32 $0xFFFFF000  }
0x15: {  	_ =	swait.ge [sflag:s30], $0x1000  }
0x16: {  	[sflag:s30] =	ssyncset.done $0x0  }
0x17: {  	[sflag:s30] =	ssyncadd.s32 $0xFFFFF000  }
0x18: {  	_ =	swait.ge [sflag:s30], $0x1000  }
0x19: {  	[sflag:s30] =	ssyncset.done $0x0  }
0x1a: {  	[sflag:s30] =	ssyncadd.s32 $0xFFFFF000  }
0x1b: {  	_ =	swait.ge [sflag:s30], $0x1000  }
0x1c: {  	[sflag:s30] =	ssyncset.done $0x0  }
0x1d: {  	[sflag:s30] =	ssyncadd.s32 $0xFFFFF000  }
0x1e: {  	_ =	swait.ge [sflag:s31], $0x1000  }
0x1f: {  	[sflag:s31] =	ssyncset.done $0x0  }
0x20: {  	[sflag:s31] =	ssyncadd.s32 $0xFFFFF000  }
0x21: {  	_ =	swait.ge [sflag:s31], $0x1000  }
0x22: {  	[sflag:s31] =	ssyncset.done $0x0  }
0x23: {  	[sflag:s31] =	ssyncadd.s32 $0xFFFFF000  }
0x24: {  	_ =	swait.ge [sflag:s31], $0x1000  }
0x25: {  	[sflag:s31] =	ssyncset.done $0x0  }
0x26: {  	[sflag:s31] =	ssyncadd.s32 $0xFFFFF000  }
0x27: {  	_ =	swait.ge [sflag:s31], $0x1000  }
0x28: {  	s1 =	sadd.s32 $0x1, s1;
	s2 =	rddreg [dreg:$0x4]  }
0x29: {  	p0 =	sne.s32 s1, s2  }
.Ltmp1:
0x2a: {  	_ = 	snop;
	(pc) =	sbr.rel @!p0 .LBB2_6-.Ltmp1, $3  }
0x2b: {  	_ =	sdelay $0x1  }
0x2c: {  	[sflag:s31] =	ssyncset.done $0x0  }
0x2d: {  	[sflag:s31] =	ssyncadd.s32 $0xFFFFF000  }
.LBB2_1:
0x2e: {  	s2 =	simm.s32 $0x0;
	s5 =	rddreg [dreg:$0x3]  }
0x2f: {  	[tilespmem:s2], [sflag:$0x5] =	stream.linear.gather [hbm4b:s5+s2], $0x6400, $0x38;
	[tilespmem:$0xEA00] =	vst v63  }
0x30: {  	_ =	swait.ge [sflag:s8], $0x6400  }
0x31: {  	[sflag:s8] =	ssyncset.done $0x0  }
0x32: {  	[sflag:s8] =	ssyncadd.s32 $0xFFFF9C00  }
0x33: {  	[tilespmem:$0x6410] =	vst v3  }
0x34: {  	[tilespmem:$0x6420] =	vst v4  }
0x35: {  	[tilespmem:$0x6430] =	vst v5  }
0x36: {  	[tilespmem:$0x6440] =	vst v6  }
0x37: {  	[tilespmem:$0x6450] =	vst v7  }
0x38: {  	[tilespmem:$0x6460] =	vst v8  }
0x39: {  	[tilespmem:$0x6470] =	vst v9  }
0x3a: {  	[tilespmem:$0x6480] =	vst v10  }
0x3b: {  	[tilespmem:$0x6490] =	vst v11  }
0x3c: {  	[tilespmem:$0x64A0] =	vst v12  }
0x3d: {  	[tilespmem:$0x64B0] =	vst v13  }
0x3e: {  	[tilespmem:$0x64C0] =	vst v14  }
0x3f: {  	[tilespmem:$0x64D0] =	vst v15  }
0x40: {  	[tilespmem:$0x64E0] =	vst v16  }
0x41: {  	[tilespmem:$0x64F0] =	vst v17  }
0x42: {  	[tilespmem:$0x6500] =	vst v18  }
0x43: {  	[tilespmem:$0x6510] =	vst v19  }
0x44: {  	[tilespmem:$0x6520] =	vst v20  }
0x45: {  	[tilespmem:$0x6530] =	vst v21  }
0x46: {  	[tilespmem:$0x6540] =	vst v22  }
0x47: {  	[tilespmem:$0x6550] =	vst v23  }
0x48: {  	[tilespmem:$0x6560] =	vst v24  }
0x49: {  	[tilespmem:$0x6570] =	vst v25  }
0x4a: {  	[tilespmem:$0x6580] =	vst v26  }
0x4b: {  	[tilespmem:$0x6590] =	vst v27  }
0x4c: {  	[tilespmem:$0x65A0] =	vst v28  }
0x4d: {  	[tilespmem:$0x65B0] =	vst v29  }
0x4e: {  	[tilespmem:$0x65C0] =	vst v30;
	v34 =	vld [tilespmem:$0x6410]  }
0x4f: {  	[tilespmem:$0x65D0] =	vst v31;
	v35 =	vld [tilespmem:$0x6420]  }
0x50: {  	[tilespmem:$0x65E0] =	vst v32;
	v36 =	vld [tilespmem:$0x6430]  }
0x51: {  	[tilespmem:$0x65F0] =	vst v33;
	v37 =	vld [tilespmem:$0x6440]  }
0x52: {  	[tilespmem:$0x6400] =	vst v0;
	v38 =	vld [tilespmem:$0x6450]  }
0x53: {  	[tilespmem:$0x6600] =	vst v2;
	v53 =	vld [tilespmem:$0x6470];
	v34 =	vadd.s32 v1, v34  }
0x54: {  	v55 =	vld [tilespmem:$0x6480];
	v35 =	vadd.s32 v1, v35;
	[tilespmem:$0x6610] =	vst v34  }
0x55: {  	v57 =	vld [tilespmem:$0x6490];
	v52 =	vadd.s32 v1, v36;
	[tilespmem:$0x6620] =	vst v35  }
0x56: {  	v61 =	vld [tilespmem:$0x64C0];
	v54 =	vadd.s32 v1, v37;
	[tilespmem:$0x6630] =	vst v52  }
0x57: {  	v63 =	vld [tilespmem:$0x64D0];
	v56 =	vadd.s32 v1, v38;
	[tilespmem:$0x6640] =	vst v54  }
0x58: {  	v44 =	vld [tilespmem:$0x6510];
	v36 =	vadd.s32 v1, v53;
	[tilespmem:$0x6650] =	vst v56  }
0x59: {  	v51 =	vld [tilespmem:$0x6460];
	v60 =	vadd.s32 v1, v55;
	[tilespmem:$0x6670] =	vst v36  }
0x5a: {  	v58 =	vld [tilespmem:$0x64A0];
	v62 =	vadd.s32 v1, v57;
	[tilespmem:$0x6680] =	vst v60  }
0x5b: {  	v40 =	vld [tilespmem:$0x64E0];
	v37 =	vadd.s32 v1, v61;
	[tilespmem:$0x6690] =	vst v62  }
0x5c: {  	v45 =	vld [tilespmem:$0x6520];
	v43 =	vadd.s32 v1, v63;
	[tilespmem:$0x66C0] =	vst v37  }
0x5d: {  	v49 =	vld [tilespmem:$0x6560];
	v38 =	vadd.s32 v1, v44;
	[tilespmem:$0x66D0] =	vst v43  }
0x5e: {  	v59 =	vld [tilespmem:$0x64B0];
	v34 =	vadd.s32 v1, v51;
	[tilespmem:$0x6710] =	vst v38  }
0x5f: {  	v41 =	vld [tilespmem:$0x64F0];
	v35 =	vadd.s32 v1, v58;
	[tilespmem:$0x6660] =	vst v34  }
0x60: {  	v46 =	vld [tilespmem:$0x6530];
	v36 =	vadd.s32 v1, v40;
	[tilespmem:$0x66A0] =	vst v35  }
0x61: {  	v50 =	vld [tilespmem:$0x6570];
	v37 =	vadd.s32 v1, v45;
	[tilespmem:$0x66E0] =	vst v36  }
0x62: {  	v42 =	vld [tilespmem:$0x6500];
	v38 =	vadd.s32 v1, v49;
	[tilespmem:$0x6720] =	vst v37  }
0x63: {  	v47 =	vld [tilespmem:$0x6540];
	v34 =	vadd.s32 v1, v59;
	[tilespmem:$0x6760] =	vst v38  }
0x64: {  	v48 =	vld [tilespmem:$0x6550];
	v35 =	vadd.s32 v1, v41;
	[tilespmem:$0x66B0] =	vst v34  }
0x65: {  	v53 =	vld [tilespmem:$0x65A0];
	v36 =	vadd.s32 v1, v46;
	[tilespmem:$0x66F0] =	vst v35  }
0x66: {  	v55 =	vld [tilespmem:$0x65C0];
	v37 =	vadd.s32 v1, v50;
	[tilespmem:$0x6730] =	vst v36  }
0x67: {  	v57 =	vld [tilespmem:$0x65E0];
	v34 =	vadd.s32 v1, v42;
	[tilespmem:$0x6770] =	vst v37  }
0x68: {  	v51 =	vld [tilespmem:$0x6580];
	v35 =	vadd.s32 v1, v47;
	[tilespmem:$0x6700] =	vst v34  }
0x69: {  	v52 =	vld [tilespmem:$0x6590];
	[tilespmem:$0x6740] =	vst v35;
	v34 =	vadd.s32 v1, v48  }
0x6a: {  	v54 =	vld [tilespmem:$0x65B0];
	[tilespmem:$0x6750] =	vst v34;
	v34 =	vadd.s32 v1, v53  }
0x6b: {  	v56 =	vld [tilespmem:$0x65D0];
	v59 =	vadd.s32 v1, v55;
	[tilespmem:$0x67A0] =	vst v34  }
0x6c: {  	v60 =	vld [tilespmem:$0x65F0];
	v62 =	vadd.s32 v1, v57;
	[tilespmem:$0x67C0] =	vst v59  }
0x6d: {  	v36 =	vadd.s32 v1, v51;
	[tilespmem:$0x67E0] =	vst v62  }
0x6e: {  	v35 =	vadd.s32 v1, v52;
	[tilespmem:$0x6780] =	vst v36  }
0x6f: {  	v58 =	vadd.s32 v1, v54;
	[tilespmem:$0x6790] =	vst v35  }
.Ltmp2:
0x70: {  	v61 =	vadd.s32 v1, v56;
	[tilespmem:$0x67B0] =	vst v58;
	(pc) =	sbr.rel .LBB2_2-.Ltmp2, $4  }
0x71: {  	v63 =	vadd.s32 v1, v60;
	[tilespmem:$0x67D0] =	vst v61  }
0x72: {  	[tilespmem:$0x67F0] =	vst v63  }
0x73: {  	[tilespmem:s10], [sflag:$0x1] =	stream.indirect.gather [hbm4b:s3+s9], $0x20, s2, s9, $0xb8;
	[tilespmem:$0xEA00] =	vst v63  }
0x74: {  	s7 =	smov.u32 s0;
	s2 =	simm.s32 $0x0  }
.LBB2_4:
0x75: {  	_ =	swait.ge [sflag:s21], $0x4000  }
0x76: {  	[sflag:s21] =	ssyncset.done $0x0  }
0x77: {  	s2 =	sadd.s32 $0x1000, s2;
	[sflag:s21] =	ssyncadd.s32 $0xFFFFC000  }
0x78: {  	[hbm4b:s4+s13] =	stream.indirect.scatter [tilespmem:s11], [sflag:$0x4], $0x20, s22, s13, $0xb8;
	[tilespmem:$0xEA00] =	vst v63  }
0x79: {  	p0 =	sne.s32 s2, $0x19000  }
0x7a: {  	[hbm4b:s4+s13] =	stream.indirect.scatter [tilespmem:s24], [sflag:$0x4], $0x20, s23, s13, $0xb8;
	[tilespmem:$0xEA00] =	vst v63  }
.Ltmp3:
0x7b: {  	_ = 	snop;
	(pc) =	sbr.rel @!p0 .LBB2_5-.Ltmp3, $4  }
0x7c: {  	_ = 	snop  }
0x7d: {  	[hbm4b:s4+s13] =	stream.indirect.scatter [tilespmem:s26], [sflag:$0x4], $0x20, s25, s13, $0xb8;
	[tilespmem:$0xEA00] =	vst v63  }
0x7e: {  	s7 =	sadd.s32 $0x400, s7  }
0x7f: {  	[hbm4b:s4+s13] =	stream.indirect.scatter [tilespmem:s29], [sflag:$0x4], $0x20, s28, s13, $0xb8;
	[tilespmem:$0xEA00] =	vst v63  }
.LBB2_2:
0x80: {  	p0 =	seq.s32 s2, $0x0  }
0x81: {  	s5 =	simm.s32 @!p0 $0x4  }
0x82: {  	_ =	swait.ge @!p0 [sflag:s5], $0x1000  }
0x83: {  	[sflag:s5] =	ssyncset.done @!p0 $0x0  }
0x84: {  	[sflag:s5] =	ssyncadd.s32 @!p0 $0xFFFFF000  }
0x85: {  	_ =	swait.ge @!p0 [sflag:s5], $0x1000  }
0x86: {  	[sflag:s5] =	ssyncset.done @!p0 $0x0  }
0x87: {  	[sflag:s5] =	ssyncadd.s32 @!p0 $0xFFFFF000  }
0x88: {  	_ =	swait.ge @!p0 [sflag:s5], $0x1000  }
0x89: {  	[sflag:s5] =	ssyncset.done @!p0 $0x0  }
0x8a: {  	[sflag:s5] =	ssyncadd.s32 @!p0 $0xFFFFF000  }
0x8b: {  	_ =	swait.ge @!p0 [sflag:s5], $0x1000  }
0x8c: {  	[sflag:s5] =	ssyncset.done @!p0 $0x0  }
0x8d: {  	[sflag:s5] =	ssyncadd.s32 @!p0 $0xFFFFF000  }
0x8e: {  	v34 =	vld [tilespmem:$0x6400]  }
0x8f: {  	v35 =	vld [tilespmem:$0x6410]  }
0x90: {  	v36 =	vld [tilespmem:$0x6420]  }
0x91: {  	v37 =	vld [tilespmem:$0x6430]  }
0x92: {  	s6 =	sadd.s32 $0x200, s7;
	v38 =	vld [tilespmem:$0x6440]  }
0x93: {  	v39 =	vld [tilespmem:$0x6450];
	v34 =	vadd.s32 s6, v34  }
0x94: {  	v53 =	vld [tilespmem:$0x6460];
	v52 =	vadd.s32 s6, v35;
	[tilespmem:$0x6800] =	vst v34  }
0x95: {  	v55 =	vld [tilespmem:$0x6470];
	v54 =	vadd.s32 s6, v36;
	[tilespmem:$0x6810] =	vst v52  }
0x96: {  	v57 =	vld [tilespmem:$0x6480];
	v56 =	vadd.s32 s6, v37;
	[tilespmem:$0x6820] =	vst v54  }
0x97: {  	v59 =	vld [tilespmem:$0x6490];
	v58 =	vadd.s32 s6, v38;
	[tilespmem:$0x6830] =	vst v56  }
0x98: {  	v61 =	vld [tilespmem:$0x64A0];
	v60 =	vadd.s32 s6, v39;
	[tilespmem:$0x6840] =	vst v58  }
0x99: {  	v63 =	vld [tilespmem:$0x64B0];
	v62 =	vadd.s32 s6, v53;
	[tilespmem:$0x6850] =	vst v60  }
0x9a: {  	v43 =	vld [tilespmem:$0x64C0];
	v42 =	vadd.s32 s6, v55;
	[tilespmem:$0x6860] =	vst v62  }
0x9b: {  	v45 =	vld [tilespmem:$0x64D0];
	v44 =	vadd.s32 s6, v57;
	[tilespmem:$0x6870] =	vst v42  }
0x9c: {  	v47 =	vld [tilespmem:$0x64E0];
	v46 =	vadd.s32 s6, v59;
	[tilespmem:$0x6880] =	vst v44  }
0x9d: {  	v49 =	vld [tilespmem:$0x64F0];
	v48 =	vadd.s32 s6, v61;
	[tilespmem:$0x6890] =	vst v46  }
0x9e: {  	v51 =	vld [tilespmem:$0x6500];
	v50 =	vadd.s32 s6, v63;
	[tilespmem:$0x68A0] =	vst v48  }
0x9f: {  	v53 =	vld [tilespmem:$0x6510];
	[tilespmem:$0x68B0] =	vst v50;
	v52 =	vadd.s32 s6, v43  }
0xa0: {  	v55 =	vld [tilespmem:$0x6520];
	v54 =	vadd.s32 s6, v45;
	[tilespmem:$0x68C0] =	vst v52  }
0xa1: {  	v57 =	vld [tilespmem:$0x6530];
	v56 =	vadd.s32 s6, v47;
	[tilespmem:$0x68D0] =	vst v54  }
0xa2: {  	v59 =	vld [tilespmem:$0x6540];
	v58 =	vadd.s32 s6, v49;
	[tilespmem:$0x68E0] =	vst v56  }
0xa3: {  	v61 =	vld [tilespmem:$0x6550];
	v60 =	vadd.s32 s6, v51;
	[tilespmem:$0x68F0] =	vst v58  }
0xa4: {  	v63 =	vld [tilespmem:$0x6560];
	[tilespmem:$0x6900] =	vst v60;
	v62 =	vadd.s32 s6, v53  }
0xa5: {  	v42 =	vld [tilespmem:$0x6570];
	v41 =	vadd.s32 s6, v55;
	[tilespmem:$0x6910] =	vst v62  }
0xa6: {  	v44 =	vld [tilespmem:$0x6580];
	v43 =	vadd.s32 s6, v57;
	[tilespmem:$0x6920] =	vst v41  }
0xa7: {  	v46 =	vld [tilespmem:$0x6590];
	v45 =	vadd.s32 s6, v59;
	[tilespmem:$0x6930] =	vst v43  }
0xa8: {  	v48 =	vld [tilespmem:$0x65A0];
	v47 =	vadd.s32 s6, v61;
	[tilespmem:$0x6940] =	vst v45  }
0xa9: {  	v50 =	vld [tilespmem:$0x65B0];
	v49 =	vadd.s32 s6, v63;
	[tilespmem:$0x6950] =	vst v47  }
0xaa: {  	v52 =	vld [tilespmem:$0x65C0];
	[tilespmem:$0x6960] =	vst v49;
	v51 =	vadd.s32 s6, v42  }
0xab: {  	v54 =	vld [tilespmem:$0x65D0];
	v53 =	vadd.s32 s6, v44;
	[tilespmem:$0x6970] =	vst v51  }
0xac: {  	v56 =	vld [tilespmem:$0x65E0];
	v55 =	vadd.s32 s6, v46;
	[tilespmem:$0x6980] =	vst v53  }
0xad: {  	v58 =	vld [tilespmem:$0x65F0];
	v57 =	vadd.s32 s6, v48;
	[tilespmem:$0x6990] =	vst v55  }
0xae: {  	v59 =	vadd.s32 s6, v50;
	[tilespmem:$0x69A0] =	vst v57  }
0xaf: {  	[tilespmem:$0x69B0] =	vst v59;
	v60 =	vadd.s32 s6, v52  }
0xb0: {  	v61 =	vadd.s32 s6, v54;
	[tilespmem:$0x69C0] =	vst v60  }
0xb1: {  	v62 =	vadd.s32 s6, v56;
	[tilespmem:$0x69D0] =	vst v61  }
0xb2: {  	s5 =	sshra.s32 s2, $0x2;
	v63 =	vadd.s32 s6, v58;
	[tilespmem:$0x69E0] =	vst v62  }
0xb3: {  	s6 =	sadd.s32 $0x200, s5;
	[tilespmem:$0x69F0] =	vst v63  }
0xb4: {  	[tilespmem:s11], [sflag:$0x2] =	stream.indirect.gather [hbm4b:s3+s9], $0x20, s6, s9, $0xb8;
	[tilespmem:$0xEA00] =	vst v63  }
0xb5: {  	_ =	swait.ge [sflag:s12], $0x4000  }
0xb6: {  	[sflag:s12] =	ssyncset.done $0x0  }
0xb7: {  	[sflag:s12] =	ssyncadd.s32 $0xFFFFC000  }
0xb8: {  	[hbm4b:s4+s13] =	stream.indirect.scatter [tilespmem:s10], [sflag:$0x3], $0x20, s14, s13, $0xb8;
	[tilespmem:$0xEA00] =	vst v63  }
0xb9: {  	p0 =	seq.s32 s2, $0x18000  }
0xba: {  	[hbm4b:s4+s13] =	stream.indirect.scatter [tilespmem:s16], [sflag:$0x3], $0x20, s15, s13, $0xb8;
	[tilespmem:$0xEA00] =	vst v63  }
.Ltmp4:
0xbb: {  	_ = 	snop;
	(pc) =	sbr.rel @p0 .LBB2_4-.Ltmp4, $4  }
0xbc: {  	_ = 	snop  }
0xbd: {  	[hbm4b:s4+s13] =	stream.indirect.scatter [tilespmem:s18], [sflag:$0x3], $0x20, s17, s13, $0xb8;
	[tilespmem:$0xEA00] =	vst v63  }
0xbe: {  	_ = 	snop  }
0xbf: {  	[hbm4b:s4+s13] =	stream.indirect.scatter [tilespmem:s20], [sflag:$0x3], $0x20, s19, s13, $0xb8;
	[tilespmem:$0xEA00] =	vst v63  }
0xc0: {  	_ =	swait.ge [sflag:s30], $0x1000  }
0xc1: {  	[sflag:s30] =	ssyncset.done $0x0  }
0xc2: {  	[sflag:s30] =	ssyncadd.s32 $0xFFFFF000  }
0xc3: {  	_ =	swait.ge [sflag:s30], $0x1000  }
0xc4: {  	[sflag:s30] =	ssyncset.done $0x0  }
0xc5: {  	[sflag:s30] =	ssyncadd.s32 $0xFFFFF000  }
0xc6: {  	_ =	swait.ge [sflag:s30], $0x1000  }
0xc7: {  	[sflag:s30] =	ssyncset.done $0x0  }
0xc8: {  	[sflag:s30] =	ssyncadd.s32 $0xFFFFF000  }
0xc9: {  	_ =	swait.ge [sflag:s30], $0x1000  }
0xca: {  	[sflag:s30] =	ssyncset.done $0x0  }
0xcb: {  	[sflag:s30] =	ssyncadd.s32 $0xFFFFF000  }
0xcc: {  	v34 =	vld [tilespmem:$0x6400]  }
0xcd: {  	v35 =	vld [tilespmem:$0x6410]  }
0xce: {  	v36 =	vld [tilespmem:$0x6420]  }
0xcf: {  	v37 =	vld [tilespmem:$0x6430]  }
0xd0: {  	s6 =	sadd.s32 $0x400, s7;
	v38 =	vld [tilespmem:$0x6440]  }
0xd1: {  	v39 =	vld [tilespmem:$0x6450];
	v34 =	vadd.s32 s6, v34  }
0xd2: {  	v53 =	vld [tilespmem:$0x6460];
	v52 =	vadd.s32 s6, v35;
	[tilespmem:$0x6600] =	vst v34  }
0xd3: {  	v55 =	vld [tilespmem:$0x6470];
	v54 =	vadd.s32 s6, v36;
	[tilespmem:$0x6610] =	vst v52  }
0xd4: {  	v57 =	vld [tilespmem:$0x6480];
	v56 =	vadd.s32 s6, v37;
	[tilespmem:$0x6620] =	vst v54  }
0xd5: {  	v59 =	vld [tilespmem:$0x6490];
	v58 =	vadd.s32 s6, v38;
	[tilespmem:$0x6630] =	vst v56  }
0xd6: {  	v61 =	vld [tilespmem:$0x64A0];
	v60 =	vadd.s32 s6, v39;
	[tilespmem:$0x6640] =	vst v58  }
0xd7: {  	v63 =	vld [tilespmem:$0x64B0];
	v62 =	vadd.s32 s6, v53;
	[tilespmem:$0x6650] =	vst v60  }
0xd8: {  	v43 =	vld [tilespmem:$0x64C0];
	v42 =	vadd.s32 s6, v55;
	[tilespmem:$0x6660] =	vst v62  }
0xd9: {  	v45 =	vld [tilespmem:$0x64D0];
	v44 =	vadd.s32 s6, v57;
	[tilespmem:$0x6670] =	vst v42  }
0xda: {  	v47 =	vld [tilespmem:$0x64E0];
	v46 =	vadd.s32 s6, v59;
	[tilespmem:$0x6680] =	vst v44  }
0xdb: {  	v49 =	vld [tilespmem:$0x64F0];
	v48 =	vadd.s32 s6, v61;
	[tilespmem:$0x6690] =	vst v46  }
0xdc: {  	v51 =	vld [tilespmem:$0x6500];
	v50 =	vadd.s32 s6, v63;
	[tilespmem:$0x66A0] =	vst v48  }
0xdd: {  	v53 =	vld [tilespmem:$0x6510];
	[tilespmem:$0x66B0] =	vst v50;
	v52 =	vadd.s32 s6, v43  }
0xde: {  	v55 =	vld [tilespmem:$0x6520];
	v54 =	vadd.s32 s6, v45;
	[tilespmem:$0x66C0] =	vst v52  }
0xdf: {  	v57 =	vld [tilespmem:$0x6530];
	v56 =	vadd.s32 s6, v47;
	[tilespmem:$0x66D0] =	vst v54  }
0xe0: {  	v59 =	vld [tilespmem:$0x6540];
	v58 =	vadd.s32 s6, v49;
	[tilespmem:$0x66E0] =	vst v56  }
0xe1: {  	v61 =	vld [tilespmem:$0x6550];
	v60 =	vadd.s32 s6, v51;
	[tilespmem:$0x66F0] =	vst v58  }
0xe2: {  	v63 =	vld [tilespmem:$0x6560];
	[tilespmem:$0x6700] =	vst v60;
	v62 =	vadd.s32 s6, v53  }
0xe3: {  	v42 =	vld [tilespmem:$0x6570];
	v41 =	vadd.s32 s6, v55;
	[tilespmem:$0x6710] =	vst v62  }
0xe4: {  	v44 =	vld [tilespmem:$0x6580];
	v43 =	vadd.s32 s6, v57;
	[tilespmem:$0x6720] =	vst v41  }
0xe5: {  	v46 =	vld [tilespmem:$0x6590];
	v45 =	vadd.s32 s6, v59;
	[tilespmem:$0x6730] =	vst v43  }
0xe6: {  	v48 =	vld [tilespmem:$0x65A0];
	v47 =	vadd.s32 s6, v61;
	[tilespmem:$0x6740] =	vst v45  }
0xe7: {  	v50 =	vld [tilespmem:$0x65B0];
	v49 =	vadd.s32 s6, v63;
	[tilespmem:$0x6750] =	vst v47  }
0xe8: {  	v52 =	vld [tilespmem:$0x65C0];
	[tilespmem:$0x6760] =	vst v49;
	v51 =	vadd.s32 s6, v42  }
0xe9: {  	v54 =	vld [tilespmem:$0x65D0];
	v53 =	vadd.s32 s6, v44;
	[tilespmem:$0x6770] =	vst v51  }
0xea: {  	v56 =	vld [tilespmem:$0x65E0];
	v55 =	vadd.s32 s6, v46;
	[tilespmem:$0x6780] =	vst v53  }
0xeb: {  	v58 =	vld [tilespmem:$0x65F0];
	v57 =	vadd.s32 s6, v48;
	[tilespmem:$0x6790] =	vst v55  }
0xec: {  	v59 =	vadd.s32 s6, v50;
	[tilespmem:$0x67A0] =	vst v57  }
0xed: {  	[tilespmem:$0x67B0] =	vst v59;
	v60 =	vadd.s32 s6, v52  }
.Ltmp5:
0xee: {  	v61 =	vadd.s32 s6, v54;
	[tilespmem:$0x67C0] =	vst v60;
	(pc) =	sbr.rel .LBB2_4-.Ltmp5, $4  }
0xef: {  	v62 =	vadd.s32 s6, v56;
	[tilespmem:$0x67D0] =	vst v61  }
0xf0: {  	v63 =	vadd.s32 s6, v58;
	[tilespmem:$0x67E0] =	vst v62  }
0xf1: {  	s5 =	sadd.s32 $0x400, s5;
	[tilespmem:$0x67F0] =	vst v63  }
0xf2: {  	[tilespmem:s10], [sflag:$0x1] =	stream.indirect.gather [hbm4b:s3+s9], $0x20, s5, s9, $0xb8;
	[tilespmem:$0xEA00] =	vst v63  }
.LBB2_6:
0xf3: {  	_ =	sfence.sel $0x180000  }
0xf4: {  	[bflag:$0x0] =	sbarrier.arrive $0xFFFF  }
0xf5: {  	_ =	strace $0x90000047  }
0xf6: {  	s0 =	stileid.u32;
	[bflag:$0x2] =	sbarrier.arrive $0xFFFF  }
0xf7: {  	p0 =	sne.s32 s0, $0x0;
	s0 =	rddreg [dreg:$0x2]  }
0xf8: {  	s0 =	sadd.s32 @!p0 $0x100000, s0  }
0xf9: {  	[sflag:s0] =	ssyncadd.tile.s32 @!p0 $0x1;
	_ =	shalt  }
.Lfunc_end2:
_tile_overlayer_lowered:
.L_overlay_start_2:
0xfa: {  	(tag) =	ssettag $0x2  }
0xfb: {  	s0 =	rddreg [dreg:$0x0];
	s2 =	stileid.u32  }
0xfc: {  	s1 =	rddreg [dreg:$0x1];
	p0 =	sne.s32 s2, $0x0  }
0xfd: {  	s3 =	rddreg [dreg:$0x2];
	[bflag:$0x3] =	sbarrier.arrive $0xFFFF;
	s2 =	simm.s32 @!p0 $0x1C05  }
0xfe: {  	[timem:s3], [sflag:s2] =	dma.local @!p0 [hbm:s0], s1  }
0xff: {  	s0 =	simm.s32 @!p0 $0x5  }
0x100: {  	_ =	swait.ge @!p0 [sflag:s0], s1  }
0x101: {  	s1 =	ssub.s32 @!p0 $0x0, s1;
	[sflag:s0] =	ssyncset.done @!p0 $0x0  }
0x102: {  	[sflag:s0] =	ssyncadd.s32 @!p0 s1  }
0x103: {  	[bflag:$0x3] =	sbarrier.arrive $0xFFFF  }
0x104: {  	_ =	shalt  }

</sc_bundles>
